<compile_context>
chip_gen: v7x
topology: tpu7x:2x2x1
jax: 0.10.2.dev20260603
libtpu: 0.0.44.dev20260713+nightly
codegen_flags: <defaults>
</compile_context>

<pallas_src>
import functools
import math

import jax
import jax.numpy as jnp
from jax import lax
from jax.experimental import pallas as pl
from jax.experimental.pallas import tpu as pltpu
from jax.experimental.pallas import tpu_sc as plsc

VOCAB = 100000
HID = 64
PAD = -100


_LN_ROWS = 2000


def _ln_body(t_ref, g_ref, b_ref, o_ref):
    h = t_ref[:] * math.sqrt(float(HID))
    m = jnp.mean(h, axis=1, keepdims=True)
    d = h - m
    v = jnp.mean(d * d, axis=1, keepdims=True)
    y = d * lax.rsqrt(v + 1e-5) * g_ref[:] + b_ref[:]
    o_ref[:] = jnp.concatenate([y, jnp.zeros_like(y)], axis=1)


def _normalize_table(table, gamma, beta):
    g2 = gamma.reshape(1, HID)
    b2 = beta.reshape(1, HID)
    return pl.pallas_call(
        _ln_body,
        grid=(VOCAB // _LN_ROWS,),
        in_specs=[
            pl.BlockSpec((_LN_ROWS, HID), lambda i: (i, 0)),
            pl.BlockSpec((1, HID), lambda i: (0, 0)),
            pl.BlockSpec((1, HID), lambda i: (0, 0)),
        ],
        out_specs=pl.BlockSpec((_LN_ROWS, 2 * HID), lambda i: (i, 0)),
        out_shape=jax.ShapeDtypeStruct((VOCAB, 2 * HID), jnp.float32),
    )(table, g2, b2)



_NC = 2
_NS = 16
_NW = _NC * _NS
_NSEQ = 16384
_SEQ = 50
_SL_W = _NSEQ // _NW
_NCHUNK = _SL_W // 2
_G = 2 * _SEQ


@functools.partial(
    pl.kernel,
    mesh=plsc.VectorSubcoreMesh(core_axis_name="c", subcore_axis_name="s"),
    out_type=jax.ShapeDtypeStruct((_NSEQ, _SEQ, HID), jnp.float32),
    scratch_types=[
        pltpu.VMEM((_NCHUNK, _G), jnp.int32),
        [pltpu.VMEM((_G, 2 * HID), jnp.float32) for _ in range(2)],
        [pltpu.VMEM((_SEQ, HID), jnp.float32) for _ in range(4)],
        [pltpu.SemaphoreType.DMA for _ in range(2)],
        [pltpu.SemaphoreType.DMA for _ in range(2)],
    ],
    compiler_params=pltpu.CompilerParams(use_tc_tiling_on_sc=True),
)
def _gather_k(idx_hbm, tab_hbm, out_hbm, idx_v, abufs, bbufs, gsems, wsems):
    wid = lax.axis_index("s") * _NC + lax.axis_index("c")
    sl0 = wid * _SL_W
    pltpu.sync_copy(idx_hbm.at[wid], idx_v)

    def fire(ch, slot):
        pltpu.async_copy(tab_hbm.at[idx_v.at[ch]], abufs[slot], gsems[slot])

    def drain_gather(slot):
        pltpu.make_async_copy(
            tab_hbm.at[idx_v.at[0]], abufs[slot], gsems[slot]
        ).wait()

    def repack(slot, s, bb):
        a = abufs[slot]

        def rows(rg, carry):
            for rr in range(10):
                r = rg * 10 + rr
                for k in range(HID // 16):
                    bb[r, pl.ds(k * 16, 16)] = a[s * _SEQ + r, pl.ds(k * 16, 16)]
            return carry

        lax.fori_loop(0, _SEQ // 10, rows, 0)

    def write(i, bb, slot):
        pltpu.async_copy(bb, out_hbm.at[i], wsems[slot])

    def drain_write(bb, slot):
        pltpu.make_async_copy(bb, out_hbm.at[0], wsems[slot]).wait()

    fire(0, 0)
    fire(1, 1)

    def body(p, carry):
        for slot in range(2):
            ch = 2 * p + slot
            drain_gather(slot)

            @pl.when(p > 0)
            def _():
                drain_write(bbufs[2 * slot], slot)
                drain_write(bbufs[2 * slot + 1], slot)

            repack(slot, 0, bbufs[2 * slot])
            repack(slot, 1, bbufs[2 * slot + 1])
            write(sl0 + 2 * ch, bbufs[2 * slot], slot)
            write(sl0 + 2 * ch + 1, bbufs[2 * slot + 1], slot)

            @pl.when(p < _NCHUNK // 2 - 1)
            def _():
                fire(ch + 2, slot)

        return carry

    lax.fori_loop(0, _NCHUNK // 2, body, 0)

    for slot in range(2):
        drain_write(bbufs[2 * slot], slot)
        drain_write(bbufs[2 * slot + 1], slot)


def kernel(x, table, gamma, beta):
    table_p = _normalize_table(table, gamma, beta)
    x_mapped = jnp.where(x == PAD, VOCAB - 100, x)
    x_mapped = jnp.clip(x_mapped, 0, VOCAB - 1)
    idx3 = x_mapped.reshape(_NW, _NCHUNK, _G)
    return _gather_k(idx3, table_p)

# --- scband reference (transcript-rebuilt; emitter-appended) ---
"""Pipeline reference for scband-token-embedding-58832462020841 (READ-ONLY COPY).

The authoritative reference and input builder live on the scoring server;
editing this copy changes nothing except your own understanding.
"""

import jax, jax.numpy as jnp
import numpy as np
import math

VOCAB = 100000
HID = 64
PAD = -100


def setup_inputs(seed: int = 0) -> dict:
    key = jax.random.key(seed)
    k1, k2 = jax.random.split(key, 2)
    x = jax.random.randint(k1, (16384, 50), 0, VOCAB, dtype=jnp.int32)
    table = jax.random.normal(k2, (VOCAB, HID), dtype=jnp.float32) * 0.02
    # nn.Embedding zeros the padding_idx row (padding_idx=-100 maps to VOCAB-100)
    table = table.at[VOCAB - 100].set(0.0)
    gamma = jnp.ones((HID,), dtype=jnp.float32)
    beta = jnp.zeros((HID,), dtype=jnp.float32)
    return {"x": x, "table": table, "gamma": gamma, "beta": beta}


def _layer_norm(h, gamma, beta, eps=1e-5):
    mean = jnp.mean(h, axis=-1, keepdims=True)
    var = jnp.mean((h - mean) ** 2, axis=-1, keepdims=True)
    return (h - mean) / jnp.sqrt(var + eps) * gamma + beta


def reference(x, table, gamma, beta):
    # validation branch in torch only prints diagnostics; no math effect
    x_mapped = jnp.where(x == PAD, 0, x)
    x_mapped = jnp.clip(x_mapped, 0, VOCAB - 1)
    embedded = jnp.take(table, x_mapped, axis=0) * math.sqrt(HID)
    padding_mask = (x == PAD)[..., None].astype(embedded.dtype)
    embedded = embedded * (1.0 - padding_mask)
    normalized = _layer_norm(embedded, gamma, beta)
    return normalized

if __name__ == "__main__":
    import jax
    _d = setup_inputs()
    print(jax.jit(kernel)(*tuple(_d.values())))

</pallas_src>

<mosaic_0001>
#map = affine_map<(d0, d1) -> (0, 0, 0)>
#map1 = affine_map<(d0, d1) -> (0, 0)>
module attributes {stable_mosaic.version = 14 : i64} {
  func.func @_gather_k(%arg0: i32, %arg1: i32, %arg2: memref<32x256x100xi32, #tpu.memory_space<hbm>>, %arg3: memref<100000x128xf32, #tpu.memory_space<hbm>>, %arg4: memref<16384x50x64xf32, #tpu.memory_space<hbm>>, %arg5: memref<256x100xi32, #tpu.memory_space<vmem>>, %arg6: memref<100x128xf32, #tpu.memory_space<vmem>>, %arg7: memref<100x128xf32, #tpu.memory_space<vmem>>, %arg8: memref<50x64xf32, #tpu.memory_space<vmem>>, %arg9: memref<50x64xf32, #tpu.memory_space<vmem>>, %arg10: memref<50x64xf32, #tpu.memory_space<vmem>>, %arg11: memref<50x64xf32, #tpu.memory_space<vmem>>, %arg12: memref<!tpu.dma_semaphore, #tpu.memory_space<semaphore_mem>>, %arg13: memref<!tpu.dma_semaphore, #tpu.memory_space<semaphore_mem>>, %arg14: memref<!tpu.dma_semaphore, #tpu.memory_space<semaphore_mem>>, %arg15: memref<!tpu.dma_semaphore, #tpu.memory_space<semaphore_mem>>) attributes {dimension_semantics = [#tpu.dimension_semantics<core_parallel>, #tpu.dimension_semantics<subcore_parallel>], iteration_bounds = array<i64: 2, 16>, scalar_prefetch = 0 : i64, scratch_operands = 11 : i64, tpu.core_type = #tpu.core_type<sc_vector_subcore>, window_params = [{transform_indices = #map}, {transform_indices = #map1}, {transform_indices = #map}]} {
    %mul3A = arith.constant 2 : i32
    %mul3A_0 = arith.muli %arg1, %mul3A : i32
    %add3A = arith.addi %mul3A_0, %arg0 : i32
    %mul3A_1 = arith.constant 512 : i32
    %mul3A_2 = arith.muli %add3A, %mul3A_1 : i32
    "tpu.region"() ({
      %run_scoped3A = tpu.sem_alloc : memref<!tpu.dma_semaphore, #tpu.memory_space<semaphore_mem>>
      %dma_start3A_56 = arith.constant 0 : i32
      %dma_start3A_57 = arith.constant 0 : i32
      %dma_start3A_58 = tpu.memref_slice %arg2[%add3A, %dma_start3A_56, %dma_start3A_57] : memref<32x256x100xi32, #tpu.memory_space<hbm>> -> memref<1x256x100xi32, #tpu.memory_space<hbm>>
      %dma_start3A_59 = tpu.memref_squeeze %dma_start3A_58 : memref<1x256x100xi32, #tpu.memory_space<hbm>> -> memref<256x100xi32, #tpu.memory_space<hbm>>
      %dma_start3A_60 = arith.constant 0 : i32
      %dma_start3A_61 = arith.constant 0 : i32
      %dma_start3A_62 = tpu.memref_slice %arg2[%add3A, %dma_start3A_60, %dma_start3A_61] : memref<32x256x100xi32, #tpu.memory_space<hbm>> -> memref<1x256x100xi32, #tpu.memory_space<hbm>>
      %dma_start3A_63 = tpu.memref_squeeze %dma_start3A_62 : memref<1x256x100xi32, #tpu.memory_space<hbm>> -> memref<256x100xi32, #tpu.memory_space<hbm>>
      tpu.enqueue_dma source(%dma_start3A_63 : memref<256x100xi32, #tpu.memory_space<hbm>>) target(%arg5 : memref<256x100xi32, #tpu.memory_space<vmem>>) target_semaphore(%run_scoped3A : memref<!tpu.dma_semaphore, #tpu.memory_space<semaphore_mem>>)
      %dma_wait3A_64 = arith.constant 0 : i32
      %dma_wait3A_65 = arith.constant 0 : i32
      %dma_wait3A_66 = tpu.memref_slice %arg2[%add3A, %dma_wait3A_64, %dma_wait3A_65] : memref<32x256x100xi32, #tpu.memory_space<hbm>> -> memref<1x256x100xi32, #tpu.memory_space<hbm>>
      %dma_wait3A_67 = tpu.memref_squeeze %dma_wait3A_66 : memref<1x256x100xi32, #tpu.memory_space<hbm>> -> memref<256x100xi32, #tpu.memory_space<hbm>>
      %dma_wait3A_68 = arith.constant 0 : i32
      %dma_wait3A_69 = arith.constant 0 : i32
      %dma_wait3A_70 = tpu.memref_slice %arg2[%add3A, %dma_wait3A_68, %dma_wait3A_69] : memref<32x256x100xi32, #tpu.memory_space<hbm>> -> memref<1x256x100xi32, #tpu.memory_space<hbm>>
      %dma_wait3A_71 = tpu.memref_squeeze %dma_wait3A_70 : memref<1x256x100xi32, #tpu.memory_space<hbm>> -> memref<256x100xi32, #tpu.memory_space<hbm>>
      tpu.wait_dma2 semaphore(%run_scoped3A : memref<!tpu.dma_semaphore, #tpu.memory_space<semaphore_mem>>) src(%dma_wait3A_71 : memref<256x100xi32, #tpu.memory_space<hbm>>) dst(%arg5 : memref<256x100xi32, #tpu.memory_space<vmem>>)
      tpu.yield
    }) : () -> ()
    %dma_start3A = arith.constant 0 : i32
    %dma_start3A_3 = arith.constant 0 : i32
    %dma_start3A_4 = tpu.memref_slice %arg5[%dma_start3A, %dma_start3A_3] : memref<256x100xi32, #tpu.memory_space<vmem>> -> memref<1x100xi32, #tpu.memory_space<vmem>>
    %dma_start3A_5 = tpu.memref_squeeze %dma_start3A_4 : memref<1x100xi32, #tpu.memory_space<vmem>> -> memref<100xi32, #tpu.memory_space<vmem>>
    %dma_start3A_6 = arith.constant 0 : i32
    %dma_start3A_7 = arith.constant 0 : i32
    %dma_start3A_8 = tpu.memref_slice %arg3[%dma_start3A_6, %dma_start3A_7] : memref<100000x128xf32, #tpu.memory_space<hbm>> -> memref<100000x128xf32, #tpu.memory_space<hbm>>
    tpu.enqueue_indirect_dma source(%dma_start3A_8 : memref<100000x128xf32, #tpu.memory_space<hbm>>) target(%arg6 : memref<100x128xf32, #tpu.memory_space<vmem>>) offsets(%dma_start3A_5 : memref<100xi32, #tpu.memory_space<vmem>>) semaphore(%arg12 : memref<!tpu.dma_semaphore, #tpu.memory_space<semaphore_mem>>)
    %dma_start3A_9 = arith.constant 1 : i32
    %dma_start3A_10 = arith.constant 0 : i32
    %dma_start3A_11 = tpu.memref_slice %arg5[%dma_start3A_9, %dma_start3A_10] : memref<256x100xi32, #tpu.memory_space<vmem>> -> memref<1x100xi32, #tpu.memory_space<vmem>>
    %dma_start3A_12 = tpu.memref_squeeze %dma_start3A_11 : memref<1x100xi32, #tpu.memory_space<vmem>> -> memref<100xi32, #tpu.memory_space<vmem>>
    %dma_start3A_13 = arith.constant 0 : i32
    %dma_start3A_14 = arith.constant 0 : i32
    %dma_start3A_15 = tpu.memref_slice %arg3[%dma_start3A_13, %dma_start3A_14] : memref<100000x128xf32, #tpu.memory_space<hbm>> -> memref<100000x128xf32, #tpu.memory_space<hbm>>
    tpu.enqueue_indirect_dma source(%dma_start3A_15 : memref<100000x128xf32, #tpu.memory_space<hbm>>) target(%arg7 : memref<100x128xf32, #tpu.memory_space<vmem>>) offsets(%dma_start3A_12 : memref<100xi32, #tpu.memory_space<vmem>>) semaphore(%arg13 : memref<!tpu.dma_semaphore, #tpu.memory_space<semaphore_mem>>)
    %scan3A = arith.constant 0 : i32
    %scan3A_16 = arith.constant 0 : i32
    %scan3A_17 = arith.constant 128 : i32
    %scan3A_18 = arith.addi %scan3A_16, %scan3A_17 : i32
    %scan3A_19 = arith.constant 1 : i32
    scf.for %scan3A_56 = %scan3A_16 to %scan3A_18 step %scan3A_19  : i32 {
      %mul3A_57 = arith.constant 2 : i32
      %mul3A_58 = arith.muli %mul3A_57, %scan3A_56 : i32
      %add3A_59 = arith.constant 0 : i32
      %add3A_60 = arith.addi %mul3A_58, %add3A_59 : i32
      %dma_wait3A_61 = arith.constant 0 : i32
      %dma_wait3A_62 = arith.constant 0 : i32
      %dma_wait3A_63 = tpu.memref_slice %arg5[%dma_wait3A_61, %dma_wait3A_62] : memref<256x100xi32, #tpu.memory_space<vmem>> -> memref<1x100xi32, #tpu.memory_space<vmem>>
      %dma_wait3A_64 = tpu.memref_squeeze %dma_wait3A_63 : memref<1x100xi32, #tpu.memory_space<vmem>> -> memref<100xi32, #tpu.memory_space<vmem>>
      %dma_wait3A_65 = arith.constant 0 : i32
      %dma_wait3A_66 = arith.constant 0 : i32
      %dma_wait3A_67 = tpu.memref_slice %arg3[%dma_wait3A_65, %dma_wait3A_66] : memref<100000x128xf32, #tpu.memory_space<hbm>> -> memref<100000x128xf32, #tpu.memory_space<hbm>>
      tpu.wait_indirect_dma semaphore(%arg12 : memref<!tpu.dma_semaphore, #tpu.memory_space<semaphore_mem>>) src(%dma_wait3A_67 : memref<100000x128xf32, #tpu.memory_space<hbm>>) dst(%arg6 : memref<100x128xf32, #tpu.memory_space<vmem>>)
      %gt3A = arith.constant 0 : i32
      %gt3A_68 = arith.cmpi sgt, %scan3A_56, %gt3A : i32
      %convert_element_type3A = arith.extui %gt3A_68 : i1 to i32
      %cond3A = arith.constant 0 : i32
      %cond3A_69 = arith.cmpi ne, %convert_element_type3A, %cond3A : i32
      scf.if %cond3A_69 {
        %dma_wait3A_167 = arith.constant 0 : i32
        %dma_wait3A_168 = arith.constant 0 : i32
        %dma_wait3A_169 = arith.constant 0 : i32
        %dma_wait3A_170 = tpu.memref_slice %arg4[%dma_wait3A_167, %dma_wait3A_168, %dma_wait3A_169] : memref<16384x50x64xf32, #tpu.memory_space<hbm>> -> memref<1x50x64xf32, #tpu.memory_space<hbm>>
        %dma_wait3A_171 = tpu.memref_squeeze %dma_wait3A_170 : memref<1x50x64xf32, #tpu.memory_space<hbm>> -> memref<50x64xf32, #tpu.memory_space<hbm>>
        %dma_wait3A_172 = arith.constant 0 : i32
        %dma_wait3A_173 = arith.constant 0 : i32
        %dma_wait3A_174 = tpu.memref_slice %arg4[%dma_wait3A_167, %dma_wait3A_172, %dma_wait3A_173] : memref<16384x50x64xf32, #tpu.memory_space<hbm>> -> memref<1x50x64xf32, #tpu.memory_space<hbm>>
        %dma_wait3A_175 = tpu.memref_squeeze %dma_wait3A_174 : memref<1x50x64xf32, #tpu.memory_space<hbm>> -> memref<50x64xf32, #tpu.memory_space<hbm>>
        tpu.wait_dma2 semaphore(%arg14 : memref<!tpu.dma_semaphore, #tpu.memory_space<semaphore_mem>>) src(%arg8 : memref<50x64xf32, #tpu.memory_space<vmem>>) dst(%dma_wait3A_175 : memref<50x64xf32, #tpu.memory_space<hbm>>)
        %dma_wait3A_176 = arith.constant 0 : i32
        %dma_wait3A_177 = arith.constant 0 : i32
        %dma_wait3A_178 = arith.constant 0 : i32
        %dma_wait3A_179 = tpu.memref_slice %arg4[%dma_wait3A_176, %dma_wait3A_177, %dma_wait3A_178] : memref<16384x50x64xf32, #tpu.memory_space<hbm>> -> memref<1x50x64xf32, #tpu.memory_space<hbm>>
        %dma_wait3A_180 = tpu.memref_squeeze %dma_wait3A_179 : memref<1x50x64xf32, #tpu.memory_space<hbm>> -> memref<50x64xf32, #tpu.memory_space<hbm>>
        %dma_wait3A_181 = arith.constant 0 : i32
        %dma_wait3A_182 = arith.constant 0 : i32
        %dma_wait3A_183 = tpu.memref_slice %arg4[%dma_wait3A_176, %dma_wait3A_181, %dma_wait3A_182] : memref<16384x50x64xf32, #tpu.memory_space<hbm>> -> memref<1x50x64xf32, #tpu.memory_space<hbm>>
        %dma_wait3A_184 = tpu.memref_squeeze %dma_wait3A_183 : memref<1x50x64xf32, #tpu.memory_space<hbm>> -> memref<50x64xf32, #tpu.memory_space<hbm>>
        tpu.wait_dma2 semaphore(%arg14 : memref<!tpu.dma_semaphore, #tpu.memory_space<semaphore_mem>>) src(%arg9 : memref<50x64xf32, #tpu.memory_space<vmem>>) dst(%dma_wait3A_184 : memref<50x64xf32, #tpu.memory_space<hbm>>)
      } else {
      }
      %scan3A_70 = arith.constant 0 : i32
      %scan3A_71 = arith.constant 0 : i32
      %scan3A_72 = arith.constant 5 : i32
      %scan3A_73 = arith.addi %scan3A_71, %scan3A_72 : i32
      %scan3A_74 = arith.constant 1 : i32
      scf.for %scan3A_167 = %scan3A_71 to %scan3A_73 step %scan3A_74  : i32 {
        %mul3A_168 = arith.constant 10 : i32
        %mul3A_169 = arith.muli %scan3A_167, %mul3A_168 : i32
        %add3A_170 = arith.constant 0 : i32
        %add3A_171 = arith.addi %mul3A_169, %add3A_170 : i32
        %add3A_172 = arith.constant 0 : i32
        %add3A_173 = arith.addi %add3A_172, %add3A_171 : i32
        %get3A = arith.index_cast %add3A_173 : i32 to index
        %get3A_174 = arith.constant 0 : index
        %get3A_175 = tpu.vector_load %arg6[%get3A, %get3A_174] {strides = array<i32>} : memref<100x128xf32, #tpu.memory_space<vmem>>, vector<1x16xf32>,
        %get3A_176 = vector.shape_cast %get3A_175 : vector<1x16xf32> to vector<16xf32>
        %swap3A = arith.index_cast %add3A_171 : i32 to index
        %swap3A_177 = arith.constant 0 : index
        %swap3A_178 = tpu.vector_load %arg8[%swap3A, %swap3A_177] {strides = array<i32>} : memref<50x64xf32, #tpu.memory_space<vmem>>, vector<1x16xf32>,
        %swap3A_179 = vector.shape_cast %swap3A_178 : vector<1x16xf32> to vector<16xf32>
        %swap3A_180 = vector.shape_cast %get3A_176 : vector<16xf32> to vector<1x16xf32>
        tpu.vector_store %arg8[%swap3A, %swap3A_177], %swap3A_180 {strides = array<i32>} : memref<50x64xf32, #tpu.memory_space<vmem>>, vector<1x16xf32>,
        %add3A_181 = arith.constant 0 : i32
        %add3A_182 = arith.addi %add3A_181, %add3A_171 : i32
        %get3A_183 = arith.index_cast %add3A_182 : i32 to index
        %get3A_184 = arith.constant 16 : index
        %get3A_185 = tpu.vector_load %arg6[%get3A_183, %get3A_184] {strides = array<i32>} : memref<100x128xf32, #tpu.memory_space<vmem>>, vector<1x16xf32>,
        %get3A_186 = vector.shape_cast %get3A_185 : vector<1x16xf32> to vector<16xf32>
        %swap3A_187 = arith.index_cast %add3A_171 : i32 to index
        %swap3A_188 = arith.constant 16 : index
        %swap3A_189 = tpu.vector_load %arg8[%swap3A_187, %swap3A_188] {strides = array<i32>} : memref<50x64xf32, #tpu.memory_space<vmem>>, vector<1x16xf32>,
        %swap3A_190 = vector.shape_cast %swap3A_189 : vector<1x16xf32> to vector<16xf32>
        %swap3A_191 = vector.shape_cast %get3A_186 : vector<16xf32> to vector<1x16xf32>
        tpu.vector_store %arg8[%swap3A_187, %swap3A_188], %swap3A_191 {strides = array<i32>} : memref<50x64xf32, #tpu.memory_space<vmem>>, vector<1x16xf32>,
        %add3A_192 = arith.constant 0 : i32
        %add3A_193 = arith.addi %add3A_192, %add3A_171 : i32
        %get3A_194 = arith.index_cast %add3A_193 : i32 to index
        %get3A_195 = arith.constant 32 : index
        %get3A_196 = tpu.vector_load %arg6[%get3A_194, %get3A_195] {strides = array<i32>} : memref<100x128xf32, #tpu.memory_space<vmem>>, vector<1x16xf32>,
        %get3A_197 = vector.shape_cast %get3A_196 : vector<1x16xf32> to vector<16xf32>
        %swap3A_198 = arith.index_cast %add3A_171 : i32 to index
        %swap3A_199 = arith.constant 32 : index
        %swap3A_200 = tpu.vector_load %arg8[%swap3A_198, %swap3A_199] {strides = array<i32>} : memref<50x64xf32, #tpu.memory_space<vmem>>, vector<1x16xf32>,
        %swap3A_201 = vector.shape_cast %swap3A_200 : vector<1x16xf32> to vector<16xf32>
        %swap3A_202 = vector.shape_cast %get3A_197 : vector<16xf32> to vector<1x16xf32>
        tpu.vector_store %arg8[%swap3A_198, %swap3A_199], %swap3A_202 {strides = array<i32>} : memref<50x64xf32, #tpu.memory_space<vmem>>, vector<1x16xf32>,
        %add3A_203 = arith.constant 0 : i32
        %add3A_204 = arith.addi %add3A_203, %add3A_171 : i32
        %get3A_205 = arith.index_cast %add3A_204 : i32 to index
        %get3A_206 = arith.constant 48 : index
        %get3A_207 = tpu.vector_load %arg6[%get3A_205, %get3A_206] {strides = array<i32>} : memref<100x128xf32, #tpu.memory_space<vmem>>, vector<1x16xf32>,
        %get3A_208 = vector.shape_cast %get3A_207 : vector<1x16xf32> to vector<16xf32>
        %swap3A_209 = arith.index_cast %add3A_171 : i32 to index
        %swap3A_210 = arith.constant 48 : index
        %swap3A_211 = tpu.vector_load %arg8[%swap3A_209, %swap3A_210] {strides = array<i32>} : memref<50x64xf32, #tpu.memory_space<vmem>>, vector<1x16xf32>,
        %swap3A_212 = vector.shape_cast %swap3A_211 : vector<1x16xf32> to vector<16xf32>
        %swap3A_213 = vector.shape_cast %get3A_208 : vector<16xf32> to vector<1x16xf32>
        tpu.vector_store %arg8[%swap3A_209, %swap3A_210], %swap3A_213 {strides = array<i32>} : memref<50x64xf32, #tpu.memory_space<vmem>>, vector<1x16xf32>,
        %mul3A_214 = arith.constant 10 : i32
        %mul3A_215 = arith.muli %scan3A_167, %mul3A_214 : i32
        %add3A_216 = arith.constant 1 : i32
        %add3A_217 = arith.addi %mul3A_215, %add3A_216 : i32
        %add3A_218 = arith.constant 0 : i32
        %add3A_219 = arith.addi %add3A_218, %add3A_217 : i32
        %get3A_220 = arith.index_cast %add3A_219 : i32 to index
        %get3A_221 = arith.constant 0 : index
        %get3A_222 = tpu.vector_load %arg6[%get3A_220, %get3A_221] {strides = array<i32>} : memref<100x128xf32, #tpu.memory_space<vmem>>, vector<1x16xf32>,
        %get3A_223 = vector.shape_cast %get3A_222 : vector<1x16xf32> to vector<16xf32>
        %swap3A_224 = arith.index_cast %add3A_217 : i32 to index
        %swap3A_225 = arith.constant 0 : index
        %swap3A_226 = tpu.vector_load %arg8[%swap3A_224, %swap3A_225] {strides = array<i32>} : memref<50x64xf32, #tpu.memory_space<vmem>>, vector<1x16xf32>,
        %swap3A_227 = vector.shape_cast %swap3A_226 : vector<1x16xf32> to vector<16xf32>
        %swap3A_228 = vector.shape_cast %get3A_223 : vector<16xf32> to vector<1x16xf32>
        tpu.vector_store %arg8[%swap3A_224, %swap3A_225], %swap3A_228 {strides = array<i32>} : memref<50x64xf32, #tpu.memory_space<vmem>>, vector<1x16xf32>,
        %add3A_229 = arith.constant 0 : i32
        %add3A_230 = arith.addi %add3A_229, %add3A_217 : i32
        %get3A_231 = arith.index_cast %add3A_230 : i32 to index
        %get3A_232 = arith.constant 16 : index
        %get3A_233 = tpu.vector_load %arg6[%get3A_231, %get3A_232] {strides = array<i32>} : memref<100x128xf32, #tpu.memory_space<vmem>>, vector<1x16xf32>,
        %get3A_234 = vector.shape_cast %get3A_233 : vector<1x16xf32> to vector<16xf32>
        %swap3A_235 = arith.index_cast %add3A_217 : i32 to index
        %swap3A_236 = arith.constant 16 : index
        %swap3A_237 = tpu.vector_load %arg8[%swap3A_235, %swap3A_236] {strides = array<i32>} : memref<50x64xf32, #tpu.memory_space<vmem>>, vector<1x16xf32>,
        %swap3A_238 = vector.shape_cast %swap3A_237 : vector<1x16xf32> to vector<16xf32>
        %swap3A_239 = vector.shape_cast %get3A_234 : vector<16xf32> to vector<1x16xf32>
        tpu.vector_store %arg8[%swap3A_235, %swap3A_236], %swap3A_239 {strides = array<i32>} : memref<50x64xf32, #tpu.memory_space<vmem>>, vector<1x16xf32>,
        %add3A_240 = arith.constant 0 : i32
        %add3A_241 = arith.addi %add3A_240, %add3A_217 : i32
        %get3A_242 = arith.index_cast %add3A_241 : i32 to index
        %get3A_243 = arith.constant 32 : index
        %get3A_244 = tpu.vector_load %arg6[%get3A_242, %get3A_243] {strides = array<i32>} : memref<100x128xf32, #tpu.memory_space<vmem>>, vector<1x16xf32>,
        %get3A_245 = vector.shape_cast %get3A_244 : vector<1x16xf32> to vector<16xf32>
        %swap3A_246 = arith.index_cast %add3A_217 : i32 to index
        %swap3A_247 = arith.constant 32 : index
        %swap3A_248 = tpu.vector_load %arg8[%swap3A_246, %swap3A_247] {strides = array<i32>} : memref<50x64xf32, #tpu.memory_space<vmem>>, vector<1x16xf32>,
        %swap3A_249 = vector.shape_cast %swap3A_248 : vector<1x16xf32> to vector<16xf32>
        %swap3A_250 = vector.shape_cast %get3A_245 : vector<16xf32> to vector<1x16xf32>
        tpu.vector_store %arg8[%swap3A_246, %swap3A_247], %swap3A_250 {strides = array<i32>} : memref<50x64xf32, #tpu.memory_space<vmem>>, vector<1x16xf32>,
        %add3A_251 = arith.constant 0 : i32
        %add3A_252 = arith.addi %add3A_251, %add3A_217 : i32
        %get3A_253 = arith.index_cast %add3A_252 : i32 to index
        %get3A_254 = arith.constant 48 : index
        %get3A_255 = tpu.vector_load %arg6[%get3A_253, %get3A_254] {strides = array<i32>} : memref<100x128xf32, #tpu.memory_space<vmem>>, vector<1x16xf32>,
        %get3A_256 = vector.shape_cast %get3A_255 : vector<1x16xf32> to vector<16xf32>
        %swap3A_257 = arith.index_cast %add3A_217 : i32 to index
        %swap3A_258 = arith.constant 48 : index
        %swap3A_259 = tpu.vector_load %arg8[%swap3A_257, %swap3A_258] {strides = array<i32>} : memref<50x64xf32, #tpu.memory_space<vmem>>, vector<1x16xf32>,
        %swap3A_260 = vector.shape_cast %swap3A_259 : vector<1x16xf32> to vector<16xf32>
        %swap3A_261 = vector.shape_cast %get3A_256 : vector<16xf32> to vector<1x16xf32>
        tpu.vector_store %arg8[%swap3A_257, %swap3A_258], %swap3A_261 {strides = array<i32>} : memref<50x64xf32, #tpu.memory_space<vmem>>, vector<1x16xf32>,
        %mul3A_262 = arith.constant 10 : i32
        %mul3A_263 = arith.muli %scan3A_167, %mul3A_262 : i32
        %add3A_264 = arith.constant 2 : i32
        %add3A_265 = arith.addi %mul3A_263, %add3A_264 : i32
        %add3A_266 = arith.constant 0 : i32
        %add3A_267 = arith.addi %add3A_266, %add3A_265 : i32
        %get3A_268 = arith.index_cast %add3A_267 : i32 to index
        %get3A_269 = arith.constant 0 : index
        %get3A_270 = tpu.vector_load %arg6[%get3A_268, %get3A_269] {strides = array<i32>} : memref<100x128xf32, #tpu.memory_space<vmem>>, vector<1x16xf32>,
        %get3A_271 = vector.shape_cast %get3A_270 : vector<1x16xf32> to vector<16xf32>
        %swap3A_272 = arith.index_cast %add3A_265 : i32 to index
        %swap3A_273 = arith.constant 0 : index
        %swap3A_274 = tpu.vector_load %arg8[%swap3A_272, %swap3A_273] {strides = array<i32>} : memref<50x64xf32, #tpu.memory_space<vmem>>, vector<1x16xf32>,
        %swap3A_275 = vector.shape_cast %swap3A_274 : vector<1x16xf32> to vector<16xf32>
        %swap3A_276 = vector.shape_cast %get3A_271 : vector<16xf32> to vector<1x16xf32>
        tpu.vector_store %arg8[%swap3A_272, %swap3A_273], %swap3A_276 {strides = array<i32>} : memref<50x64xf32, #tpu.memory_space<vmem>>, vector<1x16xf32>,
        %add3A_277 = arith.constant 0 : i32
        %add3A_278 = arith.addi %add3A_277, %add3A_265 : i32
        %get3A_279 = arith.index_cast %add3A_278 : i32 to index
        %get3A_280 = arith.constant 16 : index
        %get3A_281 = tpu.vector_load %arg6[%get3A_279, %get3A_280] {strides = array<i32>} : memref<100x128xf32, #tpu.memory_space<vmem>>, vector<1x16xf32>,
        %get3A_282 = vector.shape_cast %get3A_281 : vector<1x16xf32> to vector<16xf32>
        %swap3A_283 = arith.index_cast %add3A_265 : i32 to index
        %swap3A_284 = arith.constant 16 : index
        %swap3A_285 = tpu.vector_load %arg8[%swap3A_283, %swap3A_284] {strides = array<i32>} : memref<50x64xf32, #tpu.memory_space<vmem>>, vector<1x16xf32>,
        %swap3A_286 = vector.shape_cast %swap3A_285 : vector<1x16xf32> to vector<16xf32>
        %swap3A_287 = vector.shape_cast %get3A_282 : vector<16xf32> to vector<1x16xf32>
        tpu.vector_store %arg8[%swap3A_283, %swap3A_284], %swap3A_287 {strides = array<i32>} : memref<50x64xf32, #tpu.memory_space<vmem>>, vector<1x16xf32>,
        %add3A_288 = arith.constant 0 : i32
        %add3A_289 = arith.addi %add3A_288, %add3A_265 : i32
        %get3A_290 = arith.index_cast %add3A_289 : i32 to index
        %get3A_291 = arith.constant 32 : index
        %get3A_292 = tpu.vector_load %arg6[%get3A_290, %get3A_291] {strides = array<i32>} : memref<100x128xf32, #tpu.memory_space<vmem>>, vector<1x16xf32>,
        %get3A_293 = vector.shape_cast %get3A_292 : vector<1x16xf32> to vector<16xf32>
        %swap3A_294 = arith.index_cast %add3A_265 : i32 to index
        %swap3A_295 = arith.constant 32 : index
        %swap3A_296 = tpu.vector_load %arg8[%swap3A_294, %swap3A_295] {strides = array<i32>} : memref<50x64xf32, #tpu.memory_space<vmem>>, vector<1x16xf32>,
        %swap3A_297 = vector.shape_cast %swap3A_296 : vector<1x16xf32> to vector<16xf32>
        %swap3A_298 = vector.shape_cast %get3A_293 : vector<16xf32> to vector<1x16xf32>
        tpu.vector_store %arg8[%swap3A_294, %swap3A_295], %swap3A_298 {strides = array<i32>} : memref<50x64xf32, #tpu.memory_space<vmem>>, vector<1x16xf32>,
        %add3A_299 = arith.constant 0 : i32
        %add3A_300 = arith.addi %add3A_299, %add3A_265 : i32
        %get3A_301 = arith.index_cast %add3A_300 : i32 to index
        %get3A_302 = arith.constant 48 : index
        %get3A_303 = tpu.vector_load %arg6[%get3A_301, %get3A_302] {strides = array<i32>} : memref<100x128xf32, #tpu.memory_space<vmem>>, vector<1x16xf32>,
        %get3A_304 = vector.shape_cast %get3A_303 : vector<1x16xf32> to vector<16xf32>
        %swap3A_305 = arith.index_cast %add3A_265 : i32 to index
        %swap3A_306 = arith.constant 48 : index
        %swap3A_307 = tpu.vector_load %arg8[%swap3A_305, %swap3A_306] {strides = array<i32>} : memref<50x64xf32, #tpu.memory_space<vmem>>, vector<1x16xf32>,
        %swap3A_308 = vector.shape_cast %swap3A_307 : vector<1x16xf32> to vector<16xf32>
        %swap3A_309 = vector.shape_cast %get3A_304 : vector<16xf32> to vector<1x16xf32>
        tpu.vector_store %arg8[%swap3A_305, %swap3A_306], %swap3A_309 {strides = array<i32>} : memref<50x64xf32, #tpu.memory_space<vmem>>, vector<1x16xf32>,
        %mul3A_310 = arith.constant 10 : i32
        %mul3A_311 = arith.muli %scan3A_167, %mul3A_310 : i32
        %add3A_312 = arith.constant 3 : i32
        %add3A_313 = arith.addi %mul3A_311, %add3A_312 : i32
        %add3A_314 = arith.constant 0 : i32
        %add3A_315 = arith.addi %add3A_314, %add3A_313 : i32
        %get3A_316 = arith.index_cast %add3A_315 : i32 to index
        %get3A_317 = arith.constant 0 : index
        %get3A_318 = tpu.vector_load %arg6[%get3A_316, %get3A_317] {strides = array<i32>} : memref<100x128xf32, #tpu.memory_space<vmem>>, vector<1x16xf32>,
        %get3A_319 = vector.shape_cast %get3A_318 : vector<1x16xf32> to vector<16xf32>
        %swap3A_320 = arith.index_cast %add3A_313 : i32 to index
        %swap3A_321 = arith.constant 0 : index
        %swap3A_322 = tpu.vector_load %arg8[%swap3A_320, %swap3A_321] {strides = array<i32>} : memref<50x64xf32, #tpu.memory_space<vmem>>, vector<1x16xf32>,
        %swap3A_323 = vector.shape_cast %swap3A_322 : vector<1x16xf32> to vector<16xf32>
        %swap3A_324 = vector.shape_cast %get3A_319 : vector<16xf32> to vector<1x16xf32>
        tpu.vector_store %arg8[%swap3A_320, %swap3A_321], %swap3A_324 {strides = array<i32>} : memref<50x64xf32, #tpu.memory_space<vmem>>, vector<1x16xf32>,
        %add3A_325 = arith.constant 0 : i32
        %add3A_326 = arith.addi %add3A_325, %add3A_313 : i32
        %get3A_327 = arith.index_cast %add3A_326 : i32 to index
        %get3A_328 = arith.constant 16 : index
        %get3A_329 = tpu.vector_load %arg6[%get3A_327, %get3A_328] {strides = array<i32>} : memref<100x128xf32, #tpu.memory_space<vmem>>, vector<1x16xf32>,
        %get3A_330 = vector.shape_cast %get3A_329 : vector<1x16xf32> to vector<16xf32>
        %swap3A_331 = arith.index_cast %add3A_313 : i32 to index
        %swap3A_332 = arith.constant 16 : index
        %swap3A_333 = tpu.vector_load %arg8[%swap3A_331, %swap3A_332] {strides = array<i32>} : memref<50x64xf32, #tpu.memory_space<vmem>>, vector<1x16xf32>,
        %swap3A_334 = vector.shape_cast %swap3A_333 : vector<1x16xf32> to vector<16xf32>
        %swap3A_335 = vector.shape_cast %get3A_330 : vector<16xf32> to vector<1x16xf32>
        tpu.vector_store %arg8[%swap3A_331, %swap3A_332], %swap3A_335 {strides = array<i32>} : memref<50x64xf32, #tpu.memory_space<vmem>>, vector<1x16xf32>,
        %add3A_336 = arith.constant 0 : i32
        %add3A_337 = arith.addi %add3A_336, %add3A_313 : i32
        %get3A_338 = arith.index_cast %add3A_337 : i32 to index
        %get3A_339 = arith.constant 32 : index
        %get3A_340 = tpu.vector_load %arg6[%get3A_338, %get3A_339] {strides = array<i32>} : memref<100x128xf32, #tpu.memory_space<vmem>>, vector<1x16xf32>,
        %get3A_341 = vector.shape_cast %get3A_340 : vector<1x16xf32> to vector<16xf32>
        %swap3A_342 = arith.index_cast %add3A_313 : i32 to index
        %swap3A_343 = arith.constant 32 : index
        %swap3A_344 = tpu.vector_load %arg8[%swap3A_342, %swap3A_343] {strides = array<i32>} : memref<50x64xf32, #tpu.memory_space<vmem>>, vector<1x16xf32>,
        %swap3A_345 = vector.shape_cast %swap3A_344 : vector<1x16xf32> to vector<16xf32>
        %swap3A_346 = vector.shape_cast %get3A_341 : vector<16xf32> to vector<1x16xf32>
        tpu.vector_store %arg8[%swap3A_342, %swap3A_343], %swap3A_346 {strides = array<i32>} : memref<50x64xf32, #tpu.memory_space<vmem>>, vector<1x16xf32>,
        %add3A_347 = arith.constant 0 : i32
        %add3A_348 = arith.addi %add3A_347, %add3A_313 : i32
        %get3A_349 = arith.index_cast %add3A_348 : i32 to index
        %get3A_350 = arith.constant 48 : index
        %get3A_351 = tpu.vector_load %arg6[%get3A_349, %get3A_350] {strides = array<i32>} : memref<100x128xf32, #tpu.memory_space<vmem>>, vector<1x16xf32>,
        %get3A_352 = vector.shape_cast %get3A_351 : vector<1x16xf32> to vector<16xf32>
        %swap3A_353 = arith.index_cast %add3A_313 : i32 to index
        %swap3A_354 = arith.constant 48 : index
        %swap3A_355 = tpu.vector_load %arg8[%swap3A_353, %swap3A_354] {strides = array<i32>} : memref<50x64xf32, #tpu.memory_space<vmem>>, vector<1x16xf32>,
        %swap3A_356 = vector.shape_cast %swap3A_355 : vector<1x16xf32> to vector<16xf32>
        %swap3A_357 = vector.shape_cast %get3A_352 : vector<16xf32> to vector<1x16xf32>
        tpu.vector_store %arg8[%swap3A_353, %swap3A_354], %swap3A_357 {strides = array<i32>} : memref<50x64xf32, #tpu.memory_space<vmem>>, vector<1x16xf32>,
        %mul3A_358 = arith.constant 10 : i32
        %mul3A_359 = arith.muli %scan3A_167, %mul3A_358 : i32
        %add3A_360 = arith.constant 4 : i32
        %add3A_361 = arith.addi %mul3A_359, %add3A_360 : i32
        %add3A_362 = arith.constant 0 : i32
        %add3A_363 = arith.addi %add3A_362, %add3A_361 : i32
        %get3A_364 = arith.index_cast %add3A_363 : i32 to index
        %get3A_365 = arith.constant 0 : index
        %get3A_366 = tpu.vector_load %arg6[%get3A_364, %get3A_365] {strides = array<i32>} : memref<100x128xf32, #tpu.memory_space<vmem>>, vector<1x16xf32>,
        %get3A_367 = vector.shape_cast %get3A_366 : vector<1x16xf32> to vector<16xf32>
        %swap3A_368 = arith.index_cast %add3A_361 : i32 to index
        %swap3A_369 = arith.constant 0 : index
        %swap3A_370 = tpu.vector_load %arg8[%swap3A_368, %swap3A_369] {strides = array<i32>} : memref<50x64xf32, #tpu.memory_space<vmem>>, vector<1x16xf32>,
        %swap3A_371 = vector.shape_cast %swap3A_370 : vector<1x16xf32> to vector<16xf32>
        %swap3A_372 = vector.shape_cast %get3A_367 : vector<16xf32> to vector<1x16xf32>
        tpu.vector_store %arg8[%swap3A_368, %swap3A_369], %swap3A_372 {strides = array<i32>} : memref<50x64xf32, #tpu.memory_space<vmem>>, vector<1x16xf32>,
        %add3A_373 = arith.constant 0 : i32
        %add3A_374 = arith.addi %add3A_373, %add3A_361 : i32
        %get3A_375 = arith.index_cast %add3A_374 : i32 to index
        %get3A_376 = arith.constant 16 : index
        %get3A_377 = tpu.vector_load %arg6[%get3A_375, %get3A_376] {strides = array<i32>} : memref<100x128xf32, #tpu.memory_space<vmem>>, vector<1x16xf32>,
        %get3A_378 = vector.shape_cast %get3A_377 : vector<1x16xf32> to vector<16xf32>
        %swap3A_379 = arith.index_cast %add3A_361 : i32 to index
        %swap3A_380 = arith.constant 16 : index
        %swap3A_381 = tpu.vector_load %arg8[%swap3A_379, %swap3A_380] {strides = array<i32>} : memref<50x64xf32, #tpu.memory_space<vmem>>, vector<1x16xf32>,
        %swap3A_382 = vector.shape_cast %swap3A_381 : vector<1x16xf32> to vector<16xf32>
        %swap3A_383 = vector.shape_cast %get3A_378 : vector<16xf32> to vector<1x16xf32>
        tpu.vector_store %arg8[%swap3A_379, %swap3A_380], %swap3A_383 {strides = array<i32>} : memref<50x64xf32, #tpu.memory_space<vmem>>, vector<1x16xf32>,
        %add3A_384 = arith.constant 0 : i32
        %add3A_385 = arith.addi %add3A_384, %add3A_361 : i32
        %get3A_386 = arith.index_cast %add3A_385 : i32 to index
        %get3A_387 = arith.constant 32 : index
        %get3A_388 = tpu.vector_load %arg6[%get3A_386, %get3A_387] {strides = array<i32>} : memref<100x128xf32, #tpu.memory_space<vmem>>, vector<1x16xf32>,
        %get3A_389 = vector.shape_cast %get3A_388 : vector<1x16xf32> to vector<16xf32>
        %swap3A_390 = arith.index_cast %add3A_361 : i32 to index
        %swap3A_391 = arith.constant 32 : index
        %swap3A_392 = tpu.vector_load %arg8[%swap3A_390, %swap3A_391] {strides = array<i32>} : memref<50x64xf32, #tpu.memory_space<vmem>>, vector<1x16xf32>,
        %swap3A_393 = vector.shape_cast %swap3A_392 : vector<1x16xf32> to vector<16xf32>
        %swap3A_394 = vector.shape_cast %get3A_389 : vector<16xf32> to vector<1x16xf32>
        tpu.vector_store %arg8[%swap3A_390, %swap3A_391], %swap3A_394 {strides = array<i32>} : memref<50x64xf32, #tpu.memory_space<vmem>>, vector<1x16xf32>,
        %add3A_395 = arith.constant 0 : i32
        %add3A_396 = arith.addi %add3A_395, %add3A_361 : i32
        %get3A_397 = arith.index_cast %add3A_396 : i32 to index
        %get3A_398 = arith.constant 48 : index
        %get3A_399 = tpu.vector_load %arg6[%get3A_397, %get3A_398] {strides = array<i32>} : memref<100x128xf32, #tpu.memory_space<vmem>>, vector<1x16xf32>,
        %get3A_400 = vector.shape_cast %get3A_399 : vector<1x16xf32> to vector<16xf32>
        %swap3A_401 = arith.index_cast %add3A_361 : i32 to index
        %swap3A_402 = arith.constant 48 : index
        %swap3A_403 = tpu.vector_load %arg8[%swap3A_401, %swap3A_402] {strides = array<i32>} : memref<50x64xf32, #tpu.memory_space<vmem>>, vector<1x16xf32>,
        %swap3A_404 = vector.shape_cast %swap3A_403 : vector<1x16xf32> to vector<16xf32>
        %swap3A_405 = vector.shape_cast %get3A_400 : vector<16xf32> to vector<1x16xf32>
        tpu.vector_store %arg8[%swap3A_401, %swap3A_402], %swap3A_405 {strides = array<i32>} : memref<50x64xf32, #tpu.memory_space<vmem>>, vector<1x16xf32>,
        %mul3A_406 = arith.constant 10 : i32
        %mul3A_407 = arith.muli %scan3A_167, %mul3A_406 : i32
        %add3A_408 = arith.constant 5 : i32
        %add3A_409 = arith.addi %mul3A_407, %add3A_408 : i32
        %add3A_410 = arith.constant 0 : i32
        %add3A_411 = arith.addi %add3A_410, %add3A_409 : i32
        %get3A_412 = arith.index_cast %add3A_411 : i32 to index
        %get3A_413 = arith.constant 0 : index
        %get3A_414 = tpu.vector_load %arg6[%get3A_412, %get3A_413] {strides = array<i32>} : memref<100x128xf32, #tpu.memory_space<vmem>>, vector<1x16xf32>,
        %get3A_415 = vector.shape_cast %get3A_414 : vector<1x16xf32> to vector<16xf32>
        %swap3A_416 = arith.index_cast %add3A_409 : i32 to index
        %swap3A_417 = arith.constant 0 : index
        %swap3A_418 = tpu.vector_load %arg8[%swap3A_416, %swap3A_417] {strides = array<i32>} : memref<50x64xf32, #tpu.memory_space<vmem>>, vector<1x16xf32>,
        %swap3A_419 = vector.shape_cast %swap3A_418 : vector<1x16xf32> to vector<16xf32>
        %swap3A_420 = vector.shape_cast %get3A_415 : vector<16xf32> to vector<1x16xf32>
        tpu.vector_store %arg8[%swap3A_416, %swap3A_417], %swap3A_420 {strides = array<i32>} : memref<50x64xf32, #tpu.memory_space<vmem>>, vector<1x16xf32>,
        %add3A_421 = arith.constant 0 : i32
        %add3A_422 = arith.addi %add3A_421, %add3A_409 : i32
        %get3A_423 = arith.index_cast %add3A_422 : i32 to index
        %get3A_424 = arith.constant 16 : index
        %get3A_425 = tpu.vector_load %arg6[%get3A_423, %get3A_424] {strides = array<i32>} : memref<100x128xf32, #tpu.memory_space<vmem>>, vector<1x16xf32>,
        %get3A_426 = vector.shape_cast %get3A_425 : vector<1x16xf32> to vector<16xf32>
        %swap3A_427 = arith.index_cast %add3A_409 : i32 to index
        %swap3A_428 = arith.constant 16 : index
        %swap3A_429 = tpu.vector_load %arg8[%swap3A_427, %swap3A_428] {strides = array<i32>} : memref<50x64xf32, #tpu.memory_space<vmem>>, vector<1x16xf32>,
        %swap3A_430 = vector.shape_cast %swap3A_429 : vector<1x16xf32> to vector<16xf32>
        %swap3A_431 = vector.shape_cast %get3A_426 : vector<16xf32> to vector<1x16xf32>
        tpu.vector_store %arg8[%swap3A_427, %swap3A_428], %swap3A_431 {strides = array<i32>} : memref<50x64xf32, #tpu.memory_space<vmem>>, vector<1x16xf32>,
        %add3A_432 = arith.constant 0 : i32
        %add3A_433 = arith.addi %add3A_432, %add3A_409 : i32
        %get3A_434 = arith.index_cast %add3A_433 : i32 to index
        %get3A_435 = arith.constant 32 : index
        %get3A_436 = tpu.vector_load %arg6[%get3A_434, %get3A_435] {strides = array<i32>} : memref<100x128xf32, #tpu.memory_space<vmem>>, vector<1x16xf32>,
        %get3A_437 = vector.shape_cast %get3A_436 : vector<1x16xf32> to vector<16xf32>
        %swap3A_438 = arith.index_cast %add3A_409 : i32 to index
        %swap3A_439 = arith.constant 32 : index
        %swap3A_440 = tpu.vector_load %arg8[%swap3A_438, %swap3A_439] {strides = array<i32>} : memref<50x64xf32, #tpu.memory_space<vmem>>, vector<1x16xf32>,
        %swap3A_441 = vector.shape_cast %swap3A_440 : vector<1x16xf32> to vector<16xf32>
        %swap3A_442 = vector.shape_cast %get3A_437 : vector<16xf32> to vector<1x16xf32>
        tpu.vector_store %arg8[%swap3A_438, %swap3A_439], %swap3A_442 {strides = array<i32>} : memref<50x64xf32, #tpu.memory_space<vmem>>, vector<1x16xf32>,
        %add3A_443 = arith.constant 0 : i32
        %add3A_444 = arith.addi %add3A_443, %add3A_409 : i32
        %get3A_445 = arith.index_cast %add3A_444 : i32 to index
        %get3A_446 = arith.constant 48 : index
        %get3A_447 = tpu.vector_load %arg6[%get3A_445, %get3A_446] {strides = array<i32>} : memref<100x128xf32, #tpu.memory_space<vmem>>, vector<1x16xf32>,
        %get3A_448 = vector.shape_cast %get3A_447 : vector<1x16xf32> to vector<16xf32>
        %swap3A_449 = arith.index_cast %add3A_409 : i32 to index
        %swap3A_450 = arith.constant 48 : index
        %swap3A_451 = tpu.vector_load %arg8[%swap3A_449, %swap3A_450] {strides = array<i32>} : memref<50x64xf32, #tpu.memory_space<vmem>>, vector<1x16xf32>,
        %swap3A_452 = vector.shape_cast %swap3A_451 : vector<1x16xf32> to vector<16xf32>
        %swap3A_453 = vector.shape_cast %get3A_448 : vector<16xf32> to vector<1x16xf32>
        tpu.vector_store %arg8[%swap3A_449, %swap3A_450], %swap3A_453 {strides = array<i32>} : memref<50x64xf32, #tpu.memory_space<vmem>>, vector<1x16xf32>,
        %mul3A_454 = arith.constant 10 : i32
        %mul3A_455 = arith.muli %scan3A_167, %mul3A_454 : i32
        %add3A_456 = arith.constant 6 : i32
        %add3A_457 = arith.addi %mul3A_455, %add3A_456 : i32
        %add3A_458 = arith.constant 0 : i32
        %add3A_459 = arith.addi %add3A_458, %add3A_457 : i32
        %get3A_460 = arith.index_cast %add3A_459 : i32 to index
        %get3A_461 = arith.constant 0 : index
        %get3A_462 = tpu.vector_load %arg6[%get3A_460, %get3A_461] {strides = array<i32>} : memref<100x128xf32, #tpu.memory_space<vmem>>, vector<1x16xf32>,
        %get3A_463 = vector.shape_cast %get3A_462 : vector<1x16xf32> to vector<16xf32>
        %swap3A_464 = arith.index_cast %add3A_457 : i32 to index
        %swap3A_465 = arith.constant 0 : index
        %swap3A_466 = tpu.vector_load %arg8[%swap3A_464, %swap3A_465] {strides = array<i32>} : memref<50x64xf32, #tpu.memory_space<vmem>>, vector<1x16xf32>,
        %swap3A_467 = vector.shape_cast %swap3A_466 : vector<1x16xf32> to vector<16xf32>
        %swap3A_468 = vector.shape_cast %get3A_463 : vector<16xf32> to vector<1x16xf32>
        tpu.vector_store %arg8[%swap3A_464, %swap3A_465], %swap3A_468 {strides = array<i32>} : memref<50x64xf32, #tpu.memory_space<vmem>>, vector<1x16xf32>,
        %add3A_469 = arith.constant 0 : i32
        %add3A_470 = arith.addi %add3A_469, %add3A_457 : i32
        %get3A_471 = arith.index_cast %add3A_470 : i32 to index
        %get3A_472 = arith.constant 16 : index
        %get3A_473 = tpu.vector_load %arg6[%get3A_471, %get3A_472] {strides = array<i32>} : memref<100x128xf32, #tpu.memory_space<vmem>>, vector<1x16xf32>,
        %get3A_474 = vector.shape_cast %get3A_473 : vector<1x16xf32> to vector<16xf32>
        %swap3A_475 = arith.index_cast %add3A_457 : i32 to index
        %swap3A_476 = arith.constant 16 : index
        %swap3A_477 = tpu.vector_load %arg8[%swap3A_475, %swap3A_476] {strides = array<i32>} : memref<50x64xf32, #tpu.memory_space<vmem>>, vector<1x16xf32>,
        %swap3A_478 = vector.shape_cast %swap3A_477 : vector<1x16xf32> to vector<16xf32>
        %swap3A_479 = vector.shape_cast %get3A_474 : vector<16xf32> to vector<1x16xf32>
        tpu.vector_store %arg8[%swap3A_475, %swap3A_476], %swap3A_479 {strides = array<i32>} : memref<50x64xf32, #tpu.memory_space<vmem>>, vector<1x16xf32>,
        %add3A_480 = arith.constant 0 : i32
        %add3A_481 = arith.addi %add3A_480, %add3A_457 : i32
        %get3A_482 = arith.index_cast %add3A_481 : i32 to index
        %get3A_483 = arith.constant 32 : index
        %get3A_484 = tpu.vector_load %arg6[%get3A_482, %get3A_483] {strides = array<i32>} : memref<100x128xf32, #tpu.memory_space<vmem>>, vector<1x16xf32>,
        %get3A_485 = vector.shape_cast %get3A_484 : vector<1x16xf32> to vector<16xf32>
        %swap3A_486 = arith.index_cast %add3A_457 : i32 to index
        %swap3A_487 = arith.constant 32 : index
        %swap3A_488 = tpu.vector_load %arg8[%swap3A_486, %swap3A_487] {strides = array<i32>} : memref<50x64xf32, #tpu.memory_space<vmem>>, vector<1x16xf32>,
        %swap3A_489 = vector.shape_cast %swap3A_488 : vector<1x16xf32> to vector<16xf32>
        %swap3A_490 = vector.shape_cast %get3A_485 : vector<16xf32> to vector<1x16xf32>
        tpu.vector_store %arg8[%swap3A_486, %swap3A_487], %swap3A_490 {strides = array<i32>} : memref<50x64xf32, #tpu.memory_space<vmem>>, vector<1x16xf32>,
        %add3A_491 = arith.constant 0 : i32
        %add3A_492 = arith.addi %add3A_491, %add3A_457 : i32
        %get3A_493 = arith.index_cast %add3A_492 : i32 to index
        %get3A_494 = arith.constant 48 : index
        %get3A_495 = tpu.vector_load %arg6[%get3A_493, %get3A_494] {strides = array<i32>} : memref<100x128xf32, #tpu.memory_space<vmem>>, vector<1x16xf32>,
        %get3A_496 = vector.shape_cast %get3A_495 : vector<1x16xf32> to vector<16xf32>
        %swap3A_497 = arith.index_cast %add3A_457 : i32 to index
        %swap3A_498 = arith.constant 48 : index
        %swap3A_499 = tpu.vector_load %arg8[%swap3A_497, %swap3A_498] {strides = array<i32>} : memref<50x64xf32, #tpu.memory_space<vmem>>, vector<1x16xf32>,
        %swap3A_500 = vector.shape_cast %swap3A_499 : vector<1x16xf32> to vector<16xf32>
        %swap3A_501 = vector.shape_cast %get3A_496 : vector<16xf32> to vector<1x16xf32>
        tpu.vector_store %arg8[%swap3A_497, %swap3A_498], %swap3A_501 {strides = array<i32>} : memref<50x64xf32, #tpu.memory_space<vmem>>, vector<1x16xf32>,
        %mul3A_502 = arith.constant 10 : i32
        %mul3A_503 = arith.muli %scan3A_167, %mul3A_502 : i32
        %add3A_504 = arith.constant 7 : i32
        %add3A_505 = arith.addi %mul3A_503, %add3A_504 : i32
        %add3A_506 = arith.constant 0 : i32
        %add3A_507 = arith.addi %add3A_506, %add3A_505 : i32
        %get3A_508 = arith.index_cast %add3A_507 : i32 to index
        %get3A_509 = arith.constant 0 : index
        %get3A_510 = tpu.vector_load %arg6[%get3A_508, %get3A_509] {strides = array<i32>} : memref<100x128xf32, #tpu.memory_space<vmem>>, vector<1x16xf32>,
        %get3A_511 = vector.shape_cast %get3A_510 : vector<1x16xf32> to vector<16xf32>
        %swap3A_512 = arith.index_cast %add3A_505 : i32 to index
        %swap3A_513 = arith.constant 0 : index
        %swap3A_514 = tpu.vector_load %arg8[%swap3A_512, %swap3A_513] {strides = array<i32>} : memref<50x64xf32, #tpu.memory_space<vmem>>, vector<1x16xf32>,
        %swap3A_515 = vector.shape_cast %swap3A_514 : vector<1x16xf32> to vector<16xf32>
        %swap3A_516 = vector.shape_cast %get3A_511 : vector<16xf32> to vector<1x16xf32>
        tpu.vector_store %arg8[%swap3A_512, %swap3A_513], %swap3A_516 {strides = array<i32>} : memref<50x64xf32, #tpu.memory_space<vmem>>, vector<1x16xf32>,
        %add3A_517 = arith.constant 0 : i32
        %add3A_518 = arith.addi %add3A_517, %add3A_505 : i32
        %get3A_519 = arith.index_cast %add3A_518 : i32 to index
        %get3A_520 = arith.constant 16 : index
        %get3A_521 = tpu.vector_load %arg6[%get3A_519, %get3A_520] {strides = array<i32>} : memref<100x128xf32, #tpu.memory_space<vmem>>, vector<1x16xf32>,
        %get3A_522 = vector.shape_cast %get3A_521 : vector<1x16xf32> to vector<16xf32>
        %swap3A_523 = arith.index_cast %add3A_505 : i32 to index
        %swap3A_524 = arith.constant 16 : index
        %swap3A_525 = tpu.vector_load %arg8[%swap3A_523, %swap3A_524] {strides = array<i32>} : memref<50x64xf32, #tpu.memory_space<vmem>>, vector<1x16xf32>,
        %swap3A_526 = vector.shape_cast %swap3A_525 : vector<1x16xf32> to vector<16xf32>
        %swap3A_527 = vector.shape_cast %get3A_522 : vector<16xf32> to vector<1x16xf32>
        tpu.vector_store %arg8[%swap3A_523, %swap3A_524], %swap3A_527 {strides = array<i32>} : memref<50x64xf32, #tpu.memory_space<vmem>>, vector<1x16xf32>,
        %add3A_528 = arith.constant 0 : i32
        %add3A_529 = arith.addi %add3A_528, %add3A_505 : i32
        %get3A_530 = arith.index_cast %add3A_529 : i32 to index
        %get3A_531 = arith.constant 32 : index
        %get3A_532 = tpu.vector_load %arg6[%get3A_530, %get3A_531] {strides = array<i32>} : memref<100x128xf32, #tpu.memory_space<vmem>>, vector<1x16xf32>,
        %get3A_533 = vector.shape_cast %get3A_532 : vector<1x16xf32> to vector<16xf32>
        %swap3A_534 = arith.index_cast %add3A_505 : i32 to index
        %swap3A_535 = arith.constant 32 : index
        %swap3A_536 = tpu.vector_load %arg8[%swap3A_534, %swap3A_535] {strides = array<i32>} : memref<50x64xf32, #tpu.memory_space<vmem>>, vector<1x16xf32>,
        %swap3A_537 = vector.shape_cast %swap3A_536 : vector<1x16xf32> to vector<16xf32>
        %swap3A_538 = vector.shape_cast %get3A_533 : vector<16xf32> to vector<1x16xf32>
        tpu.vector_store %arg8[%swap3A_534, %swap3A_535], %swap3A_538 {strides = array<i32>} : memref<50x64xf32, #tpu.memory_space<vmem>>, vector<1x16xf32>,
        %add3A_539 = arith.constant 0 : i32
        %add3A_540 = arith.addi %add3A_539, %add3A_505 : i32
        %get3A_541 = arith.index_cast %add3A_540 : i32 to index
        %get3A_542 = arith.constant 48 : index
        %get3A_543 = tpu.vector_load %arg6[%get3A_541, %get3A_542] {strides = array<i32>} : memref<100x128xf32, #tpu.memory_space<vmem>>, vector<1x16xf32>,
        %get3A_544 = vector.shape_cast %get3A_543 : vector<1x16xf32> to vector<16xf32>
        %swap3A_545 = arith.index_cast %add3A_505 : i32 to index
        %swap3A_546 = arith.constant 48 : index
        %swap3A_547 = tpu.vector_load %arg8[%swap3A_545, %swap3A_546] {strides = array<i32>} : memref<50x64xf32, #tpu.memory_space<vmem>>, vector<1x16xf32>,
        %swap3A_548 = vector.shape_cast %swap3A_547 : vector<1x16xf32> to vector<16xf32>
        %swap3A_549 = vector.shape_cast %get3A_544 : vector<16xf32> to vector<1x16xf32>
        tpu.vector_store %arg8[%swap3A_545, %swap3A_546], %swap3A_549 {strides = array<i32>} : memref<50x64xf32, #tpu.memory_space<vmem>>, vector<1x16xf32>,
        %mul3A_550 = arith.constant 10 : i32
        %mul3A_551 = arith.muli %scan3A_167, %mul3A_550 : i32
        %add3A_552 = arith.constant 8 : i32
        %add3A_553 = arith.addi %mul3A_551, %add3A_552 : i32
        %add3A_554 = arith.constant 0 : i32
        %add3A_555 = arith.addi %add3A_554, %add3A_553 : i32
        %get3A_556 = arith.index_cast %add3A_555 : i32 to index
        %get3A_557 = arith.constant 0 : index
        %get3A_558 = tpu.vector_load %arg6[%get3A_556, %get3A_557] {strides = array<i32>} : memref<100x128xf32, #tpu.memory_space<vmem>>, vector<1x16xf32>,
        %get3A_559 = vector.shape_cast %get3A_558 : vector<1x16xf32> to vector<16xf32>
        %swap3A_560 = arith.index_cast %add3A_553 : i32 to index
        %swap3A_561 = arith.constant 0 : index
        %swap3A_562 = tpu.vector_load %arg8[%swap3A_560, %swap3A_561] {strides = array<i32>} : memref<50x64xf32, #tpu.memory_space<vmem>>, vector<1x16xf32>,
        %swap3A_563 = vector.shape_cast %swap3A_562 : vector<1x16xf32> to vector<16xf32>
        %swap3A_564 = vector.shape_cast %get3A_559 : vector<16xf32> to vector<1x16xf32>
        tpu.vector_store %arg8[%swap3A_560, %swap3A_561], %swap3A_564 {strides = array<i32>} : memref<50x64xf32, #tpu.memory_space<vmem>>, vector<1x16xf32>,
        %add3A_565 = arith.constant 0 : i32
        %add3A_566 = arith.addi %add3A_565, %add3A_553 : i32
        %get3A_567 = arith.index_cast %add3A_566 : i32 to index
        %get3A_568 = arith.constant 16 : index
        %get3A_569 = tpu.vector_load %arg6[%get3A_567, %get3A_568] {strides = array<i32>} : memref<100x128xf32, #tpu.memory_space<vmem>>, vector<1x16xf32>,
        %get3A_570 = vector.shape_cast %get3A_569 : vector<1x16xf32> to vector<16xf32>
        %swap3A_571 = arith.index_cast %add3A_553 : i32 to index
        %swap3A_572 = arith.constant 16 : index
        %swap3A_573 = tpu.vector_load %arg8[%swap3A_571, %swap3A_572] {strides = array<i32>} : memref<50x64xf32, #tpu.memory_space<vmem>>, vector<1x16xf32>,
        %swap3A_574 = vector.shape_cast %swap3A_573 : vector<1x16xf32> to vector<16xf32>
        %swap3A_575 = vector.shape_cast %get3A_570 : vector<16xf32> to vector<1x16xf32>
        tpu.vector_store %arg8[%swap3A_571, %swap3A_572], %swap3A_575 {strides = array<i32>} : memref<50x64xf32, #tpu.memory_space<vmem>>, vector<1x16xf32>,
        %add3A_576 = arith.constant 0 : i32
        %add3A_577 = arith.addi %add3A_576, %add3A_553 : i32
        %get3A_578 = arith.index_cast %add3A_577 : i32 to index
        %get3A_579 = arith.constant 32 : index
        %get3A_580 = tpu.vector_load %arg6[%get3A_578, %get3A_579] {strides = array<i32>} : memref<100x128xf32, #tpu.memory_space<vmem>>, vector<1x16xf32>,
        %get3A_581 = vector.shape_cast %get3A_580 : vector<1x16xf32> to vector<16xf32>
        %swap3A_582 = arith.index_cast %add3A_553 : i32 to index
        %swap3A_583 = arith.constant 32 : index
        %swap3A_584 = tpu.vector_load %arg8[%swap3A_582, %swap3A_583] {strides = array<i32>} : memref<50x64xf32, #tpu.memory_space<vmem>>, vector<1x16xf32>,
        %swap3A_585 = vector.shape_cast %swap3A_584 : vector<1x16xf32> to vector<16xf32>
        %swap3A_586 = vector.shape_cast %get3A_581 : vector<16xf32> to vector<1x16xf32>
        tpu.vector_store %arg8[%swap3A_582, %swap3A_583], %swap3A_586 {strides = array<i32>} : memref<50x64xf32, #tpu.memory_space<vmem>>, vector<1x16xf32>,
        %add3A_587 = arith.constant 0 : i32
        %add3A_588 = arith.addi %add3A_587, %add3A_553 : i32
        %get3A_589 = arith.index_cast %add3A_588 : i32 to index
        %get3A_590 = arith.constant 48 : index
        %get3A_591 = tpu.vector_load %arg6[%get3A_589, %get3A_590] {strides = array<i32>} : memref<100x128xf32, #tpu.memory_space<vmem>>, vector<1x16xf32>,
        %get3A_592 = vector.shape_cast %get3A_591 : vector<1x16xf32> to vector<16xf32>
        %swap3A_593 = arith.index_cast %add3A_553 : i32 to index
        %swap3A_594 = arith.constant 48 : index
        %swap3A_595 = tpu.vector_load %arg8[%swap3A_593, %swap3A_594] {strides = array<i32>} : memref<50x64xf32, #tpu.memory_space<vmem>>, vector<1x16xf32>,
        %swap3A_596 = vector.shape_cast %swap3A_595 : vector<1x16xf32> to vector<16xf32>
        %swap3A_597 = vector.shape_cast %get3A_592 : vector<16xf32> to vector<1x16xf32>
        tpu.vector_store %arg8[%swap3A_593, %swap3A_594], %swap3A_597 {strides = array<i32>} : memref<50x64xf32, #tpu.memory_space<vmem>>, vector<1x16xf32>,
        %mul3A_598 = arith.constant 10 : i32
        %mul3A_599 = arith.muli %scan3A_167, %mul3A_598 : i32
        %add3A_600 = arith.constant 9 : i32
        %add3A_601 = arith.addi %mul3A_599, %add3A_600 : i32
        %add3A_602 = arith.constant 0 : i32
        %add3A_603 = arith.addi %add3A_602, %add3A_601 : i32
        %get3A_604 = arith.index_cast %add3A_603 : i32 to index
        %get3A_605 = arith.constant 0 : index
        %get3A_606 = tpu.vector_load %arg6[%get3A_604, %get3A_605] {strides = array<i32>} : memref<100x128xf32, #tpu.memory_space<vmem>>, vector<1x16xf32>,
        %get3A_607 = vector.shape_cast %get3A_606 : vector<1x16xf32> to vector<16xf32>
        %swap3A_608 = arith.index_cast %add3A_601 : i32 to index
        %swap3A_609 = arith.constant 0 : index
        %swap3A_610 = tpu.vector_load %arg8[%swap3A_608, %swap3A_609] {strides = array<i32>} : memref<50x64xf32, #tpu.memory_space<vmem>>, vector<1x16xf32>,
        %swap3A_611 = vector.shape_cast %swap3A_610 : vector<1x16xf32> to vector<16xf32>
        %swap3A_612 = vector.shape_cast %get3A_607 : vector<16xf32> to vector<1x16xf32>
        tpu.vector_store %arg8[%swap3A_608, %swap3A_609], %swap3A_612 {strides = array<i32>} : memref<50x64xf32, #tpu.memory_space<vmem>>, vector<1x16xf32>,
        %add3A_613 = arith.constant 0 : i32
        %add3A_614 = arith.addi %add3A_613, %add3A_601 : i32
        %get3A_615 = arith.index_cast %add3A_614 : i32 to index
        %get3A_616 = arith.constant 16 : index
        %get3A_617 = tpu.vector_load %arg6[%get3A_615, %get3A_616] {strides = array<i32>} : memref<100x128xf32, #tpu.memory_space<vmem>>, vector<1x16xf32>,
        %get3A_618 = vector.shape_cast %get3A_617 : vector<1x16xf32> to vector<16xf32>
        %swap3A_619 = arith.index_cast %add3A_601 : i32 to index
        %swap3A_620 = arith.constant 16 : index
        %swap3A_621 = tpu.vector_load %arg8[%swap3A_619, %swap3A_620] {strides = array<i32>} : memref<50x64xf32, #tpu.memory_space<vmem>>, vector<1x16xf32>,
        %swap3A_622 = vector.shape_cast %swap3A_621 : vector<1x16xf32> to vector<16xf32>
        %swap3A_623 = vector.shape_cast %get3A_618 : vector<16xf32> to vector<1x16xf32>
        tpu.vector_store %arg8[%swap3A_619, %swap3A_620], %swap3A_623 {strides = array<i32>} : memref<50x64xf32, #tpu.memory_space<vmem>>, vector<1x16xf32>,
        %add3A_624 = arith.constant 0 : i32
        %add3A_625 = arith.addi %add3A_624, %add3A_601 : i32
        %get3A_626 = arith.index_cast %add3A_625 : i32 to index
        %get3A_627 = arith.constant 32 : index
        %get3A_628 = tpu.vector_load %arg6[%get3A_626, %get3A_627] {strides = array<i32>} : memref<100x128xf32, #tpu.memory_space<vmem>>, vector<1x16xf32>,
        %get3A_629 = vector.shape_cast %get3A_628 : vector<1x16xf32> to vector<16xf32>
        %swap3A_630 = arith.index_cast %add3A_601 : i32 to index
        %swap3A_631 = arith.constant 32 : index
        %swap3A_632 = tpu.vector_load %arg8[%swap3A_630, %swap3A_631] {strides = array<i32>} : memref<50x64xf32, #tpu.memory_space<vmem>>, vector<1x16xf32>,
        %swap3A_633 = vector.shape_cast %swap3A_632 : vector<1x16xf32> to vector<16xf32>
        %swap3A_634 = vector.shape_cast %get3A_629 : vector<16xf32> to vector<1x16xf32>
        tpu.vector_store %arg8[%swap3A_630, %swap3A_631], %swap3A_634 {strides = array<i32>} : memref<50x64xf32, #tpu.memory_space<vmem>>, vector<1x16xf32>,
        %add3A_635 = arith.constant 0 : i32
        %add3A_636 = arith.addi %add3A_635, %add3A_601 : i32
        %get3A_637 = arith.index_cast %add3A_636 : i32 to index
        %get3A_638 = arith.constant 48 : index
        %get3A_639 = tpu.vector_load %arg6[%get3A_637, %get3A_638] {strides = array<i32>} : memref<100x128xf32, #tpu.memory_space<vmem>>, vector<1x16xf32>,
        %get3A_640 = vector.shape_cast %get3A_639 : vector<1x16xf32> to vector<16xf32>
        %swap3A_641 = arith.index_cast %add3A_601 : i32 to index
        %swap3A_642 = arith.constant 48 : index
        %swap3A_643 = tpu.vector_load %arg8[%swap3A_641, %swap3A_642] {strides = array<i32>} : memref<50x64xf32, #tpu.memory_space<vmem>>, vector<1x16xf32>,
        %swap3A_644 = vector.shape_cast %swap3A_643 : vector<1x16xf32> to vector<16xf32>
        %swap3A_645 = vector.shape_cast %get3A_640 : vector<16xf32> to vector<1x16xf32>
        tpu.vector_store %arg8[%swap3A_641, %swap3A_642], %swap3A_645 {strides = array<i32>} : memref<50x64xf32, #tpu.memory_space<vmem>>, vector<1x16xf32>,
      }
      %scan3A_75 = arith.constant 5 : i32
      %scan3A_76 = arith.constant 0 : i32
      %scan3A_77 = arith.constant 0 : i32
      %scan3A_78 = arith.constant 5 : i32
      %scan3A_79 = arith.addi %scan3A_77, %scan3A_78 : i32
      %scan3A_80 = arith.constant 1 : i32
      scf.for %scan3A_167 = %scan3A_77 to %scan3A_79 step %scan3A_80  : i32 {
        %mul3A_168 = arith.constant 10 : i32
        %mul3A_169 = arith.muli %scan3A_167, %mul3A_168 : i32
        %add3A_170 = arith.constant 0 : i32
        %add3A_171 = arith.addi %mul3A_169, %add3A_170 : i32
        %add3A_172 = arith.constant 50 : i32
        %add3A_173 = arith.addi %add3A_172, %add3A_171 : i32
        %get3A = arith.index_cast %add3A_173 : i32 to index
        %get3A_174 = arith.constant 0 : index
        %get3A_175 = tpu.vector_load %arg6[%get3A, %get3A_174] {strides = array<i32>} : memref<100x128xf32, #tpu.memory_space<vmem>>, vector<1x16xf32>,
        %get3A_176 = vector.shape_cast %get3A_175 : vector<1x16xf32> to vector<16xf32>
        %swap3A = arith.index_cast %add3A_171 : i32 to index
        %swap3A_177 = arith.constant 0 : index
        %swap3A_178 = tpu.vector_load %arg9[%swap3A, %swap3A_177] {strides = array<i32>} : memref<50x64xf32, #tpu.memory_space<vmem>>, vector<1x16xf32>,
        %swap3A_179 = vector.shape_cast %swap3A_178 : vector<1x16xf32> to vector<16xf32>
        %swap3A_180 = vector.shape_cast %get3A_176 : vector<16xf32> to vector<1x16xf32>
        tpu.vector_store %arg9[%swap3A, %swap3A_177], %swap3A_180 {strides = array<i32>} : memref<50x64xf32, #tpu.memory_space<vmem>>, vector<1x16xf32>,
        %add3A_181 = arith.constant 50 : i32
        %add3A_182 = arith.addi %add3A_181, %add3A_171 : i32
        %get3A_183 = arith.index_cast %add3A_182 : i32 to index
        %get3A_184 = arith.constant 16 : index
        %get3A_185 = tpu.vector_load %arg6[%get3A_183, %get3A_184] {strides = array<i32>} : memref<100x128xf32, #tpu.memory_space<vmem>>, vector<1x16xf32>,
        %get3A_186 = vector.shape_cast %get3A_185 : vector<1x16xf32> to vector<16xf32>
        %swap3A_187 = arith.index_cast %add3A_171 : i32 to index
        %swap3A_188 = arith.constant 16 : index
        %swap3A_189 = tpu.vector_load %arg9[%swap3A_187, %swap3A_188] {strides = array<i32>} : memref<50x64xf32, #tpu.memory_space<vmem>>, vector<1x16xf32>,
        %swap3A_190 = vector.shape_cast %swap3A_189 : vector<1x16xf32> to vector<16xf32>
        %swap3A_191 = vector.shape_cast %get3A_186 : vector<16xf32> to vector<1x16xf32>
        tpu.vector_store %arg9[%swap3A_187, %swap3A_188], %swap3A_191 {strides = array<i32>} : memref<50x64xf32, #tpu.memory_space<vmem>>, vector<1x16xf32>,
        %add3A_192 = arith.constant 50 : i32
        %add3A_193 = arith.addi %add3A_192, %add3A_171 : i32
        %get3A_194 = arith.index_cast %add3A_193 : i32 to index
        %get3A_195 = arith.constant 32 : index
        %get3A_196 = tpu.vector_load %arg6[%get3A_194, %get3A_195] {strides = array<i32>} : memref<100x128xf32, #tpu.memory_space<vmem>>, vector<1x16xf32>,
        %get3A_197 = vector.shape_cast %get3A_196 : vector<1x16xf32> to vector<16xf32>
        %swap3A_198 = arith.index_cast %add3A_171 : i32 to index
        %swap3A_199 = arith.constant 32 : index
        %swap3A_200 = tpu.vector_load %arg9[%swap3A_198, %swap3A_199] {strides = array<i32>} : memref<50x64xf32, #tpu.memory_space<vmem>>, vector<1x16xf32>,
        %swap3A_201 = vector.shape_cast %swap3A_200 : vector<1x16xf32> to vector<16xf32>
        %swap3A_202 = vector.shape_cast %get3A_197 : vector<16xf32> to vector<1x16xf32>
        tpu.vector_store %arg9[%swap3A_198, %swap3A_199], %swap3A_202 {strides = array<i32>} : memref<50x64xf32, #tpu.memory_space<vmem>>, vector<1x16xf32>,
        %add3A_203 = arith.constant 50 : i32
        %add3A_204 = arith.addi %add3A_203, %add3A_171 : i32
        %get3A_205 = arith.index_cast %add3A_204 : i32 to index
        %get3A_206 = arith.constant 48 : index
        %get3A_207 = tpu.vector_load %arg6[%get3A_205, %get3A_206] {strides = array<i32>} : memref<100x128xf32, #tpu.memory_space<vmem>>, vector<1x16xf32>,
        %get3A_208 = vector.shape_cast %get3A_207 : vector<1x16xf32> to vector<16xf32>
        %swap3A_209 = arith.index_cast %add3A_171 : i32 to index
        %swap3A_210 = arith.constant 48 : index
        %swap3A_211 = tpu.vector_load %arg9[%swap3A_209, %swap3A_210] {strides = array<i32>} : memref<50x64xf32, #tpu.memory_space<vmem>>, vector<1x16xf32>,
        %swap3A_212 = vector.shape_cast %swap3A_211 : vector<1x16xf32> to vector<16xf32>
        %swap3A_213 = vector.shape_cast %get3A_208 : vector<16xf32> to vector<1x16xf32>
        tpu.vector_store %arg9[%swap3A_209, %swap3A_210], %swap3A_213 {strides = array<i32>} : memref<50x64xf32, #tpu.memory_space<vmem>>, vector<1x16xf32>,
        %mul3A_214 = arith.constant 10 : i32
        %mul3A_215 = arith.muli %scan3A_167, %mul3A_214 : i32
        %add3A_216 = arith.constant 1 : i32
        %add3A_217 = arith.addi %mul3A_215, %add3A_216 : i32
        %add3A_218 = arith.constant 50 : i32
        %add3A_219 = arith.addi %add3A_218, %add3A_217 : i32
        %get3A_220 = arith.index_cast %add3A_219 : i32 to index
        %get3A_221 = arith.constant 0 : index
        %get3A_222 = tpu.vector_load %arg6[%get3A_220, %get3A_221] {strides = array<i32>} : memref<100x128xf32, #tpu.memory_space<vmem>>, vector<1x16xf32>,
        %get3A_223 = vector.shape_cast %get3A_222 : vector<1x16xf32> to vector<16xf32>
        %swap3A_224 = arith.index_cast %add3A_217 : i32 to index
        %swap3A_225 = arith.constant 0 : index
        %swap3A_226 = tpu.vector_load %arg9[%swap3A_224, %swap3A_225] {strides = array<i32>} : memref<50x64xf32, #tpu.memory_space<vmem>>, vector<1x16xf32>,
        %swap3A_227 = vector.shape_cast %swap3A_226 : vector<1x16xf32> to vector<16xf32>
        %swap3A_228 = vector.shape_cast %get3A_223 : vector<16xf32> to vector<1x16xf32>
        tpu.vector_store %arg9[%swap3A_224, %swap3A_225], %swap3A_228 {strides = array<i32>} : memref<50x64xf32, #tpu.memory_space<vmem>>, vector<1x16xf32>,
        %add3A_229 = arith.constant 50 : i32
        %add3A_230 = arith.addi %add3A_229, %add3A_217 : i32
        %get3A_231 = arith.index_cast %add3A_230 : i32 to index
        %get3A_232 = arith.constant 16 : index
        %get3A_233 = tpu.vector_load %arg6[%get3A_231, %get3A_232] {strides = array<i32>} : memref<100x128xf32, #tpu.memory_space<vmem>>, vector<1x16xf32>,
        %get3A_234 = vector.shape_cast %get3A_233 : vector<1x16xf32> to vector<16xf32>
        %swap3A_235 = arith.index_cast %add3A_217 : i32 to index
        %swap3A_236 = arith.constant 16 : index
        %swap3A_237 = tpu.vector_load %arg9[%swap3A_235, %swap3A_236] {strides = array<i32>} : memref<50x64xf32, #tpu.memory_space<vmem>>, vector<1x16xf32>,
        %swap3A_238 = vector.shape_cast %swap3A_237 : vector<1x16xf32> to vector<16xf32>
        %swap3A_239 = vector.shape_cast %get3A_234 : vector<16xf32> to vector<1x16xf32>
        tpu.vector_store %arg9[%swap3A_235, %swap3A_236], %swap3A_239 {strides = array<i32>} : memref<50x64xf32, #tpu.memory_space<vmem>>, vector<1x16xf32>,
        %add3A_240 = arith.constant 50 : i32
        %add3A_241 = arith.addi %add3A_240, %add3A_217 : i32
        %get3A_242 = arith.index_cast %add3A_241 : i32 to index
        %get3A_243 = arith.constant 32 : index
        %get3A_244 = tpu.vector_load %arg6[%get3A_242, %get3A_243] {strides = array<i32>} : memref<100x128xf32, #tpu.memory_space<vmem>>, vector<1x16xf32>,
        %get3A_245 = vector.shape_cast %get3A_244 : vector<1x16xf32> to vector<16xf32>
        %swap3A_246 = arith.index_cast %add3A_217 : i32 to index
        %swap3A_247 = arith.constant 32 : index
        %swap3A_248 = tpu.vector_load %arg9[%swap3A_246, %swap3A_247] {strides = array<i32>} : memref<50x64xf32, #tpu.memory_space<vmem>>, vector<1x16xf32>,
        %swap3A_249 = vector.shape_cast %swap3A_248 : vector<1x16xf32> to vector<16xf32>
        %swap3A_250 = vector.shape_cast %get3A_245 : vector<16xf32> to vector<1x16xf32>
        tpu.vector_store %arg9[%swap3A_246, %swap3A_247], %swap3A_250 {strides = array<i32>} : memref<50x64xf32, #tpu.memory_space<vmem>>, vector<1x16xf32>,
        %add3A_251 = arith.constant 50 : i32
        %add3A_252 = arith.addi %add3A_251, %add3A_217 : i32
        %get3A_253 = arith.index_cast %add3A_252 : i32 to index
        %get3A_254 = arith.constant 48 : index
        %get3A_255 = tpu.vector_load %arg6[%get3A_253, %get3A_254] {strides = array<i32>} : memref<100x128xf32, #tpu.memory_space<vmem>>, vector<1x16xf32>,
        %get3A_256 = vector.shape_cast %get3A_255 : vector<1x16xf32> to vector<16xf32>
        %swap3A_257 = arith.index_cast %add3A_217 : i32 to index
        %swap3A_258 = arith.constant 48 : index
        %swap3A_259 = tpu.vector_load %arg9[%swap3A_257, %swap3A_258] {strides = array<i32>} : memref<50x64xf32, #tpu.memory_space<vmem>>, vector<1x16xf32>,
        %swap3A_260 = vector.shape_cast %swap3A_259 : vector<1x16xf32> to vector<16xf32>
        %swap3A_261 = vector.shape_cast %get3A_256 : vector<16xf32> to vector<1x16xf32>
        tpu.vector_store %arg9[%swap3A_257, %swap3A_258], %swap3A_261 {strides = array<i32>} : memref<50x64xf32, #tpu.memory_space<vmem>>, vector<1x16xf32>,
        %mul3A_262 = arith.constant 10 : i32
        %mul3A_263 = arith.muli %scan3A_167, %mul3A_262 : i32
        %add3A_264 = arith.constant 2 : i32
        %add3A_265 = arith.addi %mul3A_263, %add3A_264 : i32
        %add3A_266 = arith.constant 50 : i32
        %add3A_267 = arith.addi %add3A_266, %add3A_265 : i32
        %get3A_268 = arith.index_cast %add3A_267 : i32 to index
        %get3A_269 = arith.constant 0 : index
        %get3A_270 = tpu.vector_load %arg6[%get3A_268, %get3A_269] {strides = array<i32>} : memref<100x128xf32, #tpu.memory_space<vmem>>, vector<1x16xf32>,
        %get3A_271 = vector.shape_cast %get3A_270 : vector<1x16xf32> to vector<16xf32>
        %swap3A_272 = arith.index_cast %add3A_265 : i32 to index
        %swap3A_273 = arith.constant 0 : index
        %swap3A_274 = tpu.vector_load %arg9[%swap3A_272, %swap3A_273] {strides = array<i32>} : memref<50x64xf32, #tpu.memory_space<vmem>>, vector<1x16xf32>,
        %swap3A_275 = vector.shape_cast %swap3A_274 : vector<1x16xf32> to vector<16xf32>
        %swap3A_276 = vector.shape_cast %get3A_271 : vector<16xf32> to vector<1x16xf32>
        tpu.vector_store %arg9[%swap3A_272, %swap3A_273], %swap3A_276 {strides = array<i32>} : memref<50x64xf32, #tpu.memory_space<vmem>>, vector<1x16xf32>,
        %add3A_277 = arith.constant 50 : i32
        %add3A_278 = arith.addi %add3A_277, %add3A_265 : i32
        %get3A_279 = arith.index_cast %add3A_278 : i32 to index
        %get3A_280 = arith.constant 16 : index
        %get3A_281 = tpu.vector_load %arg6[%get3A_279, %get3A_280] {strides = array<i32>} : memref<100x128xf32, #tpu.memory_space<vmem>>, vector<1x16xf32>,
        %get3A_282 = vector.shape_cast %get3A_281 : vector<1x16xf32> to vector<16xf32>
        %swap3A_283 = arith.index_cast %add3A_265 : i32 to index
        %swap3A_284 = arith.constant 16 : index
        %swap3A_285 = tpu.vector_load %arg9[%swap3A_283, %swap3A_284] {strides = array<i32>} : memref<50x64xf32, #tpu.memory_space<vmem>>, vector<1x16xf32>,
        %swap3A_286 = vector.shape_cast %swap3A_285 : vector<1x16xf32> to vector<16xf32>
        %swap3A_287 = vector.shape_cast %get3A_282 : vector<16xf32> to vector<1x16xf32>
        tpu.vector_store %arg9[%swap3A_283, %swap3A_284], %swap3A_287 {strides = array<i32>} : memref<50x64xf32, #tpu.memory_space<vmem>>, vector<1x16xf32>,
        %add3A_288 = arith.constant 50 : i32
        %add3A_289 = arith.addi %add3A_288, %add3A_265 : i32
        %get3A_290 = arith.index_cast %add3A_289 : i32 to index
        %get3A_291 = arith.constant 32 : index
        %get3A_292 = tpu.vector_load %arg6[%get3A_290, %get3A_291] {strides = array<i32>} : memref<100x128xf32, #tpu.memory_space<vmem>>, vector<1x16xf32>,
        %get3A_293 = vector.shape_cast %get3A_292 : vector<1x16xf32> to vector<16xf32>
        %swap3A_294 = arith.index_cast %add3A_265 : i32 to index
        %swap3A_295 = arith.constant 32 : index
        %swap3A_296 = tpu.vector_load %arg9[%swap3A_294, %swap3A_295] {strides = array<i32>} : memref<50x64xf32, #tpu.memory_space<vmem>>, vector<1x16xf32>,
        %swap3A_297 = vector.shape_cast %swap3A_296 : vector<1x16xf32> to vector<16xf32>
        %swap3A_298 = vector.shape_cast %get3A_293 : vector<16xf32> to vector<1x16xf32>
        tpu.vector_store %arg9[%swap3A_294, %swap3A_295], %swap3A_298 {strides = array<i32>} : memref<50x64xf32, #tpu.memory_space<vmem>>, vector<1x16xf32>,
        %add3A_299 = arith.constant 50 : i32
        %add3A_300 = arith.addi %add3A_299, %add3A_265 : i32
        %get3A_301 = arith.index_cast %add3A_300 : i32 to index
        %get3A_302 = arith.constant 48 : index
        %get3A_303 = tpu.vector_load %arg6[%get3A_301, %get3A_302] {strides = array<i32>} : memref<100x128xf32, #tpu.memory_space<vmem>>, vector<1x16xf32>,
        %get3A_304 = vector.shape_cast %get3A_303 : vector<1x16xf32> to vector<16xf32>
        %swap3A_305 = arith.index_cast %add3A_265 : i32 to index
        %swap3A_306 = arith.constant 48 : index
        %swap3A_307 = tpu.vector_load %arg9[%swap3A_305, %swap3A_306] {strides = array<i32>} : memref<50x64xf32, #tpu.memory_space<vmem>>, vector<1x16xf32>,
        %swap3A_308 = vector.shape_cast %swap3A_307 : vector<1x16xf32> to vector<16xf32>
        %swap3A_309 = vector.shape_cast %get3A_304 : vector<16xf32> to vector<1x16xf32>
        tpu.vector_store %arg9[%swap3A_305, %swap3A_306], %swap3A_309 {strides = array<i32>} : memref<50x64xf32, #tpu.memory_space<vmem>>, vector<1x16xf32>,
        %mul3A_310 = arith.constant 10 : i32
        %mul3A_311 = arith.muli %scan3A_167, %mul3A_310 : i32
        %add3A_312 = arith.constant 3 : i32
        %add3A_313 = arith.addi %mul3A_311, %add3A_312 : i32
        %add3A_314 = arith.constant 50 : i32
        %add3A_315 = arith.addi %add3A_314, %add3A_313 : i32
        %get3A_316 = arith.index_cast %add3A_315 : i32 to index
        %get3A_317 = arith.constant 0 : index
        %get3A_318 = tpu.vector_load %arg6[%get3A_316, %get3A_317] {strides = array<i32>} : memref<100x128xf32, #tpu.memory_space<vmem>>, vector<1x16xf32>,
        %get3A_319 = vector.shape_cast %get3A_318 : vector<1x16xf32> to vector<16xf32>
        %swap3A_320 = arith.index_cast %add3A_313 : i32 to index
        %swap3A_321 = arith.constant 0 : index
        %swap3A_322 = tpu.vector_load %arg9[%swap3A_320, %swap3A_321] {strides = array<i32>} : memref<50x64xf32, #tpu.memory_space<vmem>>, vector<1x16xf32>,
        %swap3A_323 = vector.shape_cast %swap3A_322 : vector<1x16xf32> to vector<16xf32>
        %swap3A_324 = vector.shape_cast %get3A_319 : vector<16xf32> to vector<1x16xf32>
        tpu.vector_store %arg9[%swap3A_320, %swap3A_321], %swap3A_324 {strides = array<i32>} : memref<50x64xf32, #tpu.memory_space<vmem>>, vector<1x16xf32>,
        %add3A_325 = arith.constant 50 : i32
        %add3A_326 = arith.addi %add3A_325, %add3A_313 : i32
        %get3A_327 = arith.index_cast %add3A_326 : i32 to index
        %get3A_328 = arith.constant 16 : index
        %get3A_329 = tpu.vector_load %arg6[%get3A_327, %get3A_328] {strides = array<i32>} : memref<100x128xf32, #tpu.memory_space<vmem>>, vector<1x16xf32>,
        %get3A_330 = vector.shape_cast %get3A_329 : vector<1x16xf32> to vector<16xf32>
        %swap3A_331 = arith.index_cast %add3A_313 : i32 to index
        %swap3A_332 = arith.constant 16 : index
        %swap3A_333 = tpu.vector_load %arg9[%swap3A_331, %swap3A_332] {strides = array<i32>} : memref<50x64xf32, #tpu.memory_space<vmem>>, vector<1x16xf32>,
        %swap3A_334 = vector.shape_cast %swap3A_333 : vector<1x16xf32> to vector<16xf32>
        %swap3A_335 = vector.shape_cast %get3A_330 : vector<16xf32> to vector<1x16xf32>
        tpu.vector_store %arg9[%swap3A_331, %swap3A_332], %swap3A_335 {strides = array<i32>} : memref<50x64xf32, #tpu.memory_space<vmem>>, vector<1x16xf32>,
        %add3A_336 = arith.constant 50 : i32
        %add3A_337 = arith.addi %add3A_336, %add3A_313 : i32
        %get3A_338 = arith.index_cast %add3A_337 : i32 to index
        %get3A_339 = arith.constant 32 : index
        %get3A_340 = tpu.vector_load %arg6[%get3A_338, %get3A_339] {strides = array<i32>} : memref<100x128xf32, #tpu.memory_space<vmem>>, vector<1x16xf32>,
        %get3A_341 = vector.shape_cast %get3A_340 : vector<1x16xf32> to vector<16xf32>
        %swap3A_342 = arith.index_cast %add3A_313 : i32 to index
        %swap3A_343 = arith.constant 32 : index
        %swap3A_344 = tpu.vector_load %arg9[%swap3A_342, %swap3A_343] {strides = array<i32>} : memref<50x64xf32, #tpu.memory_space<vmem>>, vector<1x16xf32>,
        %swap3A_345 = vector.shape_cast %swap3A_344 : vector<1x16xf32> to vector<16xf32>
        %swap3A_346 = vector.shape_cast %get3A_341 : vector<16xf32> to vector<1x16xf32>
        tpu.vector_store %arg9[%swap3A_342, %swap3A_343], %swap3A_346 {strides = array<i32>} : memref<50x64xf32, #tpu.memory_space<vmem>>, vector<1x16xf32>,
        %add3A_347 = arith.constant 50 : i32
        %add3A_348 = arith.addi %add3A_347, %add3A_313 : i32
        %get3A_349 = arith.index_cast %add3A_348 : i32 to index
        %get3A_350 = arith.constant 48 : index
        %get3A_351 = tpu.vector_load %arg6[%get3A_349, %get3A_350] {strides = array<i32>} : memref<100x128xf32, #tpu.memory_space<vmem>>, vector<1x16xf32>,
        %get3A_352 = vector.shape_cast %get3A_351 : vector<1x16xf32> to vector<16xf32>
        %swap3A_353 = arith.index_cast %add3A_313 : i32 to index
        %swap3A_354 = arith.constant 48 : index
        %swap3A_355 = tpu.vector_load %arg9[%swap3A_353, %swap3A_354] {strides = array<i32>} : memref<50x64xf32, #tpu.memory_space<vmem>>, vector<1x16xf32>,
        %swap3A_356 = vector.shape_cast %swap3A_355 : vector<1x16xf32> to vector<16xf32>
        %swap3A_357 = vector.shape_cast %get3A_352 : vector<16xf32> to vector<1x16xf32>
        tpu.vector_store %arg9[%swap3A_353, %swap3A_354], %swap3A_357 {strides = array<i32>} : memref<50x64xf32, #tpu.memory_space<vmem>>, vector<1x16xf32>,
        %mul3A_358 = arith.constant 10 : i32
        %mul3A_359 = arith.muli %scan3A_167, %mul3A_358 : i32
        %add3A_360 = arith.constant 4 : i32
        %add3A_361 = arith.addi %mul3A_359, %add3A_360 : i32
        %add3A_362 = arith.constant 50 : i32
        %add3A_363 = arith.addi %add3A_362, %add3A_361 : i32
        %get3A_364 = arith.index_cast %add3A_363 : i32 to index
        %get3A_365 = arith.constant 0 : index
        %get3A_366 = tpu.vector_load %arg6[%get3A_364, %get3A_365] {strides = array<i32>} : memref<100x128xf32, #tpu.memory_space<vmem>>, vector<1x16xf32>,
        %get3A_367 = vector.shape_cast %get3A_366 : vector<1x16xf32> to vector<16xf32>
        %swap3A_368 = arith.index_cast %add3A_361 : i32 to index
        %swap3A_369 = arith.constant 0 : index
        %swap3A_370 = tpu.vector_load %arg9[%swap3A_368, %swap3A_369] {strides = array<i32>} : memref<50x64xf32, #tpu.memory_space<vmem>>, vector<1x16xf32>,
        %swap3A_371 = vector.shape_cast %swap3A_370 : vector<1x16xf32> to vector<16xf32>
        %swap3A_372 = vector.shape_cast %get3A_367 : vector<16xf32> to vector<1x16xf32>
        tpu.vector_store %arg9[%swap3A_368, %swap3A_369], %swap3A_372 {strides = array<i32>} : memref<50x64xf32, #tpu.memory_space<vmem>>, vector<1x16xf32>,
        %add3A_373 = arith.constant 50 : i32
        %add3A_374 = arith.addi %add3A_373, %add3A_361 : i32
        %get3A_375 = arith.index_cast %add3A_374 : i32 to index
        %get3A_376 = arith.constant 16 : index
        %get3A_377 = tpu.vector_load %arg6[%get3A_375, %get3A_376] {strides = array<i32>} : memref<100x128xf32, #tpu.memory_space<vmem>>, vector<1x16xf32>,
        %get3A_378 = vector.shape_cast %get3A_377 : vector<1x16xf32> to vector<16xf32>
        %swap3A_379 = arith.index_cast %add3A_361 : i32 to index
        %swap3A_380 = arith.constant 16 : index
        %swap3A_381 = tpu.vector_load %arg9[%swap3A_379, %swap3A_380] {strides = array<i32>} : memref<50x64xf32, #tpu.memory_space<vmem>>, vector<1x16xf32>,
        %swap3A_382 = vector.shape_cast %swap3A_381 : vector<1x16xf32> to vector<16xf32>
        %swap3A_383 = vector.shape_cast %get3A_378 : vector<16xf32> to vector<1x16xf32>
        tpu.vector_store %arg9[%swap3A_379, %swap3A_380], %swap3A_383 {strides = array<i32>} : memref<50x64xf32, #tpu.memory_space<vmem>>, vector<1x16xf32>,
        %add3A_384 = arith.constant 50 : i32
        %add3A_385 = arith.addi %add3A_384, %add3A_361 : i32
        %get3A_386 = arith.index_cast %add3A_385 : i32 to index
        %get3A_387 = arith.constant 32 : index
        %get3A_388 = tpu.vector_load %arg6[%get3A_386, %get3A_387] {strides = array<i32>} : memref<100x128xf32, #tpu.memory_space<vmem>>, vector<1x16xf32>,
        %get3A_389 = vector.shape_cast %get3A_388 : vector<1x16xf32> to vector<16xf32>
        %swap3A_390 = arith.index_cast %add3A_361 : i32 to index
        %swap3A_391 = arith.constant 32 : index
        %swap3A_392 = tpu.vector_load %arg9[%swap3A_390, %swap3A_391] {strides = array<i32>} : memref<50x64xf32, #tpu.memory_space<vmem>>, vector<1x16xf32>,
        %swap3A_393 = vector.shape_cast %swap3A_392 : vector<1x16xf32> to vector<16xf32>
        %swap3A_394 = vector.shape_cast %get3A_389 : vector<16xf32> to vector<1x16xf32>
        tpu.vector_store %arg9[%swap3A_390, %swap3A_391], %swap3A_394 {strides = array<i32>} : memref<50x64xf32, #tpu.memory_space<vmem>>, vector<1x16xf32>,
        %add3A_395 = arith.constant 50 : i32
        %add3A_396 = arith.addi %add3A_395, %add3A_361 : i32
        %get3A_397 = arith.index_cast %add3A_396 : i32 to index
        %get3A_398 = arith.constant 48 : index
        %get3A_399 = tpu.vector_load %arg6[%get3A_397, %get3A_398] {strides = array<i32>} : memref<100x128xf32, #tpu.memory_space<vmem>>, vector<1x16xf32>,
        %get3A_400 = vector.shape_cast %get3A_399 : vector<1x16xf32> to vector<16xf32>
        %swap3A_401 = arith.index_cast %add3A_361 : i32 to index
        %swap3A_402 = arith.constant 48 : index
        %swap3A_403 = tpu.vector_load %arg9[%swap3A_401, %swap3A_402] {strides = array<i32>} : memref<50x64xf32, #tpu.memory_space<vmem>>, vector<1x16xf32>,
        %swap3A_404 = vector.shape_cast %swap3A_403 : vector<1x16xf32> to vector<16xf32>
        %swap3A_405 = vector.shape_cast %get3A_400 : vector<16xf32> to vector<1x16xf32>
        tpu.vector_store %arg9[%swap3A_401, %swap3A_402], %swap3A_405 {strides = array<i32>} : memref<50x64xf32, #tpu.memory_space<vmem>>, vector<1x16xf32>,
        %mul3A_406 = arith.constant 10 : i32
        %mul3A_407 = arith.muli %scan3A_167, %mul3A_406 : i32
        %add3A_408 = arith.constant 5 : i32
        %add3A_409 = arith.addi %mul3A_407, %add3A_408 : i32
        %add3A_410 = arith.constant 50 : i32
        %add3A_411 = arith.addi %add3A_410, %add3A_409 : i32
        %get3A_412 = arith.index_cast %add3A_411 : i32 to index
        %get3A_413 = arith.constant 0 : index
        %get3A_414 = tpu.vector_load %arg6[%get3A_412, %get3A_413] {strides = array<i32>} : memref<100x128xf32, #tpu.memory_space<vmem>>, vector<1x16xf32>,
        %get3A_415 = vector.shape_cast %get3A_414 : vector<1x16xf32> to vector<16xf32>
        %swap3A_416 = arith.index_cast %add3A_409 : i32 to index
        %swap3A_417 = arith.constant 0 : index
        %swap3A_418 = tpu.vector_load %arg9[%swap3A_416, %swap3A_417] {strides = array<i32>} : memref<50x64xf32, #tpu.memory_space<vmem>>, vector<1x16xf32>,
        %swap3A_419 = vector.shape_cast %swap3A_418 : vector<1x16xf32> to vector<16xf32>
        %swap3A_420 = vector.shape_cast %get3A_415 : vector<16xf32> to vector<1x16xf32>
        tpu.vector_store %arg9[%swap3A_416, %swap3A_417], %swap3A_420 {strides = array<i32>} : memref<50x64xf32, #tpu.memory_space<vmem>>, vector<1x16xf32>,
        %add3A_421 = arith.constant 50 : i32
        %add3A_422 = arith.addi %add3A_421, %add3A_409 : i32
        %get3A_423 = arith.index_cast %add3A_422 : i32 to index
        %get3A_424 = arith.constant 16 : index
        %get3A_425 = tpu.vector_load %arg6[%get3A_423, %get3A_424] {strides = array<i32>} : memref<100x128xf32, #tpu.memory_space<vmem>>, vector<1x16xf32>,
        %get3A_426 = vector.shape_cast %get3A_425 : vector<1x16xf32> to vector<16xf32>
        %swap3A_427 = arith.index_cast %add3A_409 : i32 to index
        %swap3A_428 = arith.constant 16 : index
        %swap3A_429 = tpu.vector_load %arg9[%swap3A_427, %swap3A_428] {strides = array<i32>} : memref<50x64xf32, #tpu.memory_space<vmem>>, vector<1x16xf32>,
        %swap3A_430 = vector.shape_cast %swap3A_429 : vector<1x16xf32> to vector<16xf32>
        %swap3A_431 = vector.shape_cast %get3A_426 : vector<16xf32> to vector<1x16xf32>
        tpu.vector_store %arg9[%swap3A_427, %swap3A_428], %swap3A_431 {strides = array<i32>} : memref<50x64xf32, #tpu.memory_space<vmem>>, vector<1x16xf32>,
        %add3A_432 = arith.constant 50 : i32
        %add3A_433 = arith.addi %add3A_432, %add3A_409 : i32
        %get3A_434 = arith.index_cast %add3A_433 : i32 to index
        %get3A_435 = arith.constant 32 : index
        %get3A_436 = tpu.vector_load %arg6[%get3A_434, %get3A_435] {strides = array<i32>} : memref<100x128xf32, #tpu.memory_space<vmem>>, vector<1x16xf32>,
        %get3A_437 = vector.shape_cast %get3A_436 : vector<1x16xf32> to vector<16xf32>
        %swap3A_438 = arith.index_cast %add3A_409 : i32 to index
        %swap3A_439 = arith.constant 32 : index
        %swap3A_440 = tpu.vector_load %arg9[%swap3A_438, %swap3A_439] {strides = array<i32>} : memref<50x64xf32, #tpu.memory_space<vmem>>, vector<1x16xf32>,
        %swap3A_441 = vector.shape_cast %swap3A_440 : vector<1x16xf32> to vector<16xf32>
        %swap3A_442 = vector.shape_cast %get3A_437 : vector<16xf32> to vector<1x16xf32>
        tpu.vector_store %arg9[%swap3A_438, %swap3A_439], %swap3A_442 {strides = array<i32>} : memref<50x64xf32, #tpu.memory_space<vmem>>, vector<1x16xf32>,
        %add3A_443 = arith.constant 50 : i32
        %add3A_444 = arith.addi %add3A_443, %add3A_409 : i32
        %get3A_445 = arith.index_cast %add3A_444 : i32 to index
        %get3A_446 = arith.constant 48 : index
        %get3A_447 = tpu.vector_load %arg6[%get3A_445, %get3A_446] {strides = array<i32>} : memref<100x128xf32, #tpu.memory_space<vmem>>, vector<1x16xf32>,
        %get3A_448 = vector.shape_cast %get3A_447 : vector<1x16xf32> to vector<16xf32>
        %swap3A_449 = arith.index_cast %add3A_409 : i32 to index
        %swap3A_450 = arith.constant 48 : index
        %swap3A_451 = tpu.vector_load %arg9[%swap3A_449, %swap3A_450] {strides = array<i32>} : memref<50x64xf32, #tpu.memory_space<vmem>>, vector<1x16xf32>,
        %swap3A_452 = vector.shape_cast %swap3A_451 : vector<1x16xf32> to vector<16xf32>
        %swap3A_453 = vector.shape_cast %get3A_448 : vector<16xf32> to vector<1x16xf32>
        tpu.vector_store %arg9[%swap3A_449, %swap3A_450], %swap3A_453 {strides = array<i32>} : memref<50x64xf32, #tpu.memory_space<vmem>>, vector<1x16xf32>,
        %mul3A_454 = arith.constant 10 : i32
        %mul3A_455 = arith.muli %scan3A_167, %mul3A_454 : i32
        %add3A_456 = arith.constant 6 : i32
        %add3A_457 = arith.addi %mul3A_455, %add3A_456 : i32
        %add3A_458 = arith.constant 50 : i32
        %add3A_459 = arith.addi %add3A_458, %add3A_457 : i32
        %get3A_460 = arith.index_cast %add3A_459 : i32 to index
        %get3A_461 = arith.constant 0 : index
        %get3A_462 = tpu.vector_load %arg6[%get3A_460, %get3A_461] {strides = array<i32>} : memref<100x128xf32, #tpu.memory_space<vmem>>, vector<1x16xf32>,
        %get3A_463 = vector.shape_cast %get3A_462 : vector<1x16xf32> to vector<16xf32>
        %swap3A_464 = arith.index_cast %add3A_457 : i32 to index
        %swap3A_465 = arith.constant 0 : index
        %swap3A_466 = tpu.vector_load %arg9[%swap3A_464, %swap3A_465] {strides = array<i32>} : memref<50x64xf32, #tpu.memory_space<vmem>>, vector<1x16xf32>,
        %swap3A_467 = vector.shape_cast %swap3A_466 : vector<1x16xf32> to vector<16xf32>
        %swap3A_468 = vector.shape_cast %get3A_463 : vector<16xf32> to vector<1x16xf32>
        tpu.vector_store %arg9[%swap3A_464, %swap3A_465], %swap3A_468 {strides = array<i32>} : memref<50x64xf32, #tpu.memory_space<vmem>>, vector<1x16xf32>,
        %add3A_469 = arith.constant 50 : i32
        %add3A_470 = arith.addi %add3A_469, %add3A_457 : i32
        %get3A_471 = arith.index_cast %add3A_470 : i32 to index
        %get3A_472 = arith.constant 16 : index
        %get3A_473 = tpu.vector_load %arg6[%get3A_471, %get3A_472] {strides = array<i32>} : memref<100x128xf32, #tpu.memory_space<vmem>>, vector<1x16xf32>,
        %get3A_474 = vector.shape_cast %get3A_473 : vector<1x16xf32> to vector<16xf32>
        %swap3A_475 = arith.index_cast %add3A_457 : i32 to index
        %swap3A_476 = arith.constant 16 : index
        %swap3A_477 = tpu.vector_load %arg9[%swap3A_475, %swap3A_476] {strides = array<i32>} : memref<50x64xf32, #tpu.memory_space<vmem>>, vector<1x16xf32>,
        %swap3A_478 = vector.shape_cast %swap3A_477 : vector<1x16xf32> to vector<16xf32>
        %swap3A_479 = vector.shape_cast %get3A_474 : vector<16xf32> to vector<1x16xf32>
        tpu.vector_store %arg9[%swap3A_475, %swap3A_476], %swap3A_479 {strides = array<i32>} : memref<50x64xf32, #tpu.memory_space<vmem>>, vector<1x16xf32>,
        %add3A_480 = arith.constant 50 : i32
        %add3A_481 = arith.addi %add3A_480, %add3A_457 : i32
        %get3A_482 = arith.index_cast %add3A_481 : i32 to index
        %get3A_483 = arith.constant 32 : index
        %get3A_484 = tpu.vector_load %arg6[%get3A_482, %get3A_483] {strides = array<i32>} : memref<100x128xf32, #tpu.memory_space<vmem>>, vector<1x16xf32>,
        %get3A_485 = vector.shape_cast %get3A_484 : vector<1x16xf32> to vector<16xf32>
        %swap3A_486 = arith.index_cast %add3A_457 : i32 to index
        %swap3A_487 = arith.constant 32 : index
        %swap3A_488 = tpu.vector_load %arg9[%swap3A_486, %swap3A_487] {strides = array<i32>} : memref<50x64xf32, #tpu.memory_space<vmem>>, vector<1x16xf32>,
        %swap3A_489 = vector.shape_cast %swap3A_488 : vector<1x16xf32> to vector<16xf32>
        %swap3A_490 = vector.shape_cast %get3A_485 : vector<16xf32> to vector<1x16xf32>
        tpu.vector_store %arg9[%swap3A_486, %swap3A_487], %swap3A_490 {strides = array<i32>} : memref<50x64xf32, #tpu.memory_space<vmem>>, vector<1x16xf32>,
        %add3A_491 = arith.constant 50 : i32
        %add3A_492 = arith.addi %add3A_491, %add3A_457 : i32
        %get3A_493 = arith.index_cast %add3A_492 : i32 to index
        %get3A_494 = arith.constant 48 : index
        %get3A_495 = tpu.vector_load %arg6[%get3A_493, %get3A_494] {strides = array<i32>} : memref<100x128xf32, #tpu.memory_space<vmem>>, vector<1x16xf32>,
        %get3A_496 = vector.shape_cast %get3A_495 : vector<1x16xf32> to vector<16xf32>
        %swap3A_497 = arith.index_cast %add3A_457 : i32 to index
        %swap3A_498 = arith.constant 48 : index
        %swap3A_499 = tpu.vector_load %arg9[%swap3A_497, %swap3A_498] {strides = array<i32>} : memref<50x64xf32, #tpu.memory_space<vmem>>, vector<1x16xf32>,
        %swap3A_500 = vector.shape_cast %swap3A_499 : vector<1x16xf32> to vector<16xf32>
        %swap3A_501 = vector.shape_cast %get3A_496 : vector<16xf32> to vector<1x16xf32>
        tpu.vector_store %arg9[%swap3A_497, %swap3A_498], %swap3A_501 {strides = array<i32>} : memref<50x64xf32, #tpu.memory_space<vmem>>, vector<1x16xf32>,
        %mul3A_502 = arith.constant 10 : i32
        %mul3A_503 = arith.muli %scan3A_167, %mul3A_502 : i32
        %add3A_504 = arith.constant 7 : i32
        %add3A_505 = arith.addi %mul3A_503, %add3A_504 : i32
        %add3A_506 = arith.constant 50 : i32
        %add3A_507 = arith.addi %add3A_506, %add3A_505 : i32
        %get3A_508 = arith.index_cast %add3A_507 : i32 to index
        %get3A_509 = arith.constant 0 : index
        %get3A_510 = tpu.vector_load %arg6[%get3A_508, %get3A_509] {strides = array<i32>} : memref<100x128xf32, #tpu.memory_space<vmem>>, vector<1x16xf32>,
        %get3A_511 = vector.shape_cast %get3A_510 : vector<1x16xf32> to vector<16xf32>
        %swap3A_512 = arith.index_cast %add3A_505 : i32 to index
        %swap3A_513 = arith.constant 0 : index
        %swap3A_514 = tpu.vector_load %arg9[%swap3A_512, %swap3A_513] {strides = array<i32>} : memref<50x64xf32, #tpu.memory_space<vmem>>, vector<1x16xf32>,
        %swap3A_515 = vector.shape_cast %swap3A_514 : vector<1x16xf32> to vector<16xf32>
        %swap3A_516 = vector.shape_cast %get3A_511 : vector<16xf32> to vector<1x16xf32>
        tpu.vector_store %arg9[%swap3A_512, %swap3A_513], %swap3A_516 {strides = array<i32>} : memref<50x64xf32, #tpu.memory_space<vmem>>, vector<1x16xf32>,
        %add3A_517 = arith.constant 50 : i32
        %add3A_518 = arith.addi %add3A_517, %add3A_505 : i32
        %get3A_519 = arith.index_cast %add3A_518 : i32 to index
        %get3A_520 = arith.constant 16 : index
        %get3A_521 = tpu.vector_load %arg6[%get3A_519, %get3A_520] {strides = array<i32>} : memref<100x128xf32, #tpu.memory_space<vmem>>, vector<1x16xf32>,
        %get3A_522 = vector.shape_cast %get3A_521 : vector<1x16xf32> to vector<16xf32>
        %swap3A_523 = arith.index_cast %add3A_505 : i32 to index
        %swap3A_524 = arith.constant 16 : index
        %swap3A_525 = tpu.vector_load %arg9[%swap3A_523, %swap3A_524] {strides = array<i32>} : memref<50x64xf32, #tpu.memory_space<vmem>>, vector<1x16xf32>,
        %swap3A_526 = vector.shape_cast %swap3A_525 : vector<1x16xf32> to vector<16xf32>
        %swap3A_527 = vector.shape_cast %get3A_522 : vector<16xf32> to vector<1x16xf32>
        tpu.vector_store %arg9[%swap3A_523, %swap3A_524], %swap3A_527 {strides = array<i32>} : memref<50x64xf32, #tpu.memory_space<vmem>>, vector<1x16xf32>,
        %add3A_528 = arith.constant 50 : i32
        %add3A_529 = arith.addi %add3A_528, %add3A_505 : i32
        %get3A_530 = arith.index_cast %add3A_529 : i32 to index
        %get3A_531 = arith.constant 32 : index
        %get3A_532 = tpu.vector_load %arg6[%get3A_530, %get3A_531] {strides = array<i32>} : memref<100x128xf32, #tpu.memory_space<vmem>>, vector<1x16xf32>,
        %get3A_533 = vector.shape_cast %get3A_532 : vector<1x16xf32> to vector<16xf32>
        %swap3A_534 = arith.index_cast %add3A_505 : i32 to index
        %swap3A_535 = arith.constant 32 : index
        %swap3A_536 = tpu.vector_load %arg9[%swap3A_534, %swap3A_535] {strides = array<i32>} : memref<50x64xf32, #tpu.memory_space<vmem>>, vector<1x16xf32>,
        %swap3A_537 = vector.shape_cast %swap3A_536 : vector<1x16xf32> to vector<16xf32>
        %swap3A_538 = vector.shape_cast %get3A_533 : vector<16xf32> to vector<1x16xf32>
        tpu.vector_store %arg9[%swap3A_534, %swap3A_535], %swap3A_538 {strides = array<i32>} : memref<50x64xf32, #tpu.memory_space<vmem>>, vector<1x16xf32>,
        %add3A_539 = arith.constant 50 : i32
        %add3A_540 = arith.addi %add3A_539, %add3A_505 : i32
        %get3A_541 = arith.index_cast %add3A_540 : i32 to index
        %get3A_542 = arith.constant 48 : index
        %get3A_543 = tpu.vector_load %arg6[%get3A_541, %get3A_542] {strides = array<i32>} : memref<100x128xf32, #tpu.memory_space<vmem>>, vector<1x16xf32>,
        %get3A_544 = vector.shape_cast %get3A_543 : vector<1x16xf32> to vector<16xf32>
        %swap3A_545 = arith.index_cast %add3A_505 : i32 to index
        %swap3A_546 = arith.constant 48 : index
        %swap3A_547 = tpu.vector_load %arg9[%swap3A_545, %swap3A_546] {strides = array<i32>} : memref<50x64xf32, #tpu.memory_space<vmem>>, vector<1x16xf32>,
        %swap3A_548 = vector.shape_cast %swap3A_547 : vector<1x16xf32> to vector<16xf32>
        %swap3A_549 = vector.shape_cast %get3A_544 : vector<16xf32> to vector<1x16xf32>
        tpu.vector_store %arg9[%swap3A_545, %swap3A_546], %swap3A_549 {strides = array<i32>} : memref<50x64xf32, #tpu.memory_space<vmem>>, vector<1x16xf32>,
        %mul3A_550 = arith.constant 10 : i32
        %mul3A_551 = arith.muli %scan3A_167, %mul3A_550 : i32
        %add3A_552 = arith.constant 8 : i32
        %add3A_553 = arith.addi %mul3A_551, %add3A_552 : i32
        %add3A_554 = arith.constant 50 : i32
        %add3A_555 = arith.addi %add3A_554, %add3A_553 : i32
        %get3A_556 = arith.index_cast %add3A_555 : i32 to index
        %get3A_557 = arith.constant 0 : index
        %get3A_558 = tpu.vector_load %arg6[%get3A_556, %get3A_557] {strides = array<i32>} : memref<100x128xf32, #tpu.memory_space<vmem>>, vector<1x16xf32>,
        %get3A_559 = vector.shape_cast %get3A_558 : vector<1x16xf32> to vector<16xf32>
        %swap3A_560 = arith.index_cast %add3A_553 : i32 to index
        %swap3A_561 = arith.constant 0 : index
        %swap3A_562 = tpu.vector_load %arg9[%swap3A_560, %swap3A_561] {strides = array<i32>} : memref<50x64xf32, #tpu.memory_space<vmem>>, vector<1x16xf32>,
        %swap3A_563 = vector.shape_cast %swap3A_562 : vector<1x16xf32> to vector<16xf32>
        %swap3A_564 = vector.shape_cast %get3A_559 : vector<16xf32> to vector<1x16xf32>
        tpu.vector_store %arg9[%swap3A_560, %swap3A_561], %swap3A_564 {strides = array<i32>} : memref<50x64xf32, #tpu.memory_space<vmem>>, vector<1x16xf32>,
        %add3A_565 = arith.constant 50 : i32
        %add3A_566 = arith.addi %add3A_565, %add3A_553 : i32
        %get3A_567 = arith.index_cast %add3A_566 : i32 to index
        %get3A_568 = arith.constant 16 : index
        %get3A_569 = tpu.vector_load %arg6[%get3A_567, %get3A_568] {strides = array<i32>} : memref<100x128xf32, #tpu.memory_space<vmem>>, vector<1x16xf32>,
        %get3A_570 = vector.shape_cast %get3A_569 : vector<1x16xf32> to vector<16xf32>
        %swap3A_571 = arith.index_cast %add3A_553 : i32 to index
        %swap3A_572 = arith.constant 16 : index
        %swap3A_573 = tpu.vector_load %arg9[%swap3A_571, %swap3A_572] {strides = array<i32>} : memref<50x64xf32, #tpu.memory_space<vmem>>, vector<1x16xf32>,
        %swap3A_574 = vector.shape_cast %swap3A_573 : vector<1x16xf32> to vector<16xf32>
        %swap3A_575 = vector.shape_cast %get3A_570 : vector<16xf32> to vector<1x16xf32>
        tpu.vector_store %arg9[%swap3A_571, %swap3A_572], %swap3A_575 {strides = array<i32>} : memref<50x64xf32, #tpu.memory_space<vmem>>, vector<1x16xf32>,
        %add3A_576 = arith.constant 50 : i32
        %add3A_577 = arith.addi %add3A_576, %add3A_553 : i32
        %get3A_578 = arith.index_cast %add3A_577 : i32 to index
        %get3A_579 = arith.constant 32 : index
        %get3A_580 = tpu.vector_load %arg6[%get3A_578, %get3A_579] {strides = array<i32>} : memref<100x128xf32, #tpu.memory_space<vmem>>, vector<1x16xf32>,
        %get3A_581 = vector.shape_cast %get3A_580 : vector<1x16xf32> to vector<16xf32>
        %swap3A_582 = arith.index_cast %add3A_553 : i32 to index
        %swap3A_583 = arith.constant 32 : index
        %swap3A_584 = tpu.vector_load %arg9[%swap3A_582, %swap3A_583] {strides = array<i32>} : memref<50x64xf32, #tpu.memory_space<vmem>>, vector<1x16xf32>,
        %swap3A_585 = vector.shape_cast %swap3A_584 : vector<1x16xf32> to vector<16xf32>
        %swap3A_586 = vector.shape_cast %get3A_581 : vector<16xf32> to vector<1x16xf32>
        tpu.vector_store %arg9[%swap3A_582, %swap3A_583], %swap3A_586 {strides = array<i32>} : memref<50x64xf32, #tpu.memory_space<vmem>>, vector<1x16xf32>,
        %add3A_587 = arith.constant 50 : i32
        %add3A_588 = arith.addi %add3A_587, %add3A_553 : i32
        %get3A_589 = arith.index_cast %add3A_588 : i32 to index
        %get3A_590 = arith.constant 48 : index
        %get3A_591 = tpu.vector_load %arg6[%get3A_589, %get3A_590] {strides = array<i32>} : memref<100x128xf32, #tpu.memory_space<vmem>>, vector<1x16xf32>,
        %get3A_592 = vector.shape_cast %get3A_591 : vector<1x16xf32> to vector<16xf32>
        %swap3A_593 = arith.index_cast %add3A_553 : i32 to index
        %swap3A_594 = arith.constant 48 : index
        %swap3A_595 = tpu.vector_load %arg9[%swap3A_593, %swap3A_594] {strides = array<i32>} : memref<50x64xf32, #tpu.memory_space<vmem>>, vector<1x16xf32>,
        %swap3A_596 = vector.shape_cast %swap3A_595 : vector<1x16xf32> to vector<16xf32>
        %swap3A_597 = vector.shape_cast %get3A_592 : vector<16xf32> to vector<1x16xf32>
        tpu.vector_store %arg9[%swap3A_593, %swap3A_594], %swap3A_597 {strides = array<i32>} : memref<50x64xf32, #tpu.memory_space<vmem>>, vector<1x16xf32>,
        %mul3A_598 = arith.constant 10 : i32
        %mul3A_599 = arith.muli %scan3A_167, %mul3A_598 : i32
        %add3A_600 = arith.constant 9 : i32
        %add3A_601 = arith.addi %mul3A_599, %add3A_600 : i32
        %add3A_602 = arith.constant 50 : i32
        %add3A_603 = arith.addi %add3A_602, %add3A_601 : i32
        %get3A_604 = arith.index_cast %add3A_603 : i32 to index
        %get3A_605 = arith.constant 0 : index
        %get3A_606 = tpu.vector_load %arg6[%get3A_604, %get3A_605] {strides = array<i32>} : memref<100x128xf32, #tpu.memory_space<vmem>>, vector<1x16xf32>,
        %get3A_607 = vector.shape_cast %get3A_606 : vector<1x16xf32> to vector<16xf32>
        %swap3A_608 = arith.index_cast %add3A_601 : i32 to index
        %swap3A_609 = arith.constant 0 : index
        %swap3A_610 = tpu.vector_load %arg9[%swap3A_608, %swap3A_609] {strides = array<i32>} : memref<50x64xf32, #tpu.memory_space<vmem>>, vector<1x16xf32>,
        %swap3A_611 = vector.shape_cast %swap3A_610 : vector<1x16xf32> to vector<16xf32>
        %swap3A_612 = vector.shape_cast %get3A_607 : vector<16xf32> to vector<1x16xf32>
        tpu.vector_store %arg9[%swap3A_608, %swap3A_609], %swap3A_612 {strides = array<i32>} : memref<50x64xf32, #tpu.memory_space<vmem>>, vector<1x16xf32>,
        %add3A_613 = arith.constant 50 : i32
        %add3A_614 = arith.addi %add3A_613, %add3A_601 : i32
        %get3A_615 = arith.index_cast %add3A_614 : i32 to index
        %get3A_616 = arith.constant 16 : index
        %get3A_617 = tpu.vector_load %arg6[%get3A_615, %get3A_616] {strides = array<i32>} : memref<100x128xf32, #tpu.memory_space<vmem>>, vector<1x16xf32>,
        %get3A_618 = vector.shape_cast %get3A_617 : vector<1x16xf32> to vector<16xf32>
        %swap3A_619 = arith.index_cast %add3A_601 : i32 to index
        %swap3A_620 = arith.constant 16 : index
        %swap3A_621 = tpu.vector_load %arg9[%swap3A_619, %swap3A_620] {strides = array<i32>} : memref<50x64xf32, #tpu.memory_space<vmem>>, vector<1x16xf32>,
        %swap3A_622 = vector.shape_cast %swap3A_621 : vector<1x16xf32> to vector<16xf32>
        %swap3A_623 = vector.shape_cast %get3A_618 : vector<16xf32> to vector<1x16xf32>
        tpu.vector_store %arg9[%swap3A_619, %swap3A_620], %swap3A_623 {strides = array<i32>} : memref<50x64xf32, #tpu.memory_space<vmem>>, vector<1x16xf32>,
        %add3A_624 = arith.constant 50 : i32
        %add3A_625 = arith.addi %add3A_624, %add3A_601 : i32
        %get3A_626 = arith.index_cast %add3A_625 : i32 to index
        %get3A_627 = arith.constant 32 : index
        %get3A_628 = tpu.vector_load %arg6[%get3A_626, %get3A_627] {strides = array<i32>} : memref<100x128xf32, #tpu.memory_space<vmem>>, vector<1x16xf32>,
        %get3A_629 = vector.shape_cast %get3A_628 : vector<1x16xf32> to vector<16xf32>
        %swap3A_630 = arith.index_cast %add3A_601 : i32 to index
        %swap3A_631 = arith.constant 32 : index
        %swap3A_632 = tpu.vector_load %arg9[%swap3A_630, %swap3A_631] {strides = array<i32>} : memref<50x64xf32, #tpu.memory_space<vmem>>, vector<1x16xf32>,
        %swap3A_633 = vector.shape_cast %swap3A_632 : vector<1x16xf32> to vector<16xf32>
        %swap3A_634 = vector.shape_cast %get3A_629 : vector<16xf32> to vector<1x16xf32>
        tpu.vector_store %arg9[%swap3A_630, %swap3A_631], %swap3A_634 {strides = array<i32>} : memref<50x64xf32, #tpu.memory_space<vmem>>, vector<1x16xf32>,
        %add3A_635 = arith.constant 50 : i32
        %add3A_636 = arith.addi %add3A_635, %add3A_601 : i32
        %get3A_637 = arith.index_cast %add3A_636 : i32 to index
        %get3A_638 = arith.constant 48 : index
        %get3A_639 = tpu.vector_load %arg6[%get3A_637, %get3A_638] {strides = array<i32>} : memref<100x128xf32, #tpu.memory_space<vmem>>, vector<1x16xf32>,
        %get3A_640 = vector.shape_cast %get3A_639 : vector<1x16xf32> to vector<16xf32>
        %swap3A_641 = arith.index_cast %add3A_601 : i32 to index
        %swap3A_642 = arith.constant 48 : index
        %swap3A_643 = tpu.vector_load %arg9[%swap3A_641, %swap3A_642] {strides = array<i32>} : memref<50x64xf32, #tpu.memory_space<vmem>>, vector<1x16xf32>,
        %swap3A_644 = vector.shape_cast %swap3A_643 : vector<1x16xf32> to vector<16xf32>
        %swap3A_645 = vector.shape_cast %get3A_640 : vector<16xf32> to vector<1x16xf32>
        tpu.vector_store %arg9[%swap3A_641, %swap3A_642], %swap3A_645 {strides = array<i32>} : memref<50x64xf32, #tpu.memory_space<vmem>>, vector<1x16xf32>,
      }
      %scan3A_81 = arith.constant 5 : i32
      %mul3A_82 = arith.constant 2 : i32
      %mul3A_83 = arith.muli %mul3A_82, %add3A_60 : i32
      %add3A_84 = arith.addi %mul3A_2, %mul3A_83 : i32
      %dma_start3A_85 = arith.constant 0 : i32
      %dma_start3A_86 = arith.constant 0 : i32
      %dma_start3A_87 = tpu.memref_slice %arg4[%add3A_84, %dma_start3A_85, %dma_start3A_86] : memref<16384x50x64xf32, #tpu.memory_space<hbm>> -> memref<1x50x64xf32, #tpu.memory_space<hbm>>
      %dma_start3A_88 = tpu.memref_squeeze %dma_start3A_87 : memref<1x50x64xf32, #tpu.memory_space<hbm>> -> memref<50x64xf32, #tpu.memory_space<hbm>>
      %dma_start3A_89 = arith.constant 0 : i32
      %dma_start3A_90 = arith.constant 0 : i32
      %dma_start3A_91 = tpu.memref_slice %arg4[%add3A_84, %dma_start3A_89, %dma_start3A_90] : memref<16384x50x64xf32, #tpu.memory_space<hbm>> -> memref<1x50x64xf32, #tpu.memory_space<hbm>>
      %dma_start3A_92 = tpu.memref_squeeze %dma_start3A_91 : memref<1x50x64xf32, #tpu.memory_space<hbm>> -> memref<50x64xf32, #tpu.memory_space<hbm>>
      tpu.enqueue_dma source(%arg8 : memref<50x64xf32, #tpu.memory_space<vmem>>) target(%dma_start3A_92 : memref<50x64xf32, #tpu.memory_space<hbm>>) target_semaphore(%arg14 : memref<!tpu.dma_semaphore, #tpu.memory_space<semaphore_mem>>)
      %mul3A_93 = arith.constant 2 : i32
      %mul3A_94 = arith.muli %mul3A_93, %add3A_60 : i32
      %add3A_95 = arith.addi %mul3A_2, %mul3A_94 : i32
      %add3A_96 = arith.constant 1 : i32
      %add3A_97 = arith.addi %add3A_95, %add3A_96 : i32
      %dma_start3A_98 = arith.constant 0 : i32
      %dma_start3A_99 = arith.constant 0 : i32
      %dma_start3A_100 = tpu.memref_slice %arg4[%add3A_97, %dma_start3A_98, %dma_start3A_99] : memref<16384x50x64xf32, #tpu.memory_space<hbm>> -> memref<1x50x64xf32, #tpu.memory_space<hbm>>
      %dma_start3A_101 = tpu.memref_squeeze %dma_start3A_100 : memref<1x50x64xf32, #tpu.memory_space<hbm>> -> memref<50x64xf32, #tpu.memory_space<hbm>>
      %dma_start3A_102 = arith.constant 0 : i32
      %dma_start3A_103 = arith.constant 0 : i32
      %dma_start3A_104 = tpu.memref_slice %arg4[%add3A_97, %dma_start3A_102, %dma_start3A_103] : memref<16384x50x64xf32, #tpu.memory_space<hbm>> -> memref<1x50x64xf32, #tpu.memory_space<hbm>>
      %dma_start3A_105 = tpu.memref_squeeze %dma_start3A_104 : memref<1x50x64xf32, #tpu.memory_space<hbm>> -> memref<50x64xf32, #tpu.memory_space<hbm>>
      tpu.enqueue_dma source(%arg9 : memref<50x64xf32, #tpu.memory_space<vmem>>) target(%dma_start3A_105 : memref<50x64xf32, #tpu.memory_space<hbm>>) target_semaphore(%arg14 : memref<!tpu.dma_semaphore, #tpu.memory_space<semaphore_mem>>)
      %lt3A = arith.constant 127 : i32
      %lt3A_106 = arith.cmpi slt, %scan3A_56, %lt3A : i32
      %convert_element_type3A_107 = arith.extui %lt3A_106 : i1 to i32
      %cond3A_108 = arith.constant 0 : i32
      %cond3A_109 = arith.cmpi ne, %convert_element_type3A_107, %cond3A_108 : i32
      scf.if %cond3A_109 {
        %add3A_167 = arith.constant 2 : i32
        %add3A_168 = arith.addi %add3A_60, %add3A_167 : i32
        %dma_start3A_169 = arith.constant 0 : i32
        %dma_start3A_170 = tpu.memref_slice %arg5[%add3A_168, %dma_start3A_169] : memref<256x100xi32, #tpu.memory_space<vmem>> -> memref<1x100xi32, #tpu.memory_space<vmem>>
        %dma_start3A_171 = tpu.memref_squeeze %dma_start3A_170 : memref<1x100xi32, #tpu.memory_space<vmem>> -> memref<100xi32, #tpu.memory_space<vmem>>
        %dma_start3A_172 = arith.constant 0 : i32
        %dma_start3A_173 = arith.constant 0 : i32
        %dma_start3A_174 = tpu.memref_slice %arg3[%dma_start3A_172, %dma_start3A_173] : memref<100000x128xf32, #tpu.memory_space<hbm>> -> memref<100000x128xf32, #tpu.memory_space<hbm>>
        tpu.enqueue_indirect_dma source(%dma_start3A_174 : memref<100000x128xf32, #tpu.memory_space<hbm>>) target(%arg6 : memref<100x128xf32, #tpu.memory_space<vmem>>) offsets(%dma_start3A_171 : memref<100xi32, #tpu.memory_space<vmem>>) semaphore(%arg12 : memref<!tpu.dma_semaphore, #tpu.memory_space<semaphore_mem>>)
      } else {
      }
      %mul3A_110 = arith.constant 2 : i32
      %mul3A_111 = arith.muli %mul3A_110, %scan3A_56 : i32
      %add3A_112 = arith.constant 1 : i32
      %add3A_113 = arith.addi %mul3A_111, %add3A_112 : i32
      %dma_wait3A_114 = arith.constant 0 : i32
      %dma_wait3A_115 = arith.constant 0 : i32
      %dma_wait3A_116 = tpu.memref_slice %arg5[%dma_wait3A_114, %dma_wait3A_115] : memref<256x100xi32, #tpu.memory_space<vmem>> -> memref<1x100xi32, #tpu.memory_space<vmem>>
      %dma_wait3A_117 = tpu.memref_squeeze %dma_wait3A_116 : memref<1x100xi32, #tpu.memory_space<vmem>> -> memref<100xi32, #tpu.memory_space<vmem>>
      %dma_wait3A_118 = arith.constant 0 : i32
      %dma_wait3A_119 = arith.constant 0 : i32
      %dma_wait3A_120 = tpu.memref_slice %arg3[%dma_wait3A_118, %dma_wait3A_119] : memref<100000x128xf32, #tpu.memory_space<hbm>> -> memref<100000x128xf32, #tpu.memory_space<hbm>>
      tpu.wait_indirect_dma semaphore(%arg13 : memref<!tpu.dma_semaphore, #tpu.memory_space<semaphore_mem>>) src(%dma_wait3A_120 : memref<100000x128xf32, #tpu.memory_space<hbm>>) dst(%arg7 : memref<100x128xf32, #tpu.memory_space<vmem>>)
      %gt3A_121 = arith.constant 0 : i32
      %gt3A_122 = arith.cmpi sgt, %scan3A_56, %gt3A_121 : i32
      %convert_element_type3A_123 = arith.extui %gt3A_122 : i1 to i32
      %cond3A_124 = arith.constant 0 : i32
      %cond3A_125 = arith.cmpi ne, %convert_element_type3A_123, %cond3A_124 : i32
      scf.if %cond3A_125 {
        %dma_wait3A_167 = arith.constant 0 : i32
        %dma_wait3A_168 = arith.constant 0 : i32
        %dma_wait3A_169 = arith.constant 0 : i32
        %dma_wait3A_170 = tpu.memref_slice %arg4[%dma_wait3A_167, %dma_wait3A_168, %dma_wait3A_169] : memref<16384x50x64xf32, #tpu.memory_space<hbm>> -> memref<1x50x64xf32, #tpu.memory_space<hbm>>
        %dma_wait3A_171 = tpu.memref_squeeze %dma_wait3A_170 : memref<1x50x64xf32, #tpu.memory_space<hbm>> -> memref<50x64xf32, #tpu.memory_space<hbm>>
        %dma_wait3A_172 = arith.constant 0 : i32
        %dma_wait3A_173 = arith.constant 0 : i32
        %dma_wait3A_174 = tpu.memref_slice %arg4[%dma_wait3A_167, %dma_wait3A_172, %dma_wait3A_173] : memref<16384x50x64xf32, #tpu.memory_space<hbm>> -> memref<1x50x64xf32, #tpu.memory_space<hbm>>
        %dma_wait3A_175 = tpu.memref_squeeze %dma_wait3A_174 : memref<1x50x64xf32, #tpu.memory_space<hbm>> -> memref<50x64xf32, #tpu.memory_space<hbm>>
        tpu.wait_dma2 semaphore(%arg15 : memref<!tpu.dma_semaphore, #tpu.memory_space<semaphore_mem>>) src(%arg10 : memref<50x64xf32, #tpu.memory_space<vmem>>) dst(%dma_wait3A_175 : memref<50x64xf32, #tpu.memory_space<hbm>>)
        %dma_wait3A_176 = arith.constant 0 : i32
        %dma_wait3A_177 = arith.constant 0 : i32
        %dma_wait3A_178 = arith.constant 0 : i32
        %dma_wait3A_179 = tpu.memref_slice %arg4[%dma_wait3A_176, %dma_wait3A_177, %dma_wait3A_178] : memref<16384x50x64xf32, #tpu.memory_space<hbm>> -> memref<1x50x64xf32, #tpu.memory_space<hbm>>
        %dma_wait3A_180 = tpu.memref_squeeze %dma_wait3A_179 : memref<1x50x64xf32, #tpu.memory_space<hbm>> -> memref<50x64xf32, #tpu.memory_space<hbm>>
        %dma_wait3A_181 = arith.constant 0 : i32
        %dma_wait3A_182 = arith.constant 0 : i32
        %dma_wait3A_183 = tpu.memref_slice %arg4[%dma_wait3A_176, %dma_wait3A_181, %dma_wait3A_182] : memref<16384x50x64xf32, #tpu.memory_space<hbm>> -> memref<1x50x64xf32, #tpu.memory_space<hbm>>
        %dma_wait3A_184 = tpu.memref_squeeze %dma_wait3A_183 : memref<1x50x64xf32, #tpu.memory_space<hbm>> -> memref<50x64xf32, #tpu.memory_space<hbm>>
        tpu.wait_dma2 semaphore(%arg15 : memref<!tpu.dma_semaphore, #tpu.memory_space<semaphore_mem>>) src(%arg11 : memref<50x64xf32, #tpu.memory_space<vmem>>) dst(%dma_wait3A_184 : memref<50x64xf32, #tpu.memory_space<hbm>>)
      } else {
      }
      %scan3A_126 = arith.constant 0 : i32
      %scan3A_127 = arith.constant 0 : i32
      %scan3A_128 = arith.constant 5 : i32
      %scan3A_129 = arith.addi %scan3A_127, %scan3A_128 : i32
      %scan3A_130 = arith.constant 1 : i32
      scf.for %scan3A_167 = %scan3A_127 to %scan3A_129 step %scan3A_130  : i32 {
        %mul3A_168 = arith.constant 10 : i32
        %mul3A_169 = arith.muli %scan3A_167, %mul3A_168 : i32
        %add3A_170 = arith.constant 0 : i32
        %add3A_171 = arith.addi %mul3A_169, %add3A_170 : i32
        %add3A_172 = arith.constant 0 : i32
        %add3A_173 = arith.addi %add3A_172, %add3A_171 : i32
        %get3A = arith.index_cast %add3A_173 : i32 to index
        %get3A_174 = arith.constant 0 : index
        %get3A_175 = tpu.vector_load %arg7[%get3A, %get3A_174] {strides = array<i32>} : memref<100x128xf32, #tpu.memory_space<vmem>>, vector<1x16xf32>,
        %get3A_176 = vector.shape_cast %get3A_175 : vector<1x16xf32> to vector<16xf32>
        %swap3A = arith.index_cast %add3A_171 : i32 to index
        %swap3A_177 = arith.constant 0 : index
        %swap3A_178 = tpu.vector_load %arg10[%swap3A, %swap3A_177] {strides = array<i32>} : memref<50x64xf32, #tpu.memory_space<vmem>>, vector<1x16xf32>,
        %swap3A_179 = vector.shape_cast %swap3A_178 : vector<1x16xf32> to vector<16xf32>
        %swap3A_180 = vector.shape_cast %get3A_176 : vector<16xf32> to vector<1x16xf32>
        tpu.vector_store %arg10[%swap3A, %swap3A_177], %swap3A_180 {strides = array<i32>} : memref<50x64xf32, #tpu.memory_space<vmem>>, vector<1x16xf32>,
        %add3A_181 = arith.constant 0 : i32
        %add3A_182 = arith.addi %add3A_181, %add3A_171 : i32
        %get3A_183 = arith.index_cast %add3A_182 : i32 to index
        %get3A_184 = arith.constant 16 : index
        %get3A_185 = tpu.vector_load %arg7[%get3A_183, %get3A_184] {strides = array<i32>} : memref<100x128xf32, #tpu.memory_space<vmem>>, vector<1x16xf32>,
        %get3A_186 = vector.shape_cast %get3A_185 : vector<1x16xf32> to vector<16xf32>
        %swap3A_187 = arith.index_cast %add3A_171 : i32 to index
        %swap3A_188 = arith.constant 16 : index
        %swap3A_189 = tpu.vector_load %arg10[%swap3A_187, %swap3A_188] {strides = array<i32>} : memref<50x64xf32, #tpu.memory_space<vmem>>, vector<1x16xf32>,
        %swap3A_190 = vector.shape_cast %swap3A_189 : vector<1x16xf32> to vector<16xf32>
        %swap3A_191 = vector.shape_cast %get3A_186 : vector<16xf32> to vector<1x16xf32>
        tpu.vector_store %arg10[%swap3A_187, %swap3A_188], %swap3A_191 {strides = array<i32>} : memref<50x64xf32, #tpu.memory_space<vmem>>, vector<1x16xf32>,
        %add3A_192 = arith.constant 0 : i32
        %add3A_193 = arith.addi %add3A_192, %add3A_171 : i32
        %get3A_194 = arith.index_cast %add3A_193 : i32 to index
        %get3A_195 = arith.constant 32 : index
        %get3A_196 = tpu.vector_load %arg7[%get3A_194, %get3A_195] {strides = array<i32>} : memref<100x128xf32, #tpu.memory_space<vmem>>, vector<1x16xf32>,
        %get3A_197 = vector.shape_cast %get3A_196 : vector<1x16xf32> to vector<16xf32>
        %swap3A_198 = arith.index_cast %add3A_171 : i32 to index
        %swap3A_199 = arith.constant 32 : index
        %swap3A_200 = tpu.vector_load %arg10[%swap3A_198, %swap3A_199] {strides = array<i32>} : memref<50x64xf32, #tpu.memory_space<vmem>>, vector<1x16xf32>,
        %swap3A_201 = vector.shape_cast %swap3A_200 : vector<1x16xf32> to vector<16xf32>
        %swap3A_202 = vector.shape_cast %get3A_197 : vector<16xf32> to vector<1x16xf32>
        tpu.vector_store %arg10[%swap3A_198, %swap3A_199], %swap3A_202 {strides = array<i32>} : memref<50x64xf32, #tpu.memory_space<vmem>>, vector<1x16xf32>,
        %add3A_203 = arith.constant 0 : i32
        %add3A_204 = arith.addi %add3A_203, %add3A_171 : i32
        %get3A_205 = arith.index_cast %add3A_204 : i32 to index
        %get3A_206 = arith.constant 48 : index
        %get3A_207 = tpu.vector_load %arg7[%get3A_205, %get3A_206] {strides = array<i32>} : memref<100x128xf32, #tpu.memory_space<vmem>>, vector<1x16xf32>,
        %get3A_208 = vector.shape_cast %get3A_207 : vector<1x16xf32> to vector<16xf32>
        %swap3A_209 = arith.index_cast %add3A_171 : i32 to index
        %swap3A_210 = arith.constant 48 : index
        %swap3A_211 = tpu.vector_load %arg10[%swap3A_209, %swap3A_210] {strides = array<i32>} : memref<50x64xf32, #tpu.memory_space<vmem>>, vector<1x16xf32>,
        %swap3A_212 = vector.shape_cast %swap3A_211 : vector<1x16xf32> to vector<16xf32>
        %swap3A_213 = vector.shape_cast %get3A_208 : vector<16xf32> to vector<1x16xf32>
        tpu.vector_store %arg10[%swap3A_209, %swap3A_210], %swap3A_213 {strides = array<i32>} : memref<50x64xf32, #tpu.memory_space<vmem>>, vector<1x16xf32>,
        %mul3A_214 = arith.constant 10 : i32
        %mul3A_215 = arith.muli %scan3A_167, %mul3A_214 : i32
        %add3A_216 = arith.constant 1 : i32
        %add3A_217 = arith.addi %mul3A_215, %add3A_216 : i32
        %add3A_218 = arith.constant 0 : i32
        %add3A_219 = arith.addi %add3A_218, %add3A_217 : i32
        %get3A_220 = arith.index_cast %add3A_219 : i32 to index
        %get3A_221 = arith.constant 0 : index
        %get3A_222 = tpu.vector_load %arg7[%get3A_220, %get3A_221] {strides = array<i32>} : memref<100x128xf32, #tpu.memory_space<vmem>>, vector<1x16xf32>,
        %get3A_223 = vector.shape_cast %get3A_222 : vector<1x16xf32> to vector<16xf32>
        %swap3A_224 = arith.index_cast %add3A_217 : i32 to index
        %swap3A_225 = arith.constant 0 : index
        %swap3A_226 = tpu.vector_load %arg10[%swap3A_224, %swap3A_225] {strides = array<i32>} : memref<50x64xf32, #tpu.memory_space<vmem>>, vector<1x16xf32>,
        %swap3A_227 = vector.shape_cast %swap3A_226 : vector<1x16xf32> to vector<16xf32>
        %swap3A_228 = vector.shape_cast %get3A_223 : vector<16xf32> to vector<1x16xf32>
        tpu.vector_store %arg10[%swap3A_224, %swap3A_225], %swap3A_228 {strides = array<i32>} : memref<50x64xf32, #tpu.memory_space<vmem>>, vector<1x16xf32>,
        %add3A_229 = arith.constant 0 : i32
        %add3A_230 = arith.addi %add3A_229, %add3A_217 : i32
        %get3A_231 = arith.index_cast %add3A_230 : i32 to index
        %get3A_232 = arith.constant 16 : index
        %get3A_233 = tpu.vector_load %arg7[%get3A_231, %get3A_232] {strides = array<i32>} : memref<100x128xf32, #tpu.memory_space<vmem>>, vector<1x16xf32>,
        %get3A_234 = vector.shape_cast %get3A_233 : vector<1x16xf32> to vector<16xf32>
        %swap3A_235 = arith.index_cast %add3A_217 : i32 to index
        %swap3A_236 = arith.constant 16 : index
        %swap3A_237 = tpu.vector_load %arg10[%swap3A_235, %swap3A_236] {strides = array<i32>} : memref<50x64xf32, #tpu.memory_space<vmem>>, vector<1x16xf32>,
        %swap3A_238 = vector.shape_cast %swap3A_237 : vector<1x16xf32> to vector<16xf32>
        %swap3A_239 = vector.shape_cast %get3A_234 : vector<16xf32> to vector<1x16xf32>
        tpu.vector_store %arg10[%swap3A_235, %swap3A_236], %swap3A_239 {strides = array<i32>} : memref<50x64xf32, #tpu.memory_space<vmem>>, vector<1x16xf32>,
        %add3A_240 = arith.constant 0 : i32
        %add3A_241 = arith.addi %add3A_240, %add3A_217 : i32
        %get3A_242 = arith.index_cast %add3A_241 : i32 to index
        %get3A_243 = arith.constant 32 : index
        %get3A_244 = tpu.vector_load %arg7[%get3A_242, %get3A_243] {strides = array<i32>} : memref<100x128xf32, #tpu.memory_space<vmem>>, vector<1x16xf32>,
        %get3A_245 = vector.shape_cast %get3A_244 : vector<1x16xf32> to vector<16xf32>
        %swap3A_246 = arith.index_cast %add3A_217 : i32 to index
        %swap3A_247 = arith.constant 32 : index
        %swap3A_248 = tpu.vector_load %arg10[%swap3A_246, %swap3A_247] {strides = array<i32>} : memref<50x64xf32, #tpu.memory_space<vmem>>, vector<1x16xf32>,
        %swap3A_249 = vector.shape_cast %swap3A_248 : vector<1x16xf32> to vector<16xf32>
        %swap3A_250 = vector.shape_cast %get3A_245 : vector<16xf32> to vector<1x16xf32>
        tpu.vector_store %arg10[%swap3A_246, %swap3A_247], %swap3A_250 {strides = array<i32>} : memref<50x64xf32, #tpu.memory_space<vmem>>, vector<1x16xf32>,
        %add3A_251 = arith.constant 0 : i32
        %add3A_252 = arith.addi %add3A_251, %add3A_217 : i32
        %get3A_253 = arith.index_cast %add3A_252 : i32 to index
        %get3A_254 = arith.constant 48 : index
        %get3A_255 = tpu.vector_load %arg7[%get3A_253, %get3A_254] {strides = array<i32>} : memref<100x128xf32, #tpu.memory_space<vmem>>, vector<1x16xf32>,
        %get3A_256 = vector.shape_cast %get3A_255 : vector<1x16xf32> to vector<16xf32>
        %swap3A_257 = arith.index_cast %add3A_217 : i32 to index
        %swap3A_258 = arith.constant 48 : index
        %swap3A_259 = tpu.vector_load %arg10[%swap3A_257, %swap3A_258] {strides = array<i32>} : memref<50x64xf32, #tpu.memory_space<vmem>>, vector<1x16xf32>,
        %swap3A_260 = vector.shape_cast %swap3A_259 : vector<1x16xf32> to vector<16xf32>
        %swap3A_261 = vector.shape_cast %get3A_256 : vector<16xf32> to vector<1x16xf32>
        tpu.vector_store %arg10[%swap3A_257, %swap3A_258], %swap3A_261 {strides = array<i32>} : memref<50x64xf32, #tpu.memory_space<vmem>>, vector<1x16xf32>,
        %mul3A_262 = arith.constant 10 : i32
        %mul3A_263 = arith.muli %scan3A_167, %mul3A_262 : i32
        %add3A_264 = arith.constant 2 : i32
        %add3A_265 = arith.addi %mul3A_263, %add3A_264 : i32
        %add3A_266 = arith.constant 0 : i32
        %add3A_267 = arith.addi %add3A_266, %add3A_265 : i32
        %get3A_268 = arith.index_cast %add3A_267 : i32 to index
        %get3A_269 = arith.constant 0 : index
        %get3A_270 = tpu.vector_load %arg7[%get3A_268, %get3A_269] {strides = array<i32>} : memref<100x128xf32, #tpu.memory_space<vmem>>, vector<1x16xf32>,
        %get3A_271 = vector.shape_cast %get3A_270 : vector<1x16xf32> to vector<16xf32>
        %swap3A_272 = arith.index_cast %add3A_265 : i32 to index
        %swap3A_273 = arith.constant 0 : index
        %swap3A_274 = tpu.vector_load %arg10[%swap3A_272, %swap3A_273] {strides = array<i32>} : memref<50x64xf32, #tpu.memory_space<vmem>>, vector<1x16xf32>,
        %swap3A_275 = vector.shape_cast %swap3A_274 : vector<1x16xf32> to vector<16xf32>
        %swap3A_276 = vector.shape_cast %get3A_271 : vector<16xf32> to vector<1x16xf32>
        tpu.vector_store %arg10[%swap3A_272, %swap3A_273], %swap3A_276 {strides = array<i32>} : memref<50x64xf32, #tpu.memory_space<vmem>>, vector<1x16xf32>,
        %add3A_277 = arith.constant 0 : i32
        %add3A_278 = arith.addi %add3A_277, %add3A_265 : i32
        %get3A_279 = arith.index_cast %add3A_278 : i32 to index
        %get3A_280 = arith.constant 16 : index
        %get3A_281 = tpu.vector_load %arg7[%get3A_279, %get3A_280] {strides = array<i32>} : memref<100x128xf32, #tpu.memory_space<vmem>>, vector<1x16xf32>,
        %get3A_282 = vector.shape_cast %get3A_281 : vector<1x16xf32> to vector<16xf32>
        %swap3A_283 = arith.index_cast %add3A_265 : i32 to index
        %swap3A_284 = arith.constant 16 : index
        %swap3A_285 = tpu.vector_load %arg10[%swap3A_283, %swap3A_284] {strides = array<i32>} : memref<50x64xf32, #tpu.memory_space<vmem>>, vector<1x16xf32>,
        %swap3A_286 = vector.shape_cast %swap3A_285 : vector<1x16xf32> to vector<16xf32>
        %swap3A_287 = vector.shape_cast %get3A_282 : vector<16xf32> to vector<1x16xf32>
        tpu.vector_store %arg10[%swap3A_283, %swap3A_284], %swap3A_287 {strides = array<i32>} : memref<50x64xf32, #tpu.memory_space<vmem>>, vector<1x16xf32>,
        %add3A_288 = arith.constant 0 : i32
        %add3A_289 = arith.addi %add3A_288, %add3A_265 : i32
        %get3A_290 = arith.index_cast %add3A_289 : i32 to index
        %get3A_291 = arith.constant 32 : index
        %get3A_292 = tpu.vector_load %arg7[%get3A_290, %get3A_291] {strides = array<i32>} : memref<100x128xf32, #tpu.memory_space<vmem>>, vector<1x16xf32>,
        %get3A_293 = vector.shape_cast %get3A_292 : vector<1x16xf32> to vector<16xf32>
        %swap3A_294 = arith.index_cast %add3A_265 : i32 to index
        %swap3A_295 = arith.constant 32 : index
        %swap3A_296 = tpu.vector_load %arg10[%swap3A_294, %swap3A_295] {strides = array<i32>} : memref<50x64xf32, #tpu.memory_space<vmem>>, vector<1x16xf32>,
        %swap3A_297 = vector.shape_cast %swap3A_296 : vector<1x16xf32> to vector<16xf32>
        %swap3A_298 = vector.shape_cast %get3A_293 : vector<16xf32> to vector<1x16xf32>
        tpu.vector_store %arg10[%swap3A_294, %swap3A_295], %swap3A_298 {strides = array<i32>} : memref<50x64xf32, #tpu.memory_space<vmem>>, vector<1x16xf32>,
        %add3A_299 = arith.constant 0 : i32
        %add3A_300 = arith.addi %add3A_299, %add3A_265 : i32
        %get3A_301 = arith.index_cast %add3A_300 : i32 to index
        %get3A_302 = arith.constant 48 : index
        %get3A_303 = tpu.vector_load %arg7[%get3A_301, %get3A_302] {strides = array<i32>} : memref<100x128xf32, #tpu.memory_space<vmem>>, vector<1x16xf32>,
        %get3A_304 = vector.shape_cast %get3A_303 : vector<1x16xf32> to vector<16xf32>
        %swap3A_305 = arith.index_cast %add3A_265 : i32 to index
        %swap3A_306 = arith.constant 48 : index
        %swap3A_307 = tpu.vector_load %arg10[%swap3A_305, %swap3A_306] {strides = array<i32>} : memref<50x64xf32, #tpu.memory_space<vmem>>, vector<1x16xf32>,
        %swap3A_308 = vector.shape_cast %swap3A_307 : vector<1x16xf32> to vector<16xf32>
        %swap3A_309 = vector.shape_cast %get3A_304 : vector<16xf32> to vector<1x16xf32>
        tpu.vector_store %arg10[%swap3A_305, %swap3A_306], %swap3A_309 {strides = array<i32>} : memref<50x64xf32, #tpu.memory_space<vmem>>, vector<1x16xf32>,
        %mul3A_310 = arith.constant 10 : i32
        %mul3A_311 = arith.muli %scan3A_167, %mul3A_310 : i32
        %add3A_312 = arith.constant 3 : i32
        %add3A_313 = arith.addi %mul3A_311, %add3A_312 : i32
        %add3A_314 = arith.constant 0 : i32
        %add3A_315 = arith.addi %add3A_314, %add3A_313 : i32
        %get3A_316 = arith.index_cast %add3A_315 : i32 to index
        %get3A_317 = arith.constant 0 : index
        %get3A_318 = tpu.vector_load %arg7[%get3A_316, %get3A_317] {strides = array<i32>} : memref<100x128xf32, #tpu.memory_space<vmem>>, vector<1x16xf32>,
        %get3A_319 = vector.shape_cast %get3A_318 : vector<1x16xf32> to vector<16xf32>
        %swap3A_320 = arith.index_cast %add3A_313 : i32 to index
        %swap3A_321 = arith.constant 0 : index
        %swap3A_322 = tpu.vector_load %arg10[%swap3A_320, %swap3A_321] {strides = array<i32>} : memref<50x64xf32, #tpu.memory_space<vmem>>, vector<1x16xf32>,
        %swap3A_323 = vector.shape_cast %swap3A_322 : vector<1x16xf32> to vector<16xf32>
        %swap3A_324 = vector.shape_cast %get3A_319 : vector<16xf32> to vector<1x16xf32>
        tpu.vector_store %arg10[%swap3A_320, %swap3A_321], %swap3A_324 {strides = array<i32>} : memref<50x64xf32, #tpu.memory_space<vmem>>, vector<1x16xf32>,
        %add3A_325 = arith.constant 0 : i32
        %add3A_326 = arith.addi %add3A_325, %add3A_313 : i32
        %get3A_327 = arith.index_cast %add3A_326 : i32 to index
        %get3A_328 = arith.constant 16 : index
        %get3A_329 = tpu.vector_load %arg7[%get3A_327, %get3A_328] {strides = array<i32>} : memref<100x128xf32, #tpu.memory_space<vmem>>, vector<1x16xf32>,
        %get3A_330 = vector.shape_cast %get3A_329 : vector<1x16xf32> to vector<16xf32>
        %swap3A_331 = arith.index_cast %add3A_313 : i32 to index
        %swap3A_332 = arith.constant 16 : index
        %swap3A_333 = tpu.vector_load %arg10[%swap3A_331, %swap3A_332] {strides = array<i32>} : memref<50x64xf32, #tpu.memory_space<vmem>>, vector<1x16xf32>,
        %swap3A_334 = vector.shape_cast %swap3A_333 : vector<1x16xf32> to vector<16xf32>
        %swap3A_335 = vector.shape_cast %get3A_330 : vector<16xf32> to vector<1x16xf32>
        tpu.vector_store %arg10[%swap3A_331, %swap3A_332], %swap3A_335 {strides = array<i32>} : memref<50x64xf32, #tpu.memory_space<vmem>>, vector<1x16xf32>,
        %add3A_336 = arith.constant 0 : i32
        %add3A_337 = arith.addi %add3A_336, %add3A_313 : i32
        %get3A_338 = arith.index_cast %add3A_337 : i32 to index
        %get3A_339 = arith.constant 32 : index
        %get3A_340 = tpu.vector_load %arg7[%get3A_338, %get3A_339] {strides = array<i32>} : memref<100x128xf32, #tpu.memory_space<vmem>>, vector<1x16xf32>,
        %get3A_341 = vector.shape_cast %get3A_340 : vector<1x16xf32> to vector<16xf32>
        %swap3A_342 = arith.index_cast %add3A_313 : i32 to index
        %swap3A_343 = arith.constant 32 : index
        %swap3A_344 = tpu.vector_load %arg10[%swap3A_342, %swap3A_343] {strides = array<i32>} : memref<50x64xf32, #tpu.memory_space<vmem>>, vector<1x16xf32>,
        %swap3A_345 = vector.shape_cast %swap3A_344 : vector<1x16xf32> to vector<16xf32>
        %swap3A_346 = vector.shape_cast %get3A_341 : vector<16xf32> to vector<1x16xf32>
        tpu.vector_store %arg10[%swap3A_342, %swap3A_343], %swap3A_346 {strides = array<i32>} : memref<50x64xf32, #tpu.memory_space<vmem>>, vector<1x16xf32>,
        %add3A_347 = arith.constant 0 : i32
        %add3A_348 = arith.addi %add3A_347, %add3A_313 : i32
        %get3A_349 = arith.index_cast %add3A_348 : i32 to index
        %get3A_350 = arith.constant 48 : index
        %get3A_351 = tpu.vector_load %arg7[%get3A_349, %get3A_350] {strides = array<i32>} : memref<100x128xf32, #tpu.memory_space<vmem>>, vector<1x16xf32>,
        %get3A_352 = vector.shape_cast %get3A_351 : vector<1x16xf32> to vector<16xf32>
        %swap3A_353 = arith.index_cast %add3A_313 : i32 to index
        %swap3A_354 = arith.constant 48 : index
        %swap3A_355 = tpu.vector_load %arg10[%swap3A_353, %swap3A_354] {strides = array<i32>} : memref<50x64xf32, #tpu.memory_space<vmem>>, vector<1x16xf32>,
        %swap3A_356 = vector.shape_cast %swap3A_355 : vector<1x16xf32> to vector<16xf32>
        %swap3A_357 = vector.shape_cast %get3A_352 : vector<16xf32> to vector<1x16xf32>
        tpu.vector_store %arg10[%swap3A_353, %swap3A_354], %swap3A_357 {strides = array<i32>} : memref<50x64xf32, #tpu.memory_space<vmem>>, vector<1x16xf32>,
        %mul3A_358 = arith.constant 10 : i32
        %mul3A_359 = arith.muli %scan3A_167, %mul3A_358 : i32
        %add3A_360 = arith.constant 4 : i32
        %add3A_361 = arith.addi %mul3A_359, %add3A_360 : i32
        %add3A_362 = arith.constant 0 : i32
        %add3A_363 = arith.addi %add3A_362, %add3A_361 : i32
        %get3A_364 = arith.index_cast %add3A_363 : i32 to index
        %get3A_365 = arith.constant 0 : index
        %get3A_366 = tpu.vector_load %arg7[%get3A_364, %get3A_365] {strides = array<i32>} : memref<100x128xf32, #tpu.memory_space<vmem>>, vector<1x16xf32>,
        %get3A_367 = vector.shape_cast %get3A_366 : vector<1x16xf32> to vector<16xf32>
        %swap3A_368 = arith.index_cast %add3A_361 : i32 to index
        %swap3A_369 = arith.constant 0 : index
        %swap3A_370 = tpu.vector_load %arg10[%swap3A_368, %swap3A_369] {strides = array<i32>} : memref<50x64xf32, #tpu.memory_space<vmem>>, vector<1x16xf32>,
        %swap3A_371 = vector.shape_cast %swap3A_370 : vector<1x16xf32> to vector<16xf32>
        %swap3A_372 = vector.shape_cast %get3A_367 : vector<16xf32> to vector<1x16xf32>
        tpu.vector_store %arg10[%swap3A_368, %swap3A_369], %swap3A_372 {strides = array<i32>} : memref<50x64xf32, #tpu.memory_space<vmem>>, vector<1x16xf32>,
        %add3A_373 = arith.constant 0 : i32
        %add3A_374 = arith.addi %add3A_373, %add3A_361 : i32
        %get3A_375 = arith.index_cast %add3A_374 : i32 to index
        %get3A_376 = arith.constant 16 : index
        %get3A_377 = tpu.vector_load %arg7[%get3A_375, %get3A_376] {strides = array<i32>} : memref<100x128xf32, #tpu.memory_space<vmem>>, vector<1x16xf32>,
        %get3A_378 = vector.shape_cast %get3A_377 : vector<1x16xf32> to vector<16xf32>
        %swap3A_379 = arith.index_cast %add3A_361 : i32 to index
        %swap3A_380 = arith.constant 16 : index
        %swap3A_381 = tpu.vector_load %arg10[%swap3A_379, %swap3A_380] {strides = array<i32>} : memref<50x64xf32, #tpu.memory_space<vmem>>, vector<1x16xf32>,
        %swap3A_382 = vector.shape_cast %swap3A_381 : vector<1x16xf32> to vector<16xf32>
        %swap3A_383 = vector.shape_cast %get3A_378 : vector<16xf32> to vector<1x16xf32>
        tpu.vector_store %arg10[%swap3A_379, %swap3A_380], %swap3A_383 {strides = array<i32>} : memref<50x64xf32, #tpu.memory_space<vmem>>, vector<1x16xf32>,
        %add3A_384 = arith.constant 0 : i32
        %add3A_385 = arith.addi %add3A_384, %add3A_361 : i32
        %get3A_386 = arith.index_cast %add3A_385 : i32 to index
        %get3A_387 = arith.constant 32 : index
        %get3A_388 = tpu.vector_load %arg7[%get3A_386, %get3A_387] {strides = array<i32>} : memref<100x128xf32, #tpu.memory_space<vmem>>, vector<1x16xf32>,
        %get3A_389 = vector.shape_cast %get3A_388 : vector<1x16xf32> to vector<16xf32>
        %swap3A_390 = arith.index_cast %add3A_361 : i32 to index
        %swap3A_391 = arith.constant 32 : index
        %swap3A_392 = tpu.vector_load %arg10[%swap3A_390, %swap3A_391] {strides = array<i32>} : memref<50x64xf32, #tpu.memory_space<vmem>>, vector<1x16xf32>,
        %swap3A_393 = vector.shape_cast %swap3A_392 : vector<1x16xf32> to vector<16xf32>
        %swap3A_394 = vector.shape_cast %get3A_389 : vector<16xf32> to vector<1x16xf32>
        tpu.vector_store %arg10[%swap3A_390, %swap3A_391], %swap3A_394 {strides = array<i32>} : memref<50x64xf32, #tpu.memory_space<vmem>>, vector<1x16xf32>,
        %add3A_395 = arith.constant 0 : i32
        %add3A_396 = arith.addi %add3A_395, %add3A_361 : i32
        %get3A_397 = arith.index_cast %add3A_396 : i32 to index
        %get3A_398 = arith.constant 48 : index
        %get3A_399 = tpu.vector_load %arg7[%get3A_397, %get3A_398] {strides = array<i32>} : memref<100x128xf32, #tpu.memory_space<vmem>>, vector<1x16xf32>,
        %get3A_400 = vector.shape_cast %get3A_399 : vector<1x16xf32> to vector<16xf32>
        %swap3A_401 = arith.index_cast %add3A_361 : i32 to index
        %swap3A_402 = arith.constant 48 : index
        %swap3A_403 = tpu.vector_load %arg10[%swap3A_401, %swap3A_402] {strides = array<i32>} : memref<50x64xf32, #tpu.memory_space<vmem>>, vector<1x16xf32>,
        %swap3A_404 = vector.shape_cast %swap3A_403 : vector<1x16xf32> to vector<16xf32>
        %swap3A_405 = vector.shape_cast %get3A_400 : vector<16xf32> to vector<1x16xf32>
        tpu.vector_store %arg10[%swap3A_401, %swap3A_402], %swap3A_405 {strides = array<i32>} : memref<50x64xf32, #tpu.memory_space<vmem>>, vector<1x16xf32>,
        %mul3A_406 = arith.constant 10 : i32
        %mul3A_407 = arith.muli %scan3A_167, %mul3A_406 : i32
        %add3A_408 = arith.constant 5 : i32
        %add3A_409 = arith.addi %mul3A_407, %add3A_408 : i32
        %add3A_410 = arith.constant 0 : i32
        %add3A_411 = arith.addi %add3A_410, %add3A_409 : i32
        %get3A_412 = arith.index_cast %add3A_411 : i32 to index
        %get3A_413 = arith.constant 0 : index
        %get3A_414 = tpu.vector_load %arg7[%get3A_412, %get3A_413] {strides = array<i32>} : memref<100x128xf32, #tpu.memory_space<vmem>>, vector<1x16xf32>,
        %get3A_415 = vector.shape_cast %get3A_414 : vector<1x16xf32> to vector<16xf32>
        %swap3A_416 = arith.index_cast %add3A_409 : i32 to index
        %swap3A_417 = arith.constant 0 : index
        %swap3A_418 = tpu.vector_load %arg10[%swap3A_416, %swap3A_417] {strides = array<i32>} : memref<50x64xf32, #tpu.memory_space<vmem>>, vector<1x16xf32>,
        %swap3A_419 = vector.shape_cast %swap3A_418 : vector<1x16xf32> to vector<16xf32>
        %swap3A_420 = vector.shape_cast %get3A_415 : vector<16xf32> to vector<1x16xf32>
        tpu.vector_store %arg10[%swap3A_416, %swap3A_417], %swap3A_420 {strides = array<i32>} : memref<50x64xf32, #tpu.memory_space<vmem>>, vector<1x16xf32>,
        %add3A_421 = arith.constant 0 : i32
        %add3A_422 = arith.addi %add3A_421, %add3A_409 : i32
        %get3A_423 = arith.index_cast %add3A_422 : i32 to index
        %get3A_424 = arith.constant 16 : index
        %get3A_425 = tpu.vector_load %arg7[%get3A_423, %get3A_424] {strides = array<i32>} : memref<100x128xf32, #tpu.memory_space<vmem>>, vector<1x16xf32>,
        %get3A_426 = vector.shape_cast %get3A_425 : vector<1x16xf32> to vector<16xf32>
        %swap3A_427 = arith.index_cast %add3A_409 : i32 to index
        %swap3A_428 = arith.constant 16 : index
        %swap3A_429 = tpu.vector_load %arg10[%swap3A_427, %swap3A_428] {strides = array<i32>} : memref<50x64xf32, #tpu.memory_space<vmem>>, vector<1x16xf32>,
        %swap3A_430 = vector.shape_cast %swap3A_429 : vector<1x16xf32> to vector<16xf32>
        %swap3A_431 = vector.shape_cast %get3A_426 : vector<16xf32> to vector<1x16xf32>
        tpu.vector_store %arg10[%swap3A_427, %swap3A_428], %swap3A_431 {strides = array<i32>} : memref<50x64xf32, #tpu.memory_space<vmem>>, vector<1x16xf32>,
        %add3A_432 = arith.constant 0 : i32
        %add3A_433 = arith.addi %add3A_432, %add3A_409 : i32
        %get3A_434 = arith.index_cast %add3A_433 : i32 to index
        %get3A_435 = arith.constant 32 : index
        %get3A_436 = tpu.vector_load %arg7[%get3A_434, %get3A_435] {strides = array<i32>} : memref<100x128xf32, #tpu.memory_space<vmem>>, vector<1x16xf32>,
        %get3A_437 = vector.shape_cast %get3A_436 : vector<1x16xf32> to vector<16xf32>
        %swap3A_438 = arith.index_cast %add3A_409 : i32 to index
        %swap3A_439 = arith.constant 32 : index
        %swap3A_440 = tpu.vector_load %arg10[%swap3A_438, %swap3A_439] {strides = array<i32>} : memref<50x64xf32, #tpu.memory_space<vmem>>, vector<1x16xf32>,
        %swap3A_441 = vector.shape_cast %swap3A_440 : vector<1x16xf32> to vector<16xf32>
        %swap3A_442 = vector.shape_cast %get3A_437 : vector<16xf32> to vector<1x16xf32>
        tpu.vector_store %arg10[%swap3A_438, %swap3A_439], %swap3A_442 {strides = array<i32>} : memref<50x64xf32, #tpu.memory_space<vmem>>, vector<1x16xf32>,
        %add3A_443 = arith.constant 0 : i32
        %add3A_444 = arith.addi %add3A_443, %add3A_409 : i32
        %get3A_445 = arith.index_cast %add3A_444 : i32 to index
        %get3A_446 = arith.constant 48 : index
        %get3A_447 = tpu.vector_load %arg7[%get3A_445, %get3A_446] {strides = array<i32>} : memref<100x128xf32, #tpu.memory_space<vmem>>, vector<1x16xf32>,
        %get3A_448 = vector.shape_cast %get3A_447 : vector<1x16xf32> to vector<16xf32>
        %swap3A_449 = arith.index_cast %add3A_409 : i32 to index
        %swap3A_450 = arith.constant 48 : index
        %swap3A_451 = tpu.vector_load %arg10[%swap3A_449, %swap3A_450] {strides = array<i32>} : memref<50x64xf32, #tpu.memory_space<vmem>>, vector<1x16xf32>,
        %swap3A_452 = vector.shape_cast %swap3A_451 : vector<1x16xf32> to vector<16xf32>
        %swap3A_453 = vector.shape_cast %get3A_448 : vector<16xf32> to vector<1x16xf32>
        tpu.vector_store %arg10[%swap3A_449, %swap3A_450], %swap3A_453 {strides = array<i32>} : memref<50x64xf32, #tpu.memory_space<vmem>>, vector<1x16xf32>,
        %mul3A_454 = arith.constant 10 : i32
        %mul3A_455 = arith.muli %scan3A_167, %mul3A_454 : i32
        %add3A_456 = arith.constant 6 : i32
        %add3A_457 = arith.addi %mul3A_455, %add3A_456 : i32
        %add3A_458 = arith.constant 0 : i32
        %add3A_459 = arith.addi %add3A_458, %add3A_457 : i32
        %get3A_460 = arith.index_cast %add3A_459 : i32 to index
        %get3A_461 = arith.constant 0 : index
        %get3A_462 = tpu.vector_load %arg7[%get3A_460, %get3A_461] {strides = array<i32>} : memref<100x128xf32, #tpu.memory_space<vmem>>, vector<1x16xf32>,
        %get3A_463 = vector.shape_cast %get3A_462 : vector<1x16xf32> to vector<16xf32>
        %swap3A_464 = arith.index_cast %add3A_457 : i32 to index
        %swap3A_465 = arith.constant 0 : index
        %swap3A_466 = tpu.vector_load %arg10[%swap3A_464, %swap3A_465] {strides = array<i32>} : memref<50x64xf32, #tpu.memory_space<vmem>>, vector<1x16xf32>,
        %swap3A_467 = vector.shape_cast %swap3A_466 : vector<1x16xf32> to vector<16xf32>
        %swap3A_468 = vector.shape_cast %get3A_463 : vector<16xf32> to vector<1x16xf32>
        tpu.vector_store %arg10[%swap3A_464, %swap3A_465], %swap3A_468 {strides = array<i32>} : memref<50x64xf32, #tpu.memory_space<vmem>>, vector<1x16xf32>,
        %add3A_469 = arith.constant 0 : i32
        %add3A_470 = arith.addi %add3A_469, %add3A_457 : i32
        %get3A_471 = arith.index_cast %add3A_470 : i32 to index
        %get3A_472 = arith.constant 16 : index
        %get3A_473 = tpu.vector_load %arg7[%get3A_471, %get3A_472] {strides = array<i32>} : memref<100x128xf32, #tpu.memory_space<vmem>>, vector<1x16xf32>,
        %get3A_474 = vector.shape_cast %get3A_473 : vector<1x16xf32> to vector<16xf32>
        %swap3A_475 = arith.index_cast %add3A_457 : i32 to index
        %swap3A_476 = arith.constant 16 : index
        %swap3A_477 = tpu.vector_load %arg10[%swap3A_475, %swap3A_476] {strides = array<i32>} : memref<50x64xf32, #tpu.memory_space<vmem>>, vector<1x16xf32>,
        %swap3A_478 = vector.shape_cast %swap3A_477 : vector<1x16xf32> to vector<16xf32>
        %swap3A_479 = vector.shape_cast %get3A_474 : vector<16xf32> to vector<1x16xf32>
        tpu.vector_store %arg10[%swap3A_475, %swap3A_476], %swap3A_479 {strides = array<i32>} : memref<50x64xf32, #tpu.memory_space<vmem>>, vector<1x16xf32>,
        %add3A_480 = arith.constant 0 : i32
        %add3A_481 = arith.addi %add3A_480, %add3A_457 : i32
        %get3A_482 = arith.index_cast %add3A_481 : i32 to index
        %get3A_483 = arith.constant 32 : index
        %get3A_484 = tpu.vector_load %arg7[%get3A_482, %get3A_483] {strides = array<i32>} : memref<100x128xf32, #tpu.memory_space<vmem>>, vector<1x16xf32>,
        %get3A_485 = vector.shape_cast %get3A_484 : vector<1x16xf32> to vector<16xf32>
        %swap3A_486 = arith.index_cast %add3A_457 : i32 to index
        %swap3A_487 = arith.constant 32 : index
        %swap3A_488 = tpu.vector_load %arg10[%swap3A_486, %swap3A_487] {strides = array<i32>} : memref<50x64xf32, #tpu.memory_space<vmem>>, vector<1x16xf32>,
        %swap3A_489 = vector.shape_cast %swap3A_488 : vector<1x16xf32> to vector<16xf32>
        %swap3A_490 = vector.shape_cast %get3A_485 : vector<16xf32> to vector<1x16xf32>
        tpu.vector_store %arg10[%swap3A_486, %swap3A_487], %swap3A_490 {strides = array<i32>} : memref<50x64xf32, #tpu.memory_space<vmem>>, vector<1x16xf32>,
        %add3A_491 = arith.constant 0 : i32
        %add3A_492 = arith.addi %add3A_491, %add3A_457 : i32
        %get3A_493 = arith.index_cast %add3A_492 : i32 to index
        %get3A_494 = arith.constant 48 : index
        %get3A_495 = tpu.vector_load %arg7[%get3A_493, %get3A_494] {strides = array<i32>} : memref<100x128xf32, #tpu.memory_space<vmem>>, vector<1x16xf32>,
        %get3A_496 = vector.shape_cast %get3A_495 : vector<1x16xf32> to vector<16xf32>
        %swap3A_497 = arith.index_cast %add3A_457 : i32 to index
        %swap3A_498 = arith.constant 48 : index
        %swap3A_499 = tpu.vector_load %arg10[%swap3A_497, %swap3A_498] {strides = array<i32>} : memref<50x64xf32, #tpu.memory_space<vmem>>, vector<1x16xf32>,
        %swap3A_500 = vector.shape_cast %swap3A_499 : vector<1x16xf32> to vector<16xf32>
        %swap3A_501 = vector.shape_cast %get3A_496 : vector<16xf32> to vector<1x16xf32>
        tpu.vector_store %arg10[%swap3A_497, %swap3A_498], %swap3A_501 {strides = array<i32>} : memref<50x64xf32, #tpu.memory_space<vmem>>, vector<1x16xf32>,
        %mul3A_502 = arith.constant 10 : i32
        %mul3A_503 = arith.muli %scan3A_167, %mul3A_502 : i32
        %add3A_504 = arith.constant 7 : i32
        %add3A_505 = arith.addi %mul3A_503, %add3A_504 : i32
        %add3A_506 = arith.constant 0 : i32
        %add3A_507 = arith.addi %add3A_506, %add3A_505 : i32
        %get3A_508 = arith.index_cast %add3A_507 : i32 to index
        %get3A_509 = arith.constant 0 : index
        %get3A_510 = tpu.vector_load %arg7[%get3A_508, %get3A_509] {strides = array<i32>} : memref<100x128xf32, #tpu.memory_space<vmem>>, vector<1x16xf32>,
        %get3A_511 = vector.shape_cast %get3A_510 : vector<1x16xf32> to vector<16xf32>
        %swap3A_512 = arith.index_cast %add3A_505 : i32 to index
        %swap3A_513 = arith.constant 0 : index
        %swap3A_514 = tpu.vector_load %arg10[%swap3A_512, %swap3A_513] {strides = array<i32>} : memref<50x64xf32, #tpu.memory_space<vmem>>, vector<1x16xf32>,
        %swap3A_515 = vector.shape_cast %swap3A_514 : vector<1x16xf32> to vector<16xf32>
        %swap3A_516 = vector.shape_cast %get3A_511 : vector<16xf32> to vector<1x16xf32>
        tpu.vector_store %arg10[%swap3A_512, %swap3A_513], %swap3A_516 {strides = array<i32>} : memref<50x64xf32, #tpu.memory_space<vmem>>, vector<1x16xf32>,
        %add3A_517 = arith.constant 0 : i32
        %add3A_518 = arith.addi %add3A_517, %add3A_505 : i32
        %get3A_519 = arith.index_cast %add3A_518 : i32 to index
        %get3A_520 = arith.constant 16 : index
        %get3A_521 = tpu.vector_load %arg7[%get3A_519, %get3A_520] {strides = array<i32>} : memref<100x128xf32, #tpu.memory_space<vmem>>, vector<1x16xf32>,
        %get3A_522 = vector.shape_cast %get3A_521 : vector<1x16xf32> to vector<16xf32>
        %swap3A_523 = arith.index_cast %add3A_505 : i32 to index
        %swap3A_524 = arith.constant 16 : index
        %swap3A_525 = tpu.vector_load %arg10[%swap3A_523, %swap3A_524] {strides = array<i32>} : memref<50x64xf32, #tpu.memory_space<vmem>>, vector<1x16xf32>,
        %swap3A_526 = vector.shape_cast %swap3A_525 : vector<1x16xf32> to vector<16xf32>
        %swap3A_527 = vector.shape_cast %get3A_522 : vector<16xf32> to vector<1x16xf32>
        tpu.vector_store %arg10[%swap3A_523, %swap3A_524], %swap3A_527 {strides = array<i32>} : memref<50x64xf32, #tpu.memory_space<vmem>>, vector<1x16xf32>,
        %add3A_528 = arith.constant 0 : i32
        %add3A_529 = arith.addi %add3A_528, %add3A_505 : i32
        %get3A_530 = arith.index_cast %add3A_529 : i32 to index
        %get3A_531 = arith.constant 32 : index
        %get3A_532 = tpu.vector_load %arg7[%get3A_530, %get3A_531] {strides = array<i32>} : memref<100x128xf32, #tpu.memory_space<vmem>>, vector<1x16xf32>,
        %get3A_533 = vector.shape_cast %get3A_532 : vector<1x16xf32> to vector<16xf32>
        %swap3A_534 = arith.index_cast %add3A_505 : i32 to index
        %swap3A_535 = arith.constant 32 : index
        %swap3A_536 = tpu.vector_load %arg10[%swap3A_534, %swap3A_535] {strides = array<i32>} : memref<50x64xf32, #tpu.memory_space<vmem>>, vector<1x16xf32>,
        %swap3A_537 = vector.shape_cast %swap3A_536 : vector<1x16xf32> to vector<16xf32>
        %swap3A_538 = vector.shape_cast %get3A_533 : vector<16xf32> to vector<1x16xf32>
        tpu.vector_store %arg10[%swap3A_534, %swap3A_535], %swap3A_538 {strides = array<i32>} : memref<50x64xf32, #tpu.memory_space<vmem>>, vector<1x16xf32>,
        %add3A_539 = arith.constant 0 : i32
        %add3A_540 = arith.addi %add3A_539, %add3A_505 : i32
        %get3A_541 = arith.index_cast %add3A_540 : i32 to index
        %get3A_542 = arith.constant 48 : index
        %get3A_543 = tpu.vector_load %arg7[%get3A_541, %get3A_542] {strides = array<i32>} : memref<100x128xf32, #tpu.memory_space<vmem>>, vector<1x16xf32>,
        %get3A_544 = vector.shape_cast %get3A_543 : vector<1x16xf32> to vector<16xf32>
        %swap3A_545 = arith.index_cast %add3A_505 : i32 to index
        %swap3A_546 = arith.constant 48 : index
        %swap3A_547 = tpu.vector_load %arg10[%swap3A_545, %swap3A_546] {strides = array<i32>} : memref<50x64xf32, #tpu.memory_space<vmem>>, vector<1x16xf32>,
        %swap3A_548 = vector.shape_cast %swap3A_547 : vector<1x16xf32> to vector<16xf32>
        %swap3A_549 = vector.shape_cast %get3A_544 : vector<16xf32> to vector<1x16xf32>
        tpu.vector_store %arg10[%swap3A_545, %swap3A_546], %swap3A_549 {strides = array<i32>} : memref<50x64xf32, #tpu.memory_space<vmem>>, vector<1x16xf32>,
        %mul3A_550 = arith.constant 10 : i32
        %mul3A_551 = arith.muli %scan3A_167, %mul3A_550 : i32
        %add3A_552 = arith.constant 8 : i32
        %add3A_553 = arith.addi %mul3A_551, %add3A_552 : i32
        %add3A_554 = arith.constant 0 : i32
        %add3A_555 = arith.addi %add3A_554, %add3A_553 : i32
        %get3A_556 = arith.index_cast %add3A_555 : i32 to index
        %get3A_557 = arith.constant 0 : index
        %get3A_558 = tpu.vector_load %arg7[%get3A_556, %get3A_557] {strides = array<i32>} : memref<100x128xf32, #tpu.memory_space<vmem>>, vector<1x16xf32>,
        %get3A_559 = vector.shape_cast %get3A_558 : vector<1x16xf32> to vector<16xf32>
        %swap3A_560 = arith.index_cast %add3A_553 : i32 to index
        %swap3A_561 = arith.constant 0 : index
        %swap3A_562 = tpu.vector_load %arg10[%swap3A_560, %swap3A_561] {strides = array<i32>} : memref<50x64xf32, #tpu.memory_space<vmem>>, vector<1x16xf32>,
        %swap3A_563 = vector.shape_cast %swap3A_562 : vector<1x16xf32> to vector<16xf32>
        %swap3A_564 = vector.shape_cast %get3A_559 : vector<16xf32> to vector<1x16xf32>
        tpu.vector_store %arg10[%swap3A_560, %swap3A_561], %swap3A_564 {strides = array<i32>} : memref<50x64xf32, #tpu.memory_space<vmem>>, vector<1x16xf32>,
        %add3A_565 = arith.constant 0 : i32
        %add3A_566 = arith.addi %add3A_565, %add3A_553 : i32
        %get3A_567 = arith.index_cast %add3A_566 : i32 to index
        %get3A_568 = arith.constant 16 : index
        %get3A_569 = tpu.vector_load %arg7[%get3A_567, %get3A_568] {strides = array<i32>} : memref<100x128xf32, #tpu.memory_space<vmem>>, vector<1x16xf32>,
        %get3A_570 = vector.shape_cast %get3A_569 : vector<1x16xf32> to vector<16xf32>
        %swap3A_571 = arith.index_cast %add3A_553 : i32 to index
        %swap3A_572 = arith.constant 16 : index
        %swap3A_573 = tpu.vector_load %arg10[%swap3A_571, %swap3A_572] {strides = array<i32>} : memref<50x64xf32, #tpu.memory_space<vmem>>, vector<1x16xf32>,
        %swap3A_574 = vector.shape_cast %swap3A_573 : vector<1x16xf32> to vector<16xf32>
        %swap3A_575 = vector.shape_cast %get3A_570 : vector<16xf32> to vector<1x16xf32>
        tpu.vector_store %arg10[%swap3A_571, %swap3A_572], %swap3A_575 {strides = array<i32>} : memref<50x64xf32, #tpu.memory_space<vmem>>, vector<1x16xf32>,
        %add3A_576 = arith.constant 0 : i32
        %add3A_577 = arith.addi %add3A_576, %add3A_553 : i32
        %get3A_578 = arith.index_cast %add3A_577 : i32 to index
        %get3A_579 = arith.constant 32 : index
        %get3A_580 = tpu.vector_load %arg7[%get3A_578, %get3A_579] {strides = array<i32>} : memref<100x128xf32, #tpu.memory_space<vmem>>, vector<1x16xf32>,
        %get3A_581 = vector.shape_cast %get3A_580 : vector<1x16xf32> to vector<16xf32>
        %swap3A_582 = arith.index_cast %add3A_553 : i32 to index
        %swap3A_583 = arith.constant 32 : index
        %swap3A_584 = tpu.vector_load %arg10[%swap3A_582, %swap3A_583] {strides = array<i32>} : memref<50x64xf32, #tpu.memory_space<vmem>>, vector<1x16xf32>,
        %swap3A_585 = vector.shape_cast %swap3A_584 : vector<1x16xf32> to vector<16xf32>
        %swap3A_586 = vector.shape_cast %get3A_581 : vector<16xf32> to vector<1x16xf32>
        tpu.vector_store %arg10[%swap3A_582, %swap3A_583], %swap3A_586 {strides = array<i32>} : memref<50x64xf32, #tpu.memory_space<vmem>>, vector<1x16xf32>,
        %add3A_587 = arith.constant 0 : i32
        %add3A_588 = arith.addi %add3A_587, %add3A_553 : i32
        %get3A_589 = arith.index_cast %add3A_588 : i32 to index
        %get3A_590 = arith.constant 48 : index
        %get3A_591 = tpu.vector_load %arg7[%get3A_589, %get3A_590] {strides = array<i32>} : memref<100x128xf32, #tpu.memory_space<vmem>>, vector<1x16xf32>,
        %get3A_592 = vector.shape_cast %get3A_591 : vector<1x16xf32> to vector<16xf32>
        %swap3A_593 = arith.index_cast %add3A_553 : i32 to index
        %swap3A_594 = arith.constant 48 : index
        %swap3A_595 = tpu.vector_load %arg10[%swap3A_593, %swap3A_594] {strides = array<i32>} : memref<50x64xf32, #tpu.memory_space<vmem>>, vector<1x16xf32>,
        %swap3A_596 = vector.shape_cast %swap3A_595 : vector<1x16xf32> to vector<16xf32>
        %swap3A_597 = vector.shape_cast %get3A_592 : vector<16xf32> to vector<1x16xf32>
        tpu.vector_store %arg10[%swap3A_593, %swap3A_594], %swap3A_597 {strides = array<i32>} : memref<50x64xf32, #tpu.memory_space<vmem>>, vector<1x16xf32>,
        %mul3A_598 = arith.constant 10 : i32
        %mul3A_599 = arith.muli %scan3A_167, %mul3A_598 : i32
        %add3A_600 = arith.constant 9 : i32
        %add3A_601 = arith.addi %mul3A_599, %add3A_600 : i32
        %add3A_602 = arith.constant 0 : i32
        %add3A_603 = arith.addi %add3A_602, %add3A_601 : i32
        %get3A_604 = arith.index_cast %add3A_603 : i32 to index
        %get3A_605 = arith.constant 0 : index
        %get3A_606 = tpu.vector_load %arg7[%get3A_604, %get3A_605] {strides = array<i32>} : memref<100x128xf32, #tpu.memory_space<vmem>>, vector<1x16xf32>,
        %get3A_607 = vector.shape_cast %get3A_606 : vector<1x16xf32> to vector<16xf32>
        %swap3A_608 = arith.index_cast %add3A_601 : i32 to index
        %swap3A_609 = arith.constant 0 : index
        %swap3A_610 = tpu.vector_load %arg10[%swap3A_608, %swap3A_609] {strides = array<i32>} : memref<50x64xf32, #tpu.memory_space<vmem>>, vector<1x16xf32>,
        %swap3A_611 = vector.shape_cast %swap3A_610 : vector<1x16xf32> to vector<16xf32>
        %swap3A_612 = vector.shape_cast %get3A_607 : vector<16xf32> to vector<1x16xf32>
        tpu.vector_store %arg10[%swap3A_608, %swap3A_609], %swap3A_612 {strides = array<i32>} : memref<50x64xf32, #tpu.memory_space<vmem>>, vector<1x16xf32>,
        %add3A_613 = arith.constant 0 : i32
        %add3A_614 = arith.addi %add3A_613, %add3A_601 : i32
        %get3A_615 = arith.index_cast %add3A_614 : i32 to index
        %get3A_616 = arith.constant 16 : index
        %get3A_617 = tpu.vector_load %arg7[%get3A_615, %get3A_616] {strides = array<i32>} : memref<100x128xf32, #tpu.memory_space<vmem>>, vector<1x16xf32>,
        %get3A_618 = vector.shape_cast %get3A_617 : vector<1x16xf32> to vector<16xf32>
        %swap3A_619 = arith.index_cast %add3A_601 : i32 to index
        %swap3A_620 = arith.constant 16 : index
        %swap3A_621 = tpu.vector_load %arg10[%swap3A_619, %swap3A_620] {strides = array<i32>} : memref<50x64xf32, #tpu.memory_space<vmem>>, vector<1x16xf32>,
        %swap3A_622 = vector.shape_cast %swap3A_621 : vector<1x16xf32> to vector<16xf32>
        %swap3A_623 = vector.shape_cast %get3A_618 : vector<16xf32> to vector<1x16xf32>
        tpu.vector_store %arg10[%swap3A_619, %swap3A_620], %swap3A_623 {strides = array<i32>} : memref<50x64xf32, #tpu.memory_space<vmem>>, vector<1x16xf32>,
        %add3A_624 = arith.constant 0 : i32
        %add3A_625 = arith.addi %add3A_624, %add3A_601 : i32
        %get3A_626 = arith.index_cast %add3A_625 : i32 to index
        %get3A_627 = arith.constant 32 : index
        %get3A_628 = tpu.vector_load %arg7[%get3A_626, %get3A_627] {strides = array<i32>} : memref<100x128xf32, #tpu.memory_space<vmem>>, vector<1x16xf32>,
        %get3A_629 = vector.shape_cast %get3A_628 : vector<1x16xf32> to vector<16xf32>
        %swap3A_630 = arith.index_cast %add3A_601 : i32 to index
        %swap3A_631 = arith.constant 32 : index
        %swap3A_632 = tpu.vector_load %arg10[%swap3A_630, %swap3A_631] {strides = array<i32>} : memref<50x64xf32, #tpu.memory_space<vmem>>, vector<1x16xf32>,
        %swap3A_633 = vector.shape_cast %swap3A_632 : vector<1x16xf32> to vector<16xf32>
        %swap3A_634 = vector.shape_cast %get3A_629 : vector<16xf32> to vector<1x16xf32>
        tpu.vector_store %arg10[%swap3A_630, %swap3A_631], %swap3A_634 {strides = array<i32>} : memref<50x64xf32, #tpu.memory_space<vmem>>, vector<1x16xf32>,
        %add3A_635 = arith.constant 0 : i32
        %add3A_636 = arith.addi %add3A_635, %add3A_601 : i32
        %get3A_637 = arith.index_cast %add3A_636 : i32 to index
        %get3A_638 = arith.constant 48 : index
        %get3A_639 = tpu.vector_load %arg7[%get3A_637, %get3A_638] {strides = array<i32>} : memref<100x128xf32, #tpu.memory_space<vmem>>, vector<1x16xf32>,
        %get3A_640 = vector.shape_cast %get3A_639 : vector<1x16xf32> to vector<16xf32>
        %swap3A_641 = arith.index_cast %add3A_601 : i32 to index
        %swap3A_642 = arith.constant 48 : index
        %swap3A_643 = tpu.vector_load %arg10[%swap3A_641, %swap3A_642] {strides = array<i32>} : memref<50x64xf32, #tpu.memory_space<vmem>>, vector<1x16xf32>,
        %swap3A_644 = vector.shape_cast %swap3A_643 : vector<1x16xf32> to vector<16xf32>
        %swap3A_645 = vector.shape_cast %get3A_640 : vector<16xf32> to vector<1x16xf32>
        tpu.vector_store %arg10[%swap3A_641, %swap3A_642], %swap3A_645 {strides = array<i32>} : memref<50x64xf32, #tpu.memory_space<vmem>>, vector<1x16xf32>,
      }
      %scan3A_131 = arith.constant 5 : i32
      %scan3A_132 = arith.constant 0 : i32
      %scan3A_133 = arith.constant 0 : i32
      %scan3A_134 = arith.constant 5 : i32
      %scan3A_135 = arith.addi %scan3A_133, %scan3A_134 : i32
      %scan3A_136 = arith.constant 1 : i32
      scf.for %scan3A_167 = %scan3A_133 to %scan3A_135 step %scan3A_136  : i32 {
        %mul3A_168 = arith.constant 10 : i32
        %mul3A_169 = arith.muli %scan3A_167, %mul3A_168 : i32
        %add3A_170 = arith.constant 0 : i32
        %add3A_171 = arith.addi %mul3A_169, %add3A_170 : i32
        %add3A_172 = arith.constant 50 : i32
        %add3A_173 = arith.addi %add3A_172, %add3A_171 : i32
        %get3A = arith.index_cast %add3A_173 : i32 to index
        %get3A_174 = arith.constant 0 : index
        %get3A_175 = tpu.vector_load %arg7[%get3A, %get3A_174] {strides = array<i32>} : memref<100x128xf32, #tpu.memory_space<vmem>>, vector<1x16xf32>,
        %get3A_176 = vector.shape_cast %get3A_175 : vector<1x16xf32> to vector<16xf32>
        %swap3A = arith.index_cast %add3A_171 : i32 to index
        %swap3A_177 = arith.constant 0 : index
        %swap3A_178 = tpu.vector_load %arg11[%swap3A, %swap3A_177] {strides = array<i32>} : memref<50x64xf32, #tpu.memory_space<vmem>>, vector<1x16xf32>,
        %swap3A_179 = vector.shape_cast %swap3A_178 : vector<1x16xf32> to vector<16xf32>
        %swap3A_180 = vector.shape_cast %get3A_176 : vector<16xf32> to vector<1x16xf32>
        tpu.vector_store %arg11[%swap3A, %swap3A_177], %swap3A_180 {strides = array<i32>} : memref<50x64xf32, #tpu.memory_space<vmem>>, vector<1x16xf32>,
        %add3A_181 = arith.constant 50 : i32
        %add3A_182 = arith.addi %add3A_181, %add3A_171 : i32
        %get3A_183 = arith.index_cast %add3A_182 : i32 to index
        %get3A_184 = arith.constant 16 : index
        %get3A_185 = tpu.vector_load %arg7[%get3A_183, %get3A_184] {strides = array<i32>} : memref<100x128xf32, #tpu.memory_space<vmem>>, vector<1x16xf32>,
        %get3A_186 = vector.shape_cast %get3A_185 : vector<1x16xf32> to vector<16xf32>
        %swap3A_187 = arith.index_cast %add3A_171 : i32 to index
        %swap3A_188 = arith.constant 16 : index
        %swap3A_189 = tpu.vector_load %arg11[%swap3A_187, %swap3A_188] {strides = array<i32>} : memref<50x64xf32, #tpu.memory_space<vmem>>, vector<1x16xf32>,
        %swap3A_190 = vector.shape_cast %swap3A_189 : vector<1x16xf32> to vector<16xf32>
        %swap3A_191 = vector.shape_cast %get3A_186 : vector<16xf32> to vector<1x16xf32>
        tpu.vector_store %arg11[%swap3A_187, %swap3A_188], %swap3A_191 {strides = array<i32>} : memref<50x64xf32, #tpu.memory_space<vmem>>, vector<1x16xf32>,
        %add3A_192 = arith.constant 50 : i32
        %add3A_193 = arith.addi %add3A_192, %add3A_171 : i32
        %get3A_194 = arith.index_cast %add3A_193 : i32 to index
        %get3A_195 = arith.constant 32 : index
        %get3A_196 = tpu.vector_load %arg7[%get3A_194, %get3A_195] {strides = array<i32>} : memref<100x128xf32, #tpu.memory_space<vmem>>, vector<1x16xf32>,
        %get3A_197 = vector.shape_cast %get3A_196 : vector<1x16xf32> to vector<16xf32>
        %swap3A_198 = arith.index_cast %add3A_171 : i32 to index
        %swap3A_199 = arith.constant 32 : index
        %swap3A_200 = tpu.vector_load %arg11[%swap3A_198, %swap3A_199] {strides = array<i32>} : memref<50x64xf32, #tpu.memory_space<vmem>>, vector<1x16xf32>,
        %swap3A_201 = vector.shape_cast %swap3A_200 : vector<1x16xf32> to vector<16xf32>
        %swap3A_202 = vector.shape_cast %get3A_197 : vector<16xf32> to vector<1x16xf32>
        tpu.vector_store %arg11[%swap3A_198, %swap3A_199], %swap3A_202 {strides = array<i32>} : memref<50x64xf32, #tpu.memory_space<vmem>>, vector<1x16xf32>,
        %add3A_203 = arith.constant 50 : i32
        %add3A_204 = arith.addi %add3A_203, %add3A_171 : i32
        %get3A_205 = arith.index_cast %add3A_204 : i32 to index
        %get3A_206 = arith.constant 48 : index
        %get3A_207 = tpu.vector_load %arg7[%get3A_205, %get3A_206] {strides = array<i32>} : memref<100x128xf32, #tpu.memory_space<vmem>>, vector<1x16xf32>,
        %get3A_208 = vector.shape_cast %get3A_207 : vector<1x16xf32> to vector<16xf32>
        %swap3A_209 = arith.index_cast %add3A_171 : i32 to index
        %swap3A_210 = arith.constant 48 : index
        %swap3A_211 = tpu.vector_load %arg11[%swap3A_209, %swap3A_210] {strides = array<i32>} : memref<50x64xf32, #tpu.memory_space<vmem>>, vector<1x16xf32>,
        %swap3A_212 = vector.shape_cast %swap3A_211 : vector<1x16xf32> to vector<16xf32>
        %swap3A_213 = vector.shape_cast %get3A_208 : vector<16xf32> to vector<1x16xf32>
        tpu.vector_store %arg11[%swap3A_209, %swap3A_210], %swap3A_213 {strides = array<i32>} : memref<50x64xf32, #tpu.memory_space<vmem>>, vector<1x16xf32>,
        %mul3A_214 = arith.constant 10 : i32
        %mul3A_215 = arith.muli %scan3A_167, %mul3A_214 : i32
        %add3A_216 = arith.constant 1 : i32
        %add3A_217 = arith.addi %mul3A_215, %add3A_216 : i32
        %add3A_218 = arith.constant 50 : i32
        %add3A_219 = arith.addi %add3A_218, %add3A_217 : i32
        %get3A_220 = arith.index_cast %add3A_219 : i32 to index
        %get3A_221 = arith.constant 0 : index
        %get3A_222 = tpu.vector_load %arg7[%get3A_220, %get3A_221] {strides = array<i32>} : memref<100x128xf32, #tpu.memory_space<vmem>>, vector<1x16xf32>,
        %get3A_223 = vector.shape_cast %get3A_222 : vector<1x16xf32> to vector<16xf32>
        %swap3A_224 = arith.index_cast %add3A_217 : i32 to index
        %swap3A_225 = arith.constant 0 : index
        %swap3A_226 = tpu.vector_load %arg11[%swap3A_224, %swap3A_225] {strides = array<i32>} : memref<50x64xf32, #tpu.memory_space<vmem>>, vector<1x16xf32>,
        %swap3A_227 = vector.shape_cast %swap3A_226 : vector<1x16xf32> to vector<16xf32>
        %swap3A_228 = vector.shape_cast %get3A_223 : vector<16xf32> to vector<1x16xf32>
        tpu.vector_store %arg11[%swap3A_224, %swap3A_225], %swap3A_228 {strides = array<i32>} : memref<50x64xf32, #tpu.memory_space<vmem>>, vector<1x16xf32>,
        %add3A_229 = arith.constant 50 : i32
        %add3A_230 = arith.addi %add3A_229, %add3A_217 : i32
        %get3A_231 = arith.index_cast %add3A_230 : i32 to index
        %get3A_232 = arith.constant 16 : index
        %get3A_233 = tpu.vector_load %arg7[%get3A_231, %get3A_232] {strides = array<i32>} : memref<100x128xf32, #tpu.memory_space<vmem>>, vector<1x16xf32>,
        %get3A_234 = vector.shape_cast %get3A_233 : vector<1x16xf32> to vector<16xf32>
        %swap3A_235 = arith.index_cast %add3A_217 : i32 to index
        %swap3A_236 = arith.constant 16 : index
        %swap3A_237 = tpu.vector_load %arg11[%swap3A_235, %swap3A_236] {strides = array<i32>} : memref<50x64xf32, #tpu.memory_space<vmem>>, vector<1x16xf32>,
        %swap3A_238 = vector.shape_cast %swap3A_237 : vector<1x16xf32> to vector<16xf32>
        %swap3A_239 = vector.shape_cast %get3A_234 : vector<16xf32> to vector<1x16xf32>
        tpu.vector_store %arg11[%swap3A_235, %swap3A_236], %swap3A_239 {strides = array<i32>} : memref<50x64xf32, #tpu.memory_space<vmem>>, vector<1x16xf32>,
        %add3A_240 = arith.constant 50 : i32
        %add3A_241 = arith.addi %add3A_240, %add3A_217 : i32
        %get3A_242 = arith.index_cast %add3A_241 : i32 to index
        %get3A_243 = arith.constant 32 : index
        %get3A_244 = tpu.vector_load %arg7[%get3A_242, %get3A_243] {strides = array<i32>} : memref<100x128xf32, #tpu.memory_space<vmem>>, vector<1x16xf32>,
        %get3A_245 = vector.shape_cast %get3A_244 : vector<1x16xf32> to vector<16xf32>
        %swap3A_246 = arith.index_cast %add3A_217 : i32 to index
        %swap3A_247 = arith.constant 32 : index
        %swap3A_248 = tpu.vector_load %arg11[%swap3A_246, %swap3A_247] {strides = array<i32>} : memref<50x64xf32, #tpu.memory_space<vmem>>, vector<1x16xf32>,
        %swap3A_249 = vector.shape_cast %swap3A_248 : vector<1x16xf32> to vector<16xf32>
        %swap3A_250 = vector.shape_cast %get3A_245 : vector<16xf32> to vector<1x16xf32>
        tpu.vector_store %arg11[%swap3A_246, %swap3A_247], %swap3A_250 {strides = array<i32>} : memref<50x64xf32, #tpu.memory_space<vmem>>, vector<1x16xf32>,
        %add3A_251 = arith.constant 50 : i32
        %add3A_252 = arith.addi %add3A_251, %add3A_217 : i32
        %get3A_253 = arith.index_cast %add3A_252 : i32 to index
        %get3A_254 = arith.constant 48 : index
        %get3A_255 = tpu.vector_load %arg7[%get3A_253, %get3A_254] {strides = array<i32>} : memref<100x128xf32, #tpu.memory_space<vmem>>, vector<1x16xf32>,
        %get3A_256 = vector.shape_cast %get3A_255 : vector<1x16xf32> to vector<16xf32>
        %swap3A_257 = arith.index_cast %add3A_217 : i32 to index
        %swap3A_258 = arith.constant 48 : index
        %swap3A_259 = tpu.vector_load %arg11[%swap3A_257, %swap3A_258] {strides = array<i32>} : memref<50x64xf32, #tpu.memory_space<vmem>>, vector<1x16xf32>,
        %swap3A_260 = vector.shape_cast %swap3A_259 : vector<1x16xf32> to vector<16xf32>
        %swap3A_261 = vector.shape_cast %get3A_256 : vector<16xf32> to vector<1x16xf32>
        tpu.vector_store %arg11[%swap3A_257, %swap3A_258], %swap3A_261 {strides = array<i32>} : memref<50x64xf32, #tpu.memory_space<vmem>>, vector<1x16xf32>,
        %mul3A_262 = arith.constant 10 : i32
        %mul3A_263 = arith.muli %scan3A_167, %mul3A_262 : i32
        %add3A_264 = arith.constant 2 : i32
        %add3A_265 = arith.addi %mul3A_263, %add3A_264 : i32
        %add3A_266 = arith.constant 50 : i32
        %add3A_267 = arith.addi %add3A_266, %add3A_265 : i32
        %get3A_268 = arith.index_cast %add3A_267 : i32 to index
        %get3A_269 = arith.constant 0 : index
        %get3A_270 = tpu.vector_load %arg7[%get3A_268, %get3A_269] {strides = array<i32>} : memref<100x128xf32, #tpu.memory_space<vmem>>, vector<1x16xf32>,
        %get3A_271 = vector.shape_cast %get3A_270 : vector<1x16xf32> to vector<16xf32>
        %swap3A_272 = arith.index_cast %add3A_265 : i32 to index
        %swap3A_273 = arith.constant 0 : index
        %swap3A_274 = tpu.vector_load %arg11[%swap3A_272, %swap3A_273] {strides = array<i32>} : memref<50x64xf32, #tpu.memory_space<vmem>>, vector<1x16xf32>,
        %swap3A_275 = vector.shape_cast %swap3A_274 : vector<1x16xf32> to vector<16xf32>
        %swap3A_276 = vector.shape_cast %get3A_271 : vector<16xf32> to vector<1x16xf32>
        tpu.vector_store %arg11[%swap3A_272, %swap3A_273], %swap3A_276 {strides = array<i32>} : memref<50x64xf32, #tpu.memory_space<vmem>>, vector<1x16xf32>,
        %add3A_277 = arith.constant 50 : i32
        %add3A_278 = arith.addi %add3A_277, %add3A_265 : i32
        %get3A_279 = arith.index_cast %add3A_278 : i32 to index
        %get3A_280 = arith.constant 16 : index
        %get3A_281 = tpu.vector_load %arg7[%get3A_279, %get3A_280] {strides = array<i32>} : memref<100x128xf32, #tpu.memory_space<vmem>>, vector<1x16xf32>,
        %get3A_282 = vector.shape_cast %get3A_281 : vector<1x16xf32> to vector<16xf32>
        %swap3A_283 = arith.index_cast %add3A_265 : i32 to index
        %swap3A_284 = arith.constant 16 : index
        %swap3A_285 = tpu.vector_load %arg11[%swap3A_283, %swap3A_284] {strides = array<i32>} : memref<50x64xf32, #tpu.memory_space<vmem>>, vector<1x16xf32>,
        %swap3A_286 = vector.shape_cast %swap3A_285 : vector<1x16xf32> to vector<16xf32>
        %swap3A_287 = vector.shape_cast %get3A_282 : vector<16xf32> to vector<1x16xf32>
        tpu.vector_store %arg11[%swap3A_283, %swap3A_284], %swap3A_287 {strides = array<i32>} : memref<50x64xf32, #tpu.memory_space<vmem>>, vector<1x16xf32>,
        %add3A_288 = arith.constant 50 : i32
        %add3A_289 = arith.addi %add3A_288, %add3A_265 : i32
        %get3A_290 = arith.index_cast %add3A_289 : i32 to index
        %get3A_291 = arith.constant 32 : index
        %get3A_292 = tpu.vector_load %arg7[%get3A_290, %get3A_291] {strides = array<i32>} : memref<100x128xf32, #tpu.memory_space<vmem>>, vector<1x16xf32>,
        %get3A_293 = vector.shape_cast %get3A_292 : vector<1x16xf32> to vector<16xf32>
        %swap3A_294 = arith.index_cast %add3A_265 : i32 to index
        %swap3A_295 = arith.constant 32 : index
        %swap3A_296 = tpu.vector_load %arg11[%swap3A_294, %swap3A_295] {strides = array<i32>} : memref<50x64xf32, #tpu.memory_space<vmem>>, vector<1x16xf32>,
        %swap3A_297 = vector.shape_cast %swap3A_296 : vector<1x16xf32> to vector<16xf32>
        %swap3A_298 = vector.shape_cast %get3A_293 : vector<16xf32> to vector<1x16xf32>
        tpu.vector_store %arg11[%swap3A_294, %swap3A_295], %swap3A_298 {strides = array<i32>} : memref<50x64xf32, #tpu.memory_space<vmem>>, vector<1x16xf32>,
        %add3A_299 = arith.constant 50 : i32
        %add3A_300 = arith.addi %add3A_299, %add3A_265 : i32
        %get3A_301 = arith.index_cast %add3A_300 : i32 to index
        %get3A_302 = arith.constant 48 : index
        %get3A_303 = tpu.vector_load %arg7[%get3A_301, %get3A_302] {strides = array<i32>} : memref<100x128xf32, #tpu.memory_space<vmem>>, vector<1x16xf32>,
        %get3A_304 = vector.shape_cast %get3A_303 : vector<1x16xf32> to vector<16xf32>
        %swap3A_305 = arith.index_cast %add3A_265 : i32 to index
        %swap3A_306 = arith.constant 48 : index
        %swap3A_307 = tpu.vector_load %arg11[%swap3A_305, %swap3A_306] {strides = array<i32>} : memref<50x64xf32, #tpu.memory_space<vmem>>, vector<1x16xf32>,
        %swap3A_308 = vector.shape_cast %swap3A_307 : vector<1x16xf32> to vector<16xf32>
        %swap3A_309 = vector.shape_cast %get3A_304 : vector<16xf32> to vector<1x16xf32>
        tpu.vector_store %arg11[%swap3A_305, %swap3A_306], %swap3A_309 {strides = array<i32>} : memref<50x64xf32, #tpu.memory_space<vmem>>, vector<1x16xf32>,
        %mul3A_310 = arith.constant 10 : i32
        %mul3A_311 = arith.muli %scan3A_167, %mul3A_310 : i32
        %add3A_312 = arith.constant 3 : i32
        %add3A_313 = arith.addi %mul3A_311, %add3A_312 : i32
        %add3A_314 = arith.constant 50 : i32
        %add3A_315 = arith.addi %add3A_314, %add3A_313 : i32
        %get3A_316 = arith.index_cast %add3A_315 : i32 to index
        %get3A_317 = arith.constant 0 : index
        %get3A_318 = tpu.vector_load %arg7[%get3A_316, %get3A_317] {strides = array<i32>} : memref<100x128xf32, #tpu.memory_space<vmem>>, vector<1x16xf32>,
        %get3A_319 = vector.shape_cast %get3A_318 : vector<1x16xf32> to vector<16xf32>
        %swap3A_320 = arith.index_cast %add3A_313 : i32 to index
        %swap3A_321 = arith.constant 0 : index
        %swap3A_322 = tpu.vector_load %arg11[%swap3A_320, %swap3A_321] {strides = array<i32>} : memref<50x64xf32, #tpu.memory_space<vmem>>, vector<1x16xf32>,
        %swap3A_323 = vector.shape_cast %swap3A_322 : vector<1x16xf32> to vector<16xf32>
        %swap3A_324 = vector.shape_cast %get3A_319 : vector<16xf32> to vector<1x16xf32>
        tpu.vector_store %arg11[%swap3A_320, %swap3A_321], %swap3A_324 {strides = array<i32>} : memref<50x64xf32, #tpu.memory_space<vmem>>, vector<1x16xf32>,
        %add3A_325 = arith.constant 50 : i32
        %add3A_326 = arith.addi %add3A_325, %add3A_313 : i32
        %get3A_327 = arith.index_cast %add3A_326 : i32 to index
        %get3A_328 = arith.constant 16 : index
        %get3A_329 = tpu.vector_load %arg7[%get3A_327, %get3A_328] {strides = array<i32>} : memref<100x128xf32, #tpu.memory_space<vmem>>, vector<1x16xf32>,
        %get3A_330 = vector.shape_cast %get3A_329 : vector<1x16xf32> to vector<16xf32>
        %swap3A_331 = arith.index_cast %add3A_313 : i32 to index
        %swap3A_332 = arith.constant 16 : index
        %swap3A_333 = tpu.vector_load %arg11[%swap3A_331, %swap3A_332] {strides = array<i32>} : memref<50x64xf32, #tpu.memory_space<vmem>>, vector<1x16xf32>,
        %swap3A_334 = vector.shape_cast %swap3A_333 : vector<1x16xf32> to vector<16xf32>
        %swap3A_335 = vector.shape_cast %get3A_330 : vector<16xf32> to vector<1x16xf32>
        tpu.vector_store %arg11[%swap3A_331, %swap3A_332], %swap3A_335 {strides = array<i32>} : memref<50x64xf32, #tpu.memory_space<vmem>>, vector<1x16xf32>,
        %add3A_336 = arith.constant 50 : i32
        %add3A_337 = arith.addi %add3A_336, %add3A_313 : i32
        %get3A_338 = arith.index_cast %add3A_337 : i32 to index
        %get3A_339 = arith.constant 32 : index
        %get3A_340 = tpu.vector_load %arg7[%get3A_338, %get3A_339] {strides = array<i32>} : memref<100x128xf32, #tpu.memory_space<vmem>>, vector<1x16xf32>,
        %get3A_341 = vector.shape_cast %get3A_340 : vector<1x16xf32> to vector<16xf32>
        %swap3A_342 = arith.index_cast %add3A_313 : i32 to index
        %swap3A_343 = arith.constant 32 : index
        %swap3A_344 = tpu.vector_load %arg11[%swap3A_342, %swap3A_343] {strides = array<i32>} : memref<50x64xf32, #tpu.memory_space<vmem>>, vector<1x16xf32>,
        %swap3A_345 = vector.shape_cast %swap3A_344 : vector<1x16xf32> to vector<16xf32>
        %swap3A_346 = vector.shape_cast %get3A_341 : vector<16xf32> to vector<1x16xf32>
        tpu.vector_store %arg11[%swap3A_342, %swap3A_343], %swap3A_346 {strides = array<i32>} : memref<50x64xf32, #tpu.memory_space<vmem>>, vector<1x16xf32>,
        %add3A_347 = arith.constant 50 : i32
        %add3A_348 = arith.addi %add3A_347, %add3A_313 : i32
        %get3A_349 = arith.index_cast %add3A_348 : i32 to index
        %get3A_350 = arith.constant 48 : index
        %get3A_351 = tpu.vector_load %arg7[%get3A_349, %get3A_350] {strides = array<i32>} : memref<100x128xf32, #tpu.memory_space<vmem>>, vector<1x16xf32>,
        %get3A_352 = vector.shape_cast %get3A_351 : vector<1x16xf32> to vector<16xf32>
        %swap3A_353 = arith.index_cast %add3A_313 : i32 to index
        %swap3A_354 = arith.constant 48 : index
        %swap3A_355 = tpu.vector_load %arg11[%swap3A_353, %swap3A_354] {strides = array<i32>} : memref<50x64xf32, #tpu.memory_space<vmem>>, vector<1x16xf32>,
        %swap3A_356 = vector.shape_cast %swap3A_355 : vector<1x16xf32> to vector<16xf32>
        %swap3A_357 = vector.shape_cast %get3A_352 : vector<16xf32> to vector<1x16xf32>
        tpu.vector_store %arg11[%swap3A_353, %swap3A_354], %swap3A_357 {strides = array<i32>} : memref<50x64xf32, #tpu.memory_space<vmem>>, vector<1x16xf32>,
        %mul3A_358 = arith.constant 10 : i32
        %mul3A_359 = arith.muli %scan3A_167, %mul3A_358 : i32
        %add3A_360 = arith.constant 4 : i32
        %add3A_361 = arith.addi %mul3A_359, %add3A_360 : i32
        %add3A_362 = arith.constant 50 : i32
        %add3A_363 = arith.addi %add3A_362, %add3A_361 : i32
        %get3A_364 = arith.index_cast %add3A_363 : i32 to index
        %get3A_365 = arith.constant 0 : index
        %get3A_366 = tpu.vector_load %arg7[%get3A_364, %get3A_365] {strides = array<i32>} : memref<100x128xf32, #tpu.memory_space<vmem>>, vector<1x16xf32>,
        %get3A_367 = vector.shape_cast %get3A_366 : vector<1x16xf32> to vector<16xf32>
        %swap3A_368 = arith.index_cast %add3A_361 : i32 to index
        %swap3A_369 = arith.constant 0 : index
        %swap3A_370 = tpu.vector_load %arg11[%swap3A_368, %swap3A_369] {strides = array<i32>} : memref<50x64xf32, #tpu.memory_space<vmem>>, vector<1x16xf32>,
        %swap3A_371 = vector.shape_cast %swap3A_370 : vector<1x16xf32> to vector<16xf32>
        %swap3A_372 = vector.shape_cast %get3A_367 : vector<16xf32> to vector<1x16xf32>
        tpu.vector_store %arg11[%swap3A_368, %swap3A_369], %swap3A_372 {strides = array<i32>} : memref<50x64xf32, #tpu.memory_space<vmem>>, vector<1x16xf32>,
        %add3A_373 = arith.constant 50 : i32
        %add3A_374 = arith.addi %add3A_373, %add3A_361 : i32
        %get3A_375 = arith.index_cast %add3A_374 : i32 to index
        %get3A_376 = arith.constant 16 : index
        %get3A_377 = tpu.vector_load %arg7[%get3A_375, %get3A_376] {strides = array<i32>} : memref<100x128xf32, #tpu.memory_space<vmem>>, vector<1x16xf32>,
        %get3A_378 = vector.shape_cast %get3A_377 : vector<1x16xf32> to vector<16xf32>
        %swap3A_379 = arith.index_cast %add3A_361 : i32 to index
        %swap3A_380 = arith.constant 16 : index
        %swap3A_381 = tpu.vector_load %arg11[%swap3A_379, %swap3A_380] {strides = array<i32>} : memref<50x64xf32, #tpu.memory_space<vmem>>, vector<1x16xf32>,
        %swap3A_382 = vector.shape_cast %swap3A_381 : vector<1x16xf32> to vector<16xf32>
        %swap3A_383 = vector.shape_cast %get3A_378 : vector<16xf32> to vector<1x16xf32>
        tpu.vector_store %arg11[%swap3A_379, %swap3A_380], %swap3A_383 {strides = array<i32>} : memref<50x64xf32, #tpu.memory_space<vmem>>, vector<1x16xf32>,
        %add3A_384 = arith.constant 50 : i32
        %add3A_385 = arith.addi %add3A_384, %add3A_361 : i32
        %get3A_386 = arith.index_cast %add3A_385 : i32 to index
        %get3A_387 = arith.constant 32 : index
        %get3A_388 = tpu.vector_load %arg7[%get3A_386, %get3A_387] {strides = array<i32>} : memref<100x128xf32, #tpu.memory_space<vmem>>, vector<1x16xf32>,
        %get3A_389 = vector.shape_cast %get3A_388 : vector<1x16xf32> to vector<16xf32>
        %swap3A_390 = arith.index_cast %add3A_361 : i32 to index
        %swap3A_391 = arith.constant 32 : index
        %swap3A_392 = tpu.vector_load %arg11[%swap3A_390, %swap3A_391] {strides = array<i32>} : memref<50x64xf32, #tpu.memory_space<vmem>>, vector<1x16xf32>,
        %swap3A_393 = vector.shape_cast %swap3A_392 : vector<1x16xf32> to vector<16xf32>
        %swap3A_394 = vector.shape_cast %get3A_389 : vector<16xf32> to vector<1x16xf32>
        tpu.vector_store %arg11[%swap3A_390, %swap3A_391], %swap3A_394 {strides = array<i32>} : memref<50x64xf32, #tpu.memory_space<vmem>>, vector<1x16xf32>,
        %add3A_395 = arith.constant 50 : i32
        %add3A_396 = arith.addi %add3A_395, %add3A_361 : i32
        %get3A_397 = arith.index_cast %add3A_396 : i32 to index
        %get3A_398 = arith.constant 48 : index
        %get3A_399 = tpu.vector_load %arg7[%get3A_397, %get3A_398] {strides = array<i32>} : memref<100x128xf32, #tpu.memory_space<vmem>>, vector<1x16xf32>,
        %get3A_400 = vector.shape_cast %get3A_399 : vector<1x16xf32> to vector<16xf32>
        %swap3A_401 = arith.index_cast %add3A_361 : i32 to index
        %swap3A_402 = arith.constant 48 : index
        %swap3A_403 = tpu.vector_load %arg11[%swap3A_401, %swap3A_402] {strides = array<i32>} : memref<50x64xf32, #tpu.memory_space<vmem>>, vector<1x16xf32>,
        %swap3A_404 = vector.shape_cast %swap3A_403 : vector<1x16xf32> to vector<16xf32>
        %swap3A_405 = vector.shape_cast %get3A_400 : vector<16xf32> to vector<1x16xf32>
        tpu.vector_store %arg11[%swap3A_401, %swap3A_402], %swap3A_405 {strides = array<i32>} : memref<50x64xf32, #tpu.memory_space<vmem>>, vector<1x16xf32>,
        %mul3A_406 = arith.constant 10 : i32
        %mul3A_407 = arith.muli %scan3A_167, %mul3A_406 : i32
        %add3A_408 = arith.constant 5 : i32
        %add3A_409 = arith.addi %mul3A_407, %add3A_408 : i32
        %add3A_410 = arith.constant 50 : i32
        %add3A_411 = arith.addi %add3A_410, %add3A_409 : i32
        %get3A_412 = arith.index_cast %add3A_411 : i32 to index
        %get3A_413 = arith.constant 0 : index
        %get3A_414 = tpu.vector_load %arg7[%get3A_412, %get3A_413] {strides = array<i32>} : memref<100x128xf32, #tpu.memory_space<vmem>>, vector<1x16xf32>,
        %get3A_415 = vector.shape_cast %get3A_414 : vector<1x16xf32> to vector<16xf32>
        %swap3A_416 = arith.index_cast %add3A_409 : i32 to index
        %swap3A_417 = arith.constant 0 : index
        %swap3A_418 = tpu.vector_load %arg11[%swap3A_416, %swap3A_417] {strides = array<i32>} : memref<50x64xf32, #tpu.memory_space<vmem>>, vector<1x16xf32>,
        %swap3A_419 = vector.shape_cast %swap3A_418 : vector<1x16xf32> to vector<16xf32>
        %swap3A_420 = vector.shape_cast %get3A_415 : vector<16xf32> to vector<1x16xf32>
        tpu.vector_store %arg11[%swap3A_416, %swap3A_417], %swap3A_420 {strides = array<i32>} : memref<50x64xf32, #tpu.memory_space<vmem>>, vector<1x16xf32>,
        %add3A_421 = arith.constant 50 : i32
        %add3A_422 = arith.addi %add3A_421, %add3A_409 : i32
        %get3A_423 = arith.index_cast %add3A_422 : i32 to index
        %get3A_424 = arith.constant 16 : index
        %get3A_425 = tpu.vector_load %arg7[%get3A_423, %get3A_424] {strides = array<i32>} : memref<100x128xf32, #tpu.memory_space<vmem>>, vector<1x16xf32>,
        %get3A_426 = vector.shape_cast %get3A_425 : vector<1x16xf32> to vector<16xf32>
        %swap3A_427 = arith.index_cast %add3A_409 : i32 to index
        %swap3A_428 = arith.constant 16 : index
        %swap3A_429 = tpu.vector_load %arg11[%swap3A_427, %swap3A_428] {strides = array<i32>} : memref<50x64xf32, #tpu.memory_space<vmem>>, vector<1x16xf32>,
        %swap3A_430 = vector.shape_cast %swap3A_429 : vector<1x16xf32> to vector<16xf32>
        %swap3A_431 = vector.shape_cast %get3A_426 : vector<16xf32> to vector<1x16xf32>
        tpu.vector_store %arg11[%swap3A_427, %swap3A_428], %swap3A_431 {strides = array<i32>} : memref<50x64xf32, #tpu.memory_space<vmem>>, vector<1x16xf32>,
        %add3A_432 = arith.constant 50 : i32
        %add3A_433 = arith.addi %add3A_432, %add3A_409 : i32
        %get3A_434 = arith.index_cast %add3A_433 : i32 to index
        %get3A_435 = arith.constant 32 : index
        %get3A_436 = tpu.vector_load %arg7[%get3A_434, %get3A_435] {strides = array<i32>} : memref<100x128xf32, #tpu.memory_space<vmem>>, vector<1x16xf32>,
        %get3A_437 = vector.shape_cast %get3A_436 : vector<1x16xf32> to vector<16xf32>
        %swap3A_438 = arith.index_cast %add3A_409 : i32 to index
        %swap3A_439 = arith.constant 32 : index
        %swap3A_440 = tpu.vector_load %arg11[%swap3A_438, %swap3A_439] {strides = array<i32>} : memref<50x64xf32, #tpu.memory_space<vmem>>, vector<1x16xf32>,
        %swap3A_441 = vector.shape_cast %swap3A_440 : vector<1x16xf32> to vector<16xf32>
        %swap3A_442 = vector.shape_cast %get3A_437 : vector<16xf32> to vector<1x16xf32>
        tpu.vector_store %arg11[%swap3A_438, %swap3A_439], %swap3A_442 {strides = array<i32>} : memref<50x64xf32, #tpu.memory_space<vmem>>, vector<1x16xf32>,
        %add3A_443 = arith.constant 50 : i32
        %add3A_444 = arith.addi %add3A_443, %add3A_409 : i32
        %get3A_445 = arith.index_cast %add3A_444 : i32 to index
        %get3A_446 = arith.constant 48 : index
        %get3A_447 = tpu.vector_load %arg7[%get3A_445, %get3A_446] {strides = array<i32>} : memref<100x128xf32, #tpu.memory_space<vmem>>, vector<1x16xf32>,
        %get3A_448 = vector.shape_cast %get3A_447 : vector<1x16xf32> to vector<16xf32>
        %swap3A_449 = arith.index_cast %add3A_409 : i32 to index
        %swap3A_450 = arith.constant 48 : index
        %swap3A_451 = tpu.vector_load %arg11[%swap3A_449, %swap3A_450] {strides = array<i32>} : memref<50x64xf32, #tpu.memory_space<vmem>>, vector<1x16xf32>,
        %swap3A_452 = vector.shape_cast %swap3A_451 : vector<1x16xf32> to vector<16xf32>
        %swap3A_453 = vector.shape_cast %get3A_448 : vector<16xf32> to vector<1x16xf32>
        tpu.vector_store %arg11[%swap3A_449, %swap3A_450], %swap3A_453 {strides = array<i32>} : memref<50x64xf32, #tpu.memory_space<vmem>>, vector<1x16xf32>,
        %mul3A_454 = arith.constant 10 : i32
        %mul3A_455 = arith.muli %scan3A_167, %mul3A_454 : i32
        %add3A_456 = arith.constant 6 : i32
        %add3A_457 = arith.addi %mul3A_455, %add3A_456 : i32
        %add3A_458 = arith.constant 50 : i32
        %add3A_459 = arith.addi %add3A_458, %add3A_457 : i32
        %get3A_460 = arith.index_cast %add3A_459 : i32 to index
        %get3A_461 = arith.constant 0 : index
        %get3A_462 = tpu.vector_load %arg7[%get3A_460, %get3A_461] {strides = array<i32>} : memref<100x128xf32, #tpu.memory_space<vmem>>, vector<1x16xf32>,
        %get3A_463 = vector.shape_cast %get3A_462 : vector<1x16xf32> to vector<16xf32>
        %swap3A_464 = arith.index_cast %add3A_457 : i32 to index
        %swap3A_465 = arith.constant 0 : index
        %swap3A_466 = tpu.vector_load %arg11[%swap3A_464, %swap3A_465] {strides = array<i32>} : memref<50x64xf32, #tpu.memory_space<vmem>>, vector<1x16xf32>,
        %swap3A_467 = vector.shape_cast %swap3A_466 : vector<1x16xf32> to vector<16xf32>
        %swap3A_468 = vector.shape_cast %get3A_463 : vector<16xf32> to vector<1x16xf32>
        tpu.vector_store %arg11[%swap3A_464, %swap3A_465], %swap3A_468 {strides = array<i32>} : memref<50x64xf32, #tpu.memory_space<vmem>>, vector<1x16xf32>,
        %add3A_469 = arith.constant 50 : i32
        %add3A_470 = arith.addi %add3A_469, %add3A_457 : i32
        %get3A_471 = arith.index_cast %add3A_470 : i32 to index
        %get3A_472 = arith.constant 16 : index
        %get3A_473 = tpu.vector_load %arg7[%get3A_471, %get3A_472] {strides = array<i32>} : memref<100x128xf32, #tpu.memory_space<vmem>>, vector<1x16xf32>,
        %get3A_474 = vector.shape_cast %get3A_473 : vector<1x16xf32> to vector<16xf32>
        %swap3A_475 = arith.index_cast %add3A_457 : i32 to index
        %swap3A_476 = arith.constant 16 : index
        %swap3A_477 = tpu.vector_load %arg11[%swap3A_475, %swap3A_476] {strides = array<i32>} : memref<50x64xf32, #tpu.memory_space<vmem>>, vector<1x16xf32>,
        %swap3A_478 = vector.shape_cast %swap3A_477 : vector<1x16xf32> to vector<16xf32>
        %swap3A_479 = vector.shape_cast %get3A_474 : vector<16xf32> to vector<1x16xf32>
        tpu.vector_store %arg11[%swap3A_475, %swap3A_476], %swap3A_479 {strides = array<i32>} : memref<50x64xf32, #tpu.memory_space<vmem>>, vector<1x16xf32>,
        %add3A_480 = arith.constant 50 : i32
        %add3A_481 = arith.addi %add3A_480, %add3A_457 : i32
        %get3A_482 = arith.index_cast %add3A_481 : i32 to index
        %get3A_483 = arith.constant 32 : index
        %get3A_484 = tpu.vector_load %arg7[%get3A_482, %get3A_483] {strides = array<i32>} : memref<100x128xf32, #tpu.memory_space<vmem>>, vector<1x16xf32>,
        %get3A_485 = vector.shape_cast %get3A_484 : vector<1x16xf32> to vector<16xf32>
        %swap3A_486 = arith.index_cast %add3A_457 : i32 to index
        %swap3A_487 = arith.constant 32 : index
        %swap3A_488 = tpu.vector_load %arg11[%swap3A_486, %swap3A_487] {strides = array<i32>} : memref<50x64xf32, #tpu.memory_space<vmem>>, vector<1x16xf32>,
        %swap3A_489 = vector.shape_cast %swap3A_488 : vector<1x16xf32> to vector<16xf32>
        %swap3A_490 = vector.shape_cast %get3A_485 : vector<16xf32> to vector<1x16xf32>
        tpu.vector_store %arg11[%swap3A_486, %swap3A_487], %swap3A_490 {strides = array<i32>} : memref<50x64xf32, #tpu.memory_space<vmem>>, vector<1x16xf32>,
        %add3A_491 = arith.constant 50 : i32
        %add3A_492 = arith.addi %add3A_491, %add3A_457 : i32
        %get3A_493 = arith.index_cast %add3A_492 : i32 to index
        %get3A_494 = arith.constant 48 : index
        %get3A_495 = tpu.vector_load %arg7[%get3A_493, %get3A_494] {strides = array<i32>} : memref<100x128xf32, #tpu.memory_space<vmem>>, vector<1x16xf32>,
        %get3A_496 = vector.shape_cast %get3A_495 : vector<1x16xf32> to vector<16xf32>
        %swap3A_497 = arith.index_cast %add3A_457 : i32 to index
        %swap3A_498 = arith.constant 48 : index
        %swap3A_499 = tpu.vector_load %arg11[%swap3A_497, %swap3A_498] {strides = array<i32>} : memref<50x64xf32, #tpu.memory_space<vmem>>, vector<1x16xf32>,
        %swap3A_500 = vector.shape_cast %swap3A_499 : vector<1x16xf32> to vector<16xf32>
        %swap3A_501 = vector.shape_cast %get3A_496 : vector<16xf32> to vector<1x16xf32>
        tpu.vector_store %arg11[%swap3A_497, %swap3A_498], %swap3A_501 {strides = array<i32>} : memref<50x64xf32, #tpu.memory_space<vmem>>, vector<1x16xf32>,
        %mul3A_502 = arith.constant 10 : i32
        %mul3A_503 = arith.muli %scan3A_167, %mul3A_502 : i32
        %add3A_504 = arith.constant 7 : i32
        %add3A_505 = arith.addi %mul3A_503, %add3A_504 : i32
        %add3A_506 = arith.constant 50 : i32
        %add3A_507 = arith.addi %add3A_506, %add3A_505 : i32
        %get3A_508 = arith.index_cast %add3A_507 : i32 to index
        %get3A_509 = arith.constant 0 : index
        %get3A_510 = tpu.vector_load %arg7[%get3A_508, %get3A_509] {strides = array<i32>} : memref<100x128xf32, #tpu.memory_space<vmem>>, vector<1x16xf32>,
        %get3A_511 = vector.shape_cast %get3A_510 : vector<1x16xf32> to vector<16xf32>
        %swap3A_512 = arith.index_cast %add3A_505 : i32 to index
        %swap3A_513 = arith.constant 0 : index
        %swap3A_514 = tpu.vector_load %arg11[%swap3A_512, %swap3A_513] {strides = array<i32>} : memref<50x64xf32, #tpu.memory_space<vmem>>, vector<1x16xf32>,
        %swap3A_515 = vector.shape_cast %swap3A_514 : vector<1x16xf32> to vector<16xf32>
        %swap3A_516 = vector.shape_cast %get3A_511 : vector<16xf32> to vector<1x16xf32>
        tpu.vector_store %arg11[%swap3A_512, %swap3A_513], %swap3A_516 {strides = array<i32>} : memref<50x64xf32, #tpu.memory_space<vmem>>, vector<1x16xf32>,
        %add3A_517 = arith.constant 50 : i32
        %add3A_518 = arith.addi %add3A_517, %add3A_505 : i32
        %get3A_519 = arith.index_cast %add3A_518 : i32 to index
        %get3A_520 = arith.constant 16 : index
        %get3A_521 = tpu.vector_load %arg7[%get3A_519, %get3A_520] {strides = array<i32>} : memref<100x128xf32, #tpu.memory_space<vmem>>, vector<1x16xf32>,
        %get3A_522 = vector.shape_cast %get3A_521 : vector<1x16xf32> to vector<16xf32>
        %swap3A_523 = arith.index_cast %add3A_505 : i32 to index
        %swap3A_524 = arith.constant 16 : index
        %swap3A_525 = tpu.vector_load %arg11[%swap3A_523, %swap3A_524] {strides = array<i32>} : memref<50x64xf32, #tpu.memory_space<vmem>>, vector<1x16xf32>,
        %swap3A_526 = vector.shape_cast %swap3A_525 : vector<1x16xf32> to vector<16xf32>
        %swap3A_527 = vector.shape_cast %get3A_522 : vector<16xf32> to vector<1x16xf32>
        tpu.vector_store %arg11[%swap3A_523, %swap3A_524], %swap3A_527 {strides = array<i32>} : memref<50x64xf32, #tpu.memory_space<vmem>>, vector<1x16xf32>,
        %add3A_528 = arith.constant 50 : i32
        %add3A_529 = arith.addi %add3A_528, %add3A_505 : i32
        %get3A_530 = arith.index_cast %add3A_529 : i32 to index
        %get3A_531 = arith.constant 32 : index
        %get3A_532 = tpu.vector_load %arg7[%get3A_530, %get3A_531] {strides = array<i32>} : memref<100x128xf32, #tpu.memory_space<vmem>>, vector<1x16xf32>,
        %get3A_533 = vector.shape_cast %get3A_532 : vector<1x16xf32> to vector<16xf32>
        %swap3A_534 = arith.index_cast %add3A_505 : i32 to index
        %swap3A_535 = arith.constant 32 : index
        %swap3A_536 = tpu.vector_load %arg11[%swap3A_534, %swap3A_535] {strides = array<i32>} : memref<50x64xf32, #tpu.memory_space<vmem>>, vector<1x16xf32>,
        %swap3A_537 = vector.shape_cast %swap3A_536 : vector<1x16xf32> to vector<16xf32>
        %swap3A_538 = vector.shape_cast %get3A_533 : vector<16xf32> to vector<1x16xf32>
        tpu.vector_store %arg11[%swap3A_534, %swap3A_535], %swap3A_538 {strides = array<i32>} : memref<50x64xf32, #tpu.memory_space<vmem>>, vector<1x16xf32>,
        %add3A_539 = arith.constant 50 : i32
        %add3A_540 = arith.addi %add3A_539, %add3A_505 : i32
        %get3A_541 = arith.index_cast %add3A_540 : i32 to index
        %get3A_542 = arith.constant 48 : index
        %get3A_543 = tpu.vector_load %arg7[%get3A_541, %get3A_542] {strides = array<i32>} : memref<100x128xf32, #tpu.memory_space<vmem>>, vector<1x16xf32>,
        %get3A_544 = vector.shape_cast %get3A_543 : vector<1x16xf32> to vector<16xf32>
        %swap3A_545 = arith.index_cast %add3A_505 : i32 to index
        %swap3A_546 = arith.constant 48 : index
        %swap3A_547 = tpu.vector_load %arg11[%swap3A_545, %swap3A_546] {strides = array<i32>} : memref<50x64xf32, #tpu.memory_space<vmem>>, vector<1x16xf32>,
        %swap3A_548 = vector.shape_cast %swap3A_547 : vector<1x16xf32> to vector<16xf32>
        %swap3A_549 = vector.shape_cast %get3A_544 : vector<16xf32> to vector<1x16xf32>
        tpu.vector_store %arg11[%swap3A_545, %swap3A_546], %swap3A_549 {strides = array<i32>} : memref<50x64xf32, #tpu.memory_space<vmem>>, vector<1x16xf32>,
        %mul3A_550 = arith.constant 10 : i32
        %mul3A_551 = arith.muli %scan3A_167, %mul3A_550 : i32
        %add3A_552 = arith.constant 8 : i32
        %add3A_553 = arith.addi %mul3A_551, %add3A_552 : i32
        %add3A_554 = arith.constant 50 : i32
        %add3A_555 = arith.addi %add3A_554, %add3A_553 : i32
        %get3A_556 = arith.index_cast %add3A_555 : i32 to index
        %get3A_557 = arith.constant 0 : index
        %get3A_558 = tpu.vector_load %arg7[%get3A_556, %get3A_557] {strides = array<i32>} : memref<100x128xf32, #tpu.memory_space<vmem>>, vector<1x16xf32>,
        %get3A_559 = vector.shape_cast %get3A_558 : vector<1x16xf32> to vector<16xf32>
        %swap3A_560 = arith.index_cast %add3A_553 : i32 to index
        %swap3A_561 = arith.constant 0 : index
        %swap3A_562 = tpu.vector_load %arg11[%swap3A_560, %swap3A_561] {strides = array<i32>} : memref<50x64xf32, #tpu.memory_space<vmem>>, vector<1x16xf32>,
        %swap3A_563 = vector.shape_cast %swap3A_562 : vector<1x16xf32> to vector<16xf32>
        %swap3A_564 = vector.shape_cast %get3A_559 : vector<16xf32> to vector<1x16xf32>
        tpu.vector_store %arg11[%swap3A_560, %swap3A_561], %swap3A_564 {strides = array<i32>} : memref<50x64xf32, #tpu.memory_space<vmem>>, vector<1x16xf32>,
        %add3A_565 = arith.constant 50 : i32
        %add3A_566 = arith.addi %add3A_565, %add3A_553 : i32
        %get3A_567 = arith.index_cast %add3A_566 : i32 to index
        %get3A_568 = arith.constant 16 : index
        %get3A_569 = tpu.vector_load %arg7[%get3A_567, %get3A_568] {strides = array<i32>} : memref<100x128xf32, #tpu.memory_space<vmem>>, vector<1x16xf32>,
        %get3A_570 = vector.shape_cast %get3A_569 : vector<1x16xf32> to vector<16xf32>
        %swap3A_571 = arith.index_cast %add3A_553 : i32 to index
        %swap3A_572 = arith.constant 16 : index
        %swap3A_573 = tpu.vector_load %arg11[%swap3A_571, %swap3A_572] {strides = array<i32>} : memref<50x64xf32, #tpu.memory_space<vmem>>, vector<1x16xf32>,
        %swap3A_574 = vector.shape_cast %swap3A_573 : vector<1x16xf32> to vector<16xf32>
        %swap3A_575 = vector.shape_cast %get3A_570 : vector<16xf32> to vector<1x16xf32>
        tpu.vector_store %arg11[%swap3A_571, %swap3A_572], %swap3A_575 {strides = array<i32>} : memref<50x64xf32, #tpu.memory_space<vmem>>, vector<1x16xf32>,
        %add3A_576 = arith.constant 50 : i32
        %add3A_577 = arith.addi %add3A_576, %add3A_553 : i32
        %get3A_578 = arith.index_cast %add3A_577 : i32 to index
        %get3A_579 = arith.constant 32 : index
        %get3A_580 = tpu.vector_load %arg7[%get3A_578, %get3A_579] {strides = array<i32>} : memref<100x128xf32, #tpu.memory_space<vmem>>, vector<1x16xf32>,
        %get3A_581 = vector.shape_cast %get3A_580 : vector<1x16xf32> to vector<16xf32>
        %swap3A_582 = arith.index_cast %add3A_553 : i32 to index
        %swap3A_583 = arith.constant 32 : index
        %swap3A_584 = tpu.vector_load %arg11[%swap3A_582, %swap3A_583] {strides = array<i32>} : memref<50x64xf32, #tpu.memory_space<vmem>>, vector<1x16xf32>,
        %swap3A_585 = vector.shape_cast %swap3A_584 : vector<1x16xf32> to vector<16xf32>
        %swap3A_586 = vector.shape_cast %get3A_581 : vector<16xf32> to vector<1x16xf32>
        tpu.vector_store %arg11[%swap3A_582, %swap3A_583], %swap3A_586 {strides = array<i32>} : memref<50x64xf32, #tpu.memory_space<vmem>>, vector<1x16xf32>,
        %add3A_587 = arith.constant 50 : i32
        %add3A_588 = arith.addi %add3A_587, %add3A_553 : i32
        %get3A_589 = arith.index_cast %add3A_588 : i32 to index
        %get3A_590 = arith.constant 48 : index
        %get3A_591 = tpu.vector_load %arg7[%get3A_589, %get3A_590] {strides = array<i32>} : memref<100x128xf32, #tpu.memory_space<vmem>>, vector<1x16xf32>,
        %get3A_592 = vector.shape_cast %get3A_591 : vector<1x16xf32> to vector<16xf32>
        %swap3A_593 = arith.index_cast %add3A_553 : i32 to index
        %swap3A_594 = arith.constant 48 : index
        %swap3A_595 = tpu.vector_load %arg11[%swap3A_593, %swap3A_594] {strides = array<i32>} : memref<50x64xf32, #tpu.memory_space<vmem>>, vector<1x16xf32>,
        %swap3A_596 = vector.shape_cast %swap3A_595 : vector<1x16xf32> to vector<16xf32>
        %swap3A_597 = vector.shape_cast %get3A_592 : vector<16xf32> to vector<1x16xf32>
        tpu.vector_store %arg11[%swap3A_593, %swap3A_594], %swap3A_597 {strides = array<i32>} : memref<50x64xf32, #tpu.memory_space<vmem>>, vector<1x16xf32>,
        %mul3A_598 = arith.constant 10 : i32
        %mul3A_599 = arith.muli %scan3A_167, %mul3A_598 : i32
        %add3A_600 = arith.constant 9 : i32
        %add3A_601 = arith.addi %mul3A_599, %add3A_600 : i32
        %add3A_602 = arith.constant 50 : i32
        %add3A_603 = arith.addi %add3A_602, %add3A_601 : i32
        %get3A_604 = arith.index_cast %add3A_603 : i32 to index
        %get3A_605 = arith.constant 0 : index
        %get3A_606 = tpu.vector_load %arg7[%get3A_604, %get3A_605] {strides = array<i32>} : memref<100x128xf32, #tpu.memory_space<vmem>>, vector<1x16xf32>,
        %get3A_607 = vector.shape_cast %get3A_606 : vector<1x16xf32> to vector<16xf32>
        %swap3A_608 = arith.index_cast %add3A_601 : i32 to index
        %swap3A_609 = arith.constant 0 : index
        %swap3A_610 = tpu.vector_load %arg11[%swap3A_608, %swap3A_609] {strides = array<i32>} : memref<50x64xf32, #tpu.memory_space<vmem>>, vector<1x16xf32>,
        %swap3A_611 = vector.shape_cast %swap3A_610 : vector<1x16xf32> to vector<16xf32>
        %swap3A_612 = vector.shape_cast %get3A_607 : vector<16xf32> to vector<1x16xf32>
        tpu.vector_store %arg11[%swap3A_608, %swap3A_609], %swap3A_612 {strides = array<i32>} : memref<50x64xf32, #tpu.memory_space<vmem>>, vector<1x16xf32>,
        %add3A_613 = arith.constant 50 : i32
        %add3A_614 = arith.addi %add3A_613, %add3A_601 : i32
        %get3A_615 = arith.index_cast %add3A_614 : i32 to index
        %get3A_616 = arith.constant 16 : index
        %get3A_617 = tpu.vector_load %arg7[%get3A_615, %get3A_616] {strides = array<i32>} : memref<100x128xf32, #tpu.memory_space<vmem>>, vector<1x16xf32>,
        %get3A_618 = vector.shape_cast %get3A_617 : vector<1x16xf32> to vector<16xf32>
        %swap3A_619 = arith.index_cast %add3A_601 : i32 to index
        %swap3A_620 = arith.constant 16 : index
        %swap3A_621 = tpu.vector_load %arg11[%swap3A_619, %swap3A_620] {strides = array<i32>} : memref<50x64xf32, #tpu.memory_space<vmem>>, vector<1x16xf32>,
        %swap3A_622 = vector.shape_cast %swap3A_621 : vector<1x16xf32> to vector<16xf32>
        %swap3A_623 = vector.shape_cast %get3A_618 : vector<16xf32> to vector<1x16xf32>
        tpu.vector_store %arg11[%swap3A_619, %swap3A_620], %swap3A_623 {strides = array<i32>} : memref<50x64xf32, #tpu.memory_space<vmem>>, vector<1x16xf32>,
        %add3A_624 = arith.constant 50 : i32
        %add3A_625 = arith.addi %add3A_624, %add3A_601 : i32
        %get3A_626 = arith.index_cast %add3A_625 : i32 to index
        %get3A_627 = arith.constant 32 : index
        %get3A_628 = tpu.vector_load %arg7[%get3A_626, %get3A_627] {strides = array<i32>} : memref<100x128xf32, #tpu.memory_space<vmem>>, vector<1x16xf32>,
        %get3A_629 = vector.shape_cast %get3A_628 : vector<1x16xf32> to vector<16xf32>
        %swap3A_630 = arith.index_cast %add3A_601 : i32 to index
        %swap3A_631 = arith.constant 32 : index
        %swap3A_632 = tpu.vector_load %arg11[%swap3A_630, %swap3A_631] {strides = array<i32>} : memref<50x64xf32, #tpu.memory_space<vmem>>, vector<1x16xf32>,
        %swap3A_633 = vector.shape_cast %swap3A_632 : vector<1x16xf32> to vector<16xf32>
        %swap3A_634 = vector.shape_cast %get3A_629 : vector<16xf32> to vector<1x16xf32>
        tpu.vector_store %arg11[%swap3A_630, %swap3A_631], %swap3A_634 {strides = array<i32>} : memref<50x64xf32, #tpu.memory_space<vmem>>, vector<1x16xf32>,
        %add3A_635 = arith.constant 50 : i32
        %add3A_636 = arith.addi %add3A_635, %add3A_601 : i32
        %get3A_637 = arith.index_cast %add3A_636 : i32 to index
        %get3A_638 = arith.constant 48 : index
        %get3A_639 = tpu.vector_load %arg7[%get3A_637, %get3A_638] {strides = array<i32>} : memref<100x128xf32, #tpu.memory_space<vmem>>, vector<1x16xf32>,
        %get3A_640 = vector.shape_cast %get3A_639 : vector<1x16xf32> to vector<16xf32>
        %swap3A_641 = arith.index_cast %add3A_601 : i32 to index
        %swap3A_642 = arith.constant 48 : index
        %swap3A_643 = tpu.vector_load %arg11[%swap3A_641, %swap3A_642] {strides = array<i32>} : memref<50x64xf32, #tpu.memory_space<vmem>>, vector<1x16xf32>,
        %swap3A_644 = vector.shape_cast %swap3A_643 : vector<1x16xf32> to vector<16xf32>
        %swap3A_645 = vector.shape_cast %get3A_640 : vector<16xf32> to vector<1x16xf32>
        tpu.vector_store %arg11[%swap3A_641, %swap3A_642], %swap3A_645 {strides = array<i32>} : memref<50x64xf32, #tpu.memory_space<vmem>>, vector<1x16xf32>,
      }
      %scan3A_137 = arith.constant 5 : i32
      %mul3A_138 = arith.constant 2 : i32
      %mul3A_139 = arith.muli %mul3A_138, %add3A_113 : i32
      %add3A_140 = arith.addi %mul3A_2, %mul3A_139 : i32
      %dma_start3A_141 = arith.constant 0 : i32
      %dma_start3A_142 = arith.constant 0 : i32
      %dma_start3A_143 = tpu.memref_slice %arg4[%add3A_140, %dma_start3A_141, %dma_start3A_142] : memref<16384x50x64xf32, #tpu.memory_space<hbm>> -> memref<1x50x64xf32, #tpu.memory_space<hbm>>
      %dma_start3A_144 = tpu.memref_squeeze %dma_start3A_143 : memref<1x50x64xf32, #tpu.memory_space<hbm>> -> memref<50x64xf32, #tpu.memory_space<hbm>>
      %dma_start3A_145 = arith.constant 0 : i32
      %dma_start3A_146 = arith.constant 0 : i32
      %dma_start3A_147 = tpu.memref_slice %arg4[%add3A_140, %dma_start3A_145, %dma_start3A_146] : memref<16384x50x64xf32, #tpu.memory_space<hbm>> -> memref<1x50x64xf32, #tpu.memory_space<hbm>>
      %dma_start3A_148 = tpu.memref_squeeze %dma_start3A_147 : memref<1x50x64xf32, #tpu.memory_space<hbm>> -> memref<50x64xf32, #tpu.memory_space<hbm>>
      tpu.enqueue_dma source(%arg10 : memref<50x64xf32, #tpu.memory_space<vmem>>) target(%dma_start3A_148 : memref<50x64xf32, #tpu.memory_space<hbm>>) target_semaphore(%arg15 : memref<!tpu.dma_semaphore, #tpu.memory_space<semaphore_mem>>)
      %mul3A_149 = arith.constant 2 : i32
      %mul3A_150 = arith.muli %mul3A_149, %add3A_113 : i32
      %add3A_151 = arith.addi %mul3A_2, %mul3A_150 : i32
      %add3A_152 = arith.constant 1 : i32
      %add3A_153 = arith.addi %add3A_151, %add3A_152 : i32
      %dma_start3A_154 = arith.constant 0 : i32
      %dma_start3A_155 = arith.constant 0 : i32
      %dma_start3A_156 = tpu.memref_slice %arg4[%add3A_153, %dma_start3A_154, %dma_start3A_155] : memref<16384x50x64xf32, #tpu.memory_space<hbm>> -> memref<1x50x64xf32, #tpu.memory_space<hbm>>
      %dma_start3A_157 = tpu.memref_squeeze %dma_start3A_156 : memref<1x50x64xf32, #tpu.memory_space<hbm>> -> memref<50x64xf32, #tpu.memory_space<hbm>>
      %dma_start3A_158 = arith.constant 0 : i32
      %dma_start3A_159 = arith.constant 0 : i32
      %dma_start3A_160 = tpu.memref_slice %arg4[%add3A_153, %dma_start3A_158, %dma_start3A_159] : memref<16384x50x64xf32, #tpu.memory_space<hbm>> -> memref<1x50x64xf32, #tpu.memory_space<hbm>>
      %dma_start3A_161 = tpu.memref_squeeze %dma_start3A_160 : memref<1x50x64xf32, #tpu.memory_space<hbm>> -> memref<50x64xf32, #tpu.memory_space<hbm>>
      tpu.enqueue_dma source(%arg11 : memref<50x64xf32, #tpu.memory_space<vmem>>) target(%dma_start3A_161 : memref<50x64xf32, #tpu.memory_space<hbm>>) target_semaphore(%arg15 : memref<!tpu.dma_semaphore, #tpu.memory_space<semaphore_mem>>)
      %lt3A_162 = arith.constant 127 : i32
      %lt3A_163 = arith.cmpi slt, %scan3A_56, %lt3A_162 : i32
      %convert_element_type3A_164 = arith.extui %lt3A_163 : i1 to i32
      %cond3A_165 = arith.constant 0 : i32
      %cond3A_166 = arith.cmpi ne, %convert_element_type3A_164, %cond3A_165 : i32
      scf.if %cond3A_166 {
        %add3A_167 = arith.constant 2 : i32
        %add3A_168 = arith.addi %add3A_113, %add3A_167 : i32
        %dma_start3A_169 = arith.constant 0 : i32
        %dma_start3A_170 = tpu.memref_slice %arg5[%add3A_168, %dma_start3A_169] : memref<256x100xi32, #tpu.memory_space<vmem>> -> memref<1x100xi32, #tpu.memory_space<vmem>>
        %dma_start3A_171 = tpu.memref_squeeze %dma_start3A_170 : memref<1x100xi32, #tpu.memory_space<vmem>> -> memref<100xi32, #tpu.memory_space<vmem>>
        %dma_start3A_172 = arith.constant 0 : i32
        %dma_start3A_173 = arith.constant 0 : i32
        %dma_start3A_174 = tpu.memref_slice %arg3[%dma_start3A_172, %dma_start3A_173] : memref<100000x128xf32, #tpu.memory_space<hbm>> -> memref<100000x128xf32, #tpu.memory_space<hbm>>
        tpu.enqueue_indirect_dma source(%dma_start3A_174 : memref<100000x128xf32, #tpu.memory_space<hbm>>) target(%arg7 : memref<100x128xf32, #tpu.memory_space<vmem>>) offsets(%dma_start3A_171 : memref<100xi32, #tpu.memory_space<vmem>>) semaphore(%arg13 : memref<!tpu.dma_semaphore, #tpu.memory_space<semaphore_mem>>)
      } else {
      }
    }
    %scan3A_20 = arith.constant 128 : i32
    %dma_wait3A = arith.constant 0 : i32
    %dma_wait3A_21 = arith.constant 0 : i32
    %dma_wait3A_22 = arith.constant 0 : i32
    %dma_wait3A_23 = tpu.memref_slice %arg4[%dma_wait3A, %dma_wait3A_21, %dma_wait3A_22] : memref<16384x50x64xf32, #tpu.memory_space<hbm>> -> memref<1x50x64xf32, #tpu.memory_space<hbm>>
    %dma_wait3A_24 = tpu.memref_squeeze %dma_wait3A_23 : memref<1x50x64xf32, #tpu.memory_space<hbm>> -> memref<50x64xf32, #tpu.memory_space<hbm>>
    %dma_wait3A_25 = arith.constant 0 : i32
    %dma_wait3A_26 = arith.constant 0 : i32
    %dma_wait3A_27 = tpu.memref_slice %arg4[%dma_wait3A, %dma_wait3A_25, %dma_wait3A_26] : memref<16384x50x64xf32, #tpu.memory_space<hbm>> -> memref<1x50x64xf32, #tpu.memory_space<hbm>>
    %dma_wait3A_28 = tpu.memref_squeeze %dma_wait3A_27 : memref<1x50x64xf32, #tpu.memory_space<hbm>> -> memref<50x64xf32, #tpu.memory_space<hbm>>
    tpu.wait_dma2 semaphore(%arg14 : memref<!tpu.dma_semaphore, #tpu.memory_space<semaphore_mem>>) src(%arg8 : memref<50x64xf32, #tpu.memory_space<vmem>>) dst(%dma_wait3A_28 : memref<50x64xf32, #tpu.memory_space<hbm>>)
    %dma_wait3A_29 = arith.constant 0 : i32
    %dma_wait3A_30 = arith.constant 0 : i32
    %dma_wait3A_31 = arith.constant 0 : i32
    %dma_wait3A_32 = tpu.memref_slice %arg4[%dma_wait3A_29, %dma_wait3A_30, %dma_wait3A_31] : memref<16384x50x64xf32, #tpu.memory_space<hbm>> -> memref<1x50x64xf32, #tpu.memory_space<hbm>>
    %dma_wait3A_33 = tpu.memref_squeeze %dma_wait3A_32 : memref<1x50x64xf32, #tpu.memory_space<hbm>> -> memref<50x64xf32, #tpu.memory_space<hbm>>
    %dma_wait3A_34 = arith.constant 0 : i32
    %dma_wait3A_35 = arith.constant 0 : i32
    %dma_wait3A_36 = tpu.memref_slice %arg4[%dma_wait3A_29, %dma_wait3A_34, %dma_wait3A_35] : memref<16384x50x64xf32, #tpu.memory_space<hbm>> -> memref<1x50x64xf32, #tpu.memory_space<hbm>>
    %dma_wait3A_37 = tpu.memref_squeeze %dma_wait3A_36 : memref<1x50x64xf32, #tpu.memory_space<hbm>> -> memref<50x64xf32, #tpu.memory_space<hbm>>
    tpu.wait_dma2 semaphore(%arg14 : memref<!tpu.dma_semaphore, #tpu.memory_space<semaphore_mem>>) src(%arg9 : memref<50x64xf32, #tpu.memory_space<vmem>>) dst(%dma_wait3A_37 : memref<50x64xf32, #tpu.memory_space<hbm>>)
    %dma_wait3A_38 = arith.constant 0 : i32
    %dma_wait3A_39 = arith.constant 0 : i32
    %dma_wait3A_40 = arith.constant 0 : i32
    %dma_wait3A_41 = tpu.memref_slice %arg4[%dma_wait3A_38, %dma_wait3A_39, %dma_wait3A_40] : memref<16384x50x64xf32, #tpu.memory_space<hbm>> -> memref<1x50x64xf32, #tpu.memory_space<hbm>>
    %dma_wait3A_42 = tpu.memref_squeeze %dma_wait3A_41 : memref<1x50x64xf32, #tpu.memory_space<hbm>> -> memref<50x64xf32, #tpu.memory_space<hbm>>
    %dma_wait3A_43 = arith.constant 0 : i32
    %dma_wait3A_44 = arith.constant 0 : i32
    %dma_wait3A_45 = tpu.memref_slice %arg4[%dma_wait3A_38, %dma_wait3A_43, %dma_wait3A_44] : memref<16384x50x64xf32, #tpu.memory_space<hbm>> -> memref<1x50x64xf32, #tpu.memory_space<hbm>>
    %dma_wait3A_46 = tpu.memref_squeeze %dma_wait3A_45 : memref<1x50x64xf32, #tpu.memory_space<hbm>> -> memref<50x64xf32, #tpu.memory_space<hbm>>
    tpu.wait_dma2 semaphore(%arg15 : memref<!tpu.dma_semaphore, #tpu.memory_space<semaphore_mem>>) src(%arg10 : memref<50x64xf32, #tpu.memory_space<vmem>>) dst(%dma_wait3A_46 : memref<50x64xf32, #tpu.memory_space<hbm>>)
    %dma_wait3A_47 = arith.constant 0 : i32
    %dma_wait3A_48 = arith.constant 0 : i32
    %dma_wait3A_49 = arith.constant 0 : i32
    %dma_wait3A_50 = tpu.memref_slice %arg4[%dma_wait3A_47, %dma_wait3A_48, %dma_wait3A_49] : memref<16384x50x64xf32, #tpu.memory_space<hbm>> -> memref<1x50x64xf32, #tpu.memory_space<hbm>>
    %dma_wait3A_51 = tpu.memref_squeeze %dma_wait3A_50 : memref<1x50x64xf32, #tpu.memory_space<hbm>> -> memref<50x64xf32, #tpu.memory_space<hbm>>
    %dma_wait3A_52 = arith.constant 0 : i32
    %dma_wait3A_53 = arith.constant 0 : i32
    %dma_wait3A_54 = tpu.memref_slice %arg4[%dma_wait3A_47, %dma_wait3A_52, %dma_wait3A_53] : memref<16384x50x64xf32, #tpu.memory_space<hbm>> -> memref<1x50x64xf32, #tpu.memory_space<hbm>>
    %dma_wait3A_55 = tpu.memref_squeeze %dma_wait3A_54 : memref<1x50x64xf32, #tpu.memory_space<hbm>> -> memref<50x64xf32, #tpu.memory_space<hbm>>
    tpu.wait_dma2 semaphore(%arg15 : memref<!tpu.dma_semaphore, #tpu.memory_space<semaphore_mem>>) src(%arg11 : memref<50x64xf32, #tpu.memory_space<vmem>>) dst(%dma_wait3A_55 : memref<50x64xf32, #tpu.memory_space<hbm>>)
    return
  }
}

module attributes {stable_mosaic.version = 14 : i64} {
  func.func @_ln_body(%arg0: i32, %arg1: memref<2000x64xf32, #tpu.memory_space<vmem>>, %arg2: memref<1x64xf32, #tpu.memory_space<vmem>>, %arg3: memref<1x64xf32, #tpu.memory_space<vmem>>, %arg4: memref<2000x128xf32, #tpu.memory_space<vmem>>) attributes {dimension_semantics = [#tpu.dimension_semantics<arbitrary>], iteration_bounds = array<i64: 50>, scalar_prefetch = 0 : i64, scratch_operands = 0 : i64, tpu.core_type = #tpu.core_type<tc>, window_params = [{transform_indices = @transform_0, window_bounds = array<i64: 2000, 64>}, {pipeline_mode = #tpu.pipeline_mode<synchronous>, transform_indices = @transform_1, window_bounds = array<i64: 1, 64>}, {pipeline_mode = #tpu.pipeline_mode<synchronous>, transform_indices = @transform_2, window_bounds = array<i64: 1, 64>}, {transform_indices = @transform_3, window_bounds = array<i64: 2000, 128>}]} {
    %get3A = arith.constant 0 : index
    %get3A_0 = arith.constant 0 : index
    %get3A_1 = vector.load %arg1[%get3A, %get3A_0] : memref<2000x64xf32, #tpu.memory_space<vmem>>, vector<2000x64xf32>
    %mul3A = arith.constant 8.000000e+00 : f32
    %mul3A_2 = vector.broadcast %mul3A : f32 to vector<2000x64xf32>
    %mul3A_3 = arith.mulf %get3A_1, %mul3A_2 : vector<2000x64xf32>
    %reduce_sum3A = arith.constant dense<0.000000e+00> : vector<2000xf32>
    %reduce_sum3A_4 = vector.multi_reduction <add>, %mul3A_3, %reduce_sum3A [1] : vector<2000x64xf32> to vector<2000xf32>
    %broadcast_in_dim3A = vector.shape_cast %reduce_sum3A_4 : vector<2000xf32> to vector<2000x1xf32>
    %div3A = arith.constant 6.400000e+01 : f32
    %div3A_5 = vector.broadcast %div3A : f32 to vector<2000x1xf32>
    %div3A_6 = arith.divf %broadcast_in_dim3A, %div3A_5 : vector<2000x1xf32>
    %sub3A = vector.broadcast %div3A_6 : vector<2000x1xf32> to vector<2000x64xf32>
    %sub3A_7 = arith.subf %mul3A_3, %sub3A : vector<2000x64xf32>
    %mul3A_8 = arith.mulf %sub3A_7, %sub3A_7 : vector<2000x64xf32>
    %reduce_sum3A_9 = arith.constant dense<0.000000e+00> : vector<2000xf32>
    %reduce_sum3A_10 = vector.multi_reduction <add>, %mul3A_8, %reduce_sum3A_9 [1] : vector<2000x64xf32> to vector<2000xf32>
    %broadcast_in_dim3A_11 = vector.shape_cast %reduce_sum3A_10 : vector<2000xf32> to vector<2000x1xf32>
    %div3A_12 = arith.constant 6.400000e+01 : f32
    %div3A_13 = vector.broadcast %div3A_12 : f32 to vector<2000x1xf32>
    %div3A_14 = arith.divf %broadcast_in_dim3A_11, %div3A_13 : vector<2000x1xf32>
    %add3A = arith.constant 9.99999974E-6 : f32
    %add3A_15 = vector.broadcast %add3A : f32 to vector<2000x1xf32>
    %add3A_16 = arith.addf %div3A_14, %add3A_15 : vector<2000x1xf32>
    %rsqrt3A = math.rsqrt %add3A_16 : vector<2000x1xf32>
    %mul3A_17 = vector.broadcast %rsqrt3A : vector<2000x1xf32> to vector<2000x64xf32>
    %mul3A_18 = arith.mulf %sub3A_7, %mul3A_17 : vector<2000x64xf32>
    %get3A_19 = arith.constant 0 : index
    %get3A_20 = arith.constant 0 : index
    %get3A_21 = vector.load %arg2[%get3A_19, %get3A_20] : memref<1x64xf32, #tpu.memory_space<vmem>>, vector<1x64xf32>
    %mul3A_22 = vector.broadcast %get3A_21 : vector<1x64xf32> to vector<2000x64xf32>
    %mul3A_23 = arith.mulf %mul3A_18, %mul3A_22 : vector<2000x64xf32>
    %get3A_24 = arith.constant 0 : index
    %get3A_25 = arith.constant 0 : index
    %get3A_26 = vector.load %arg3[%get3A_24, %get3A_25] : memref<1x64xf32, #tpu.memory_space<vmem>>, vector<1x64xf32>
    %add3A_27 = vector.broadcast %get3A_26 : vector<1x64xf32> to vector<2000x64xf32>
    %add3A_28 = arith.addf %mul3A_23, %add3A_27 : vector<2000x64xf32>
    %broadcast_in_dim3A_29 = arith.constant 0.000000e+00 : f32
    %broadcast_in_dim3A_30 = vector.broadcast %broadcast_in_dim3A_29 : f32 to vector<2000x64xf32>
    %concatenate3A = tpu.concatenate %add3A_28, %broadcast_in_dim3A_30 in 1 : vector<2000x64xf32>, vector<2000x64xf32> -> vector<2000x128xf32>
    %swap3A = arith.constant 0 : index
    %swap3A_31 = arith.constant 0 : index
    %swap3A_32 = vector.load %arg4[%swap3A, %swap3A_31] : memref<2000x128xf32, #tpu.memory_space<vmem>>, vector<2000x128xf32>
    tpu.vector_store %arg4[%swap3A, %swap3A_31], %concatenate3A {strides = array<i32>} : memref<2000x128xf32, #tpu.memory_space<vmem>>, vector<2000x128xf32>,
    return
  }
  func.func @transform_0(%arg0: i32) -> (i32, i32) {
    %c0_i32 = arith.constant 0 : i32
    %c0_i32_0 = arith.constant 0 : i32
    return %arg0, %c0_i32 : i32, i32
  }
  func.func @transform_1(%arg0: i32) -> (i32, i32) {
    %c0_i32 = arith.constant 0 : i32
    %c0_i32_0 = arith.constant 0 : i32
    %c0_i32_1 = arith.constant 0 : i32
    return %c0_i32, %c0_i32_0 : i32, i32
  }
  func.func @transform_2(%arg0: i32) -> (i32, i32) {
    %c0_i32 = arith.constant 0 : i32
    %c0_i32_0 = arith.constant 0 : i32
    %c0_i32_1 = arith.constant 0 : i32
    return %c0_i32, %c0_i32_0 : i32, i32
  }
  func.func @transform_3(%arg0: i32) -> (i32, i32) {
    %c0_i32 = arith.constant 0 : i32
    %c0_i32_0 = arith.constant 0 : i32
    return %arg0, %c0_i32 : i32, i32
  }
}

</mosaic_0001>

<sc_bundles>
// kernel: kernel.4.cloned.1.call-start
scs
__scs_entry_jumppad:
0x0: {  	(pc) =	sbr.rel $0x88, $3  }
0x1: {  	(tag) =	ssettag $0x0;
	lr =	simm.s32 $0x1  }
0x2: {  	[smem:$0x3F9D] =	sst lr;
	_ =	strace $0xD0000000  }
0x3: {  	_ = 	snop  }
0x4: {  	_ = 	snop  }
0x5: {  	_ = 	snop  }
0x6: {  	_ = 	snop  }
0x7: {  	_ = 	snop  }
__scs_overlays_trampoline_lowered:
0x8: {  	[smem:$0x3FAC] =	sst s0  }
0x9: {  	[smem:$0x3FAD] =	sst s1  }
0xa: {  	[smem:$0x3FAE] =	sst s2  }
0xb: {  	[smem:$0x3FAF] =	sst s3  }
0xc: {  	[smem:$0x3FB0] =	sst s4  }
0xd: {  	[smem:$0x3FB1] =	sst s5  }
0xe: {  	[smem:$0x3FB2] =	sst s6  }
0xf: {  	[smem:$0x3FB3] =	sst s7  }
0x10: {  	[smem:$0x3FB4] =	sst s8  }
0x11: {  	[smem:$0x3FB5] =	sst s9;
	s0 =	simm.s32 @!p0 $0x0  }
0x12: {  	s1 =	sld [smem:$0x3F9B];
	s0 =	simm.s32 @p0 $0x1  }
0x13: {  	[smem:$0x3FB6] =	sst s0;
	s0 =	simm.s32 @!p1 $0x0  }
0x14: {  	s2 =	sld [smem:$0x3F9A];
	s0 =	simm.s32 @p1 $0x1  }
0x15: {  	[smem:$0x3FB7] =	sst s0;
	s0 =	simm.s32 @!p2 $0x0  }
0x16: {  	s3 =	sld [smem:$0x3FDB];
	s0 =	simm.s32 @p2 $0x1  }
0x17: {  	s4 =	simm.s32 $0x1BF5;
	[smem:$0x3FB9] =	sst s0  }
0x18: {  	s0 =	sld [smem:$0x3F9C];
	_ =	swait.ge [sflag:s4], $0x0  }
0x19: {  	s7 =	sld [smem:$0x3F9D]  }
0x1a: {  	s8 =	sadd.s32 $0xFFFFE003, lr  }
0x1b: {  	s9 =	sadd.s32 $0xFFFFFEF7, lr;
	s5 =	simm.s32 $0xFFFFFFFF;
	p2 =	slt.u32 s8, $0xFFFFF086  }
0x1c: {  	p1 =	slt.u32 s9, $0xF7A;
	s5 =	simm.s32 @!p2 $0x0  }
0x1d: {  	s5 =	simm.s32 @p1 $0x1;
	p0 =	seq.s32 s7, s2  }
0x1e: {  	s7 =	smul.u32 @!p0 $0xF7A, s2;
	p2 =	seq.s32 @!p0 s5, $0x0  }
0x1f: {  	s9 =	smul.u32 $0xF7A, s1;
	s8 =	simm.s32 @!p0 $0x1BF5;
	p2 =	por !p2, p0  }
0x20: {  	[sflag:s8] =	ssyncset.s32 @!p0 $0xFFFFF086;
	s6 =	sadd.s32 @!p0 s3, s7;
	s7 =	simm.s32 @!p0 $0x108  }
0x21: {  	s3 =	sadd.s32 s3, s9;
	s6 =	sadd.s32 @!p0 $0x88, s6;
	s7 =	simm.s32 @p2 $0x1082  }
0x22: {  	[simem:s7], [sflag:s8] =	dma.local @!p0 [hbm:s6], $0xF7A  }
0x23: {  	s9 =	sor.u32 $0xD0000000, s2;
	s6 =	simm.s32 $0x108;
	_ =	swait.ge @!p0 [sflag:s8], $0x0  }
0x24: {  	s3 =	sadd.s32 $0x88, s3;
	s6 =	simm.s32 @!p1 $0x1082;
	[sflag:s4] =	ssyncset.s32 $0xFFFFF086  }
0x25: {  	[simem:s6], [sflag:s4] =	dma.local [hbm:s3], $0xF7A  }
0x26: {  	[smem:$0x3F9D] =	sst s1;
	(tag) =	ssettag s2;
	_ =	strace s9  }
0x27: {  	s1 =	sld [smem:$0x3FAD]  }
0x28: {  	s2 =	sld [smem:$0x3FAE]  }
0x29: {  	s4 =	sld [smem:$0x3FB0]  }
0x2a: {  	p0 =	seq.s32 s5, $0x0;
	s5 =	sld [smem:$0x3FB1]  }
0x2b: {  	s6 =	sld [smem:$0x3FB2]  }
0x2c: {  	s7 =	sld [smem:$0x3FB3]  }
0x2d: {  	s3 =	simm.s32 $0x108;
	s8 =	sld [smem:$0x3FB4]  }
0x2e: {  	s3 =	simm.s32 @!p0 $0x1082;
	s9 =	sld [smem:$0x3FB5]  }
0x2f: {  	lr =	sadd.s32 s0, s3;
	s0 =	sld [smem:$0x3FAC]  }
0x30: {  	s3 =	sld [smem:$0x3FAF]  }
0x31: {  	[smem:$0x3FB8] =	sst s10  }
0x32: {  	s10 =	sld [smem:$0x3FB6];
	_ =	sdelay $0x3  }
0x33: {  	p0 =	seq.s32 s10, $0x1;
	s10 =	sld [smem:$0x3FB8];
	_ =	sdelay $0x3  }
0x34: {  	[smem:$0x3FB8] =	sst s10  }
0x35: {  	s10 =	sld [smem:$0x3FB7];
	_ =	sdelay $0x3  }
0x36: {  	p1 =	seq.s32 s10, $0x1;
	s10 =	sld [smem:$0x3FB8];
	_ =	sdelay $0x3  }
0x37: {  	[smem:$0x3FB8] =	sst s10  }
0x38: {  	s10 =	sld [smem:$0x3FB9]  }
0x39: {  	_ = 	snop;
	(pc) =	sbr.ind lr, $3  }
0x3a: {  	_ = 	snop  }
0x3b: {  	_ = 	snop  }
0x3c: {  	p2 =	seq.s32 s10, $0x1;
	s10 =	sld [smem:$0x3FB8]  }
0x3d: {  	_ =	shalt  }
0x3e: {  	_ =	shalt  }
0x3f: {  	_ =	shalt  }
0x40: {  	_ =	shalt  }
0x41: {  	_ =	shalt  }
0x42: {  	_ =	shalt  }
0x43: {  	_ =	shalt  }
0x44: {  	_ =	shalt  }
0x45: {  	_ =	shalt  }
0x46: {  	_ =	shalt  }
0x47: {  	_ =	shalt  }
0x48: {  	_ =	shalt  }
0x49: {  	_ =	shalt  }
0x4a: {  	_ =	shalt  }
0x4b: {  	_ =	shalt  }
0x4c: {  	_ =	shalt  }
0x4d: {  	_ =	shalt  }
0x4e: {  	_ =	shalt  }
0x4f: {  	_ =	shalt  }
0x50: {  	_ =	shalt  }
0x51: {  	_ =	shalt  }
0x52: {  	_ =	shalt  }
0x53: {  	_ =	shalt  }
0x54: {  	_ =	shalt  }
0x55: {  	_ =	shalt  }
0x56: {  	_ =	shalt  }
0x57: {  	_ =	shalt  }
0x58: {  	_ =	shalt  }
0x59: {  	_ =	shalt  }
0x5a: {  	_ =	shalt  }
0x5b: {  	_ =	shalt  }
0x5c: {  	_ =	shalt  }
0x5d: {  	_ =	shalt  }
0x5e: {  	_ =	shalt  }
0x5f: {  	_ =	shalt  }
0x60: {  	_ =	shalt  }
0x61: {  	_ =	shalt  }
0x62: {  	_ =	shalt  }
0x63: {  	_ =	shalt  }
0x64: {  	_ =	shalt  }
0x65: {  	_ =	shalt  }
0x66: {  	_ =	shalt  }
0x67: {  	_ =	shalt  }
0x68: {  	_ =	shalt  }
0x69: {  	_ =	shalt  }
0x6a: {  	_ =	shalt  }
0x6b: {  	_ =	shalt  }
0x6c: {  	_ =	shalt  }
0x6d: {  	_ =	shalt  }
0x6e: {  	_ =	shalt  }
0x6f: {  	_ =	shalt  }
0x70: {  	_ =	shalt  }
0x71: {  	_ =	shalt  }
0x72: {  	_ =	shalt  }
0x73: {  	_ =	shalt  }
0x74: {  	_ =	shalt  }
0x75: {  	_ =	shalt  }
0x76: {  	_ =	shalt  }
0x77: {  	_ =	shalt  }
0x78: {  	_ =	shalt  }
0x79: {  	_ =	shalt  }
0x7a: {  	_ =	shalt  }
0x7b: {  	_ =	shalt  }
0x7c: {  	_ =	shalt  }
0x7d: {  	_ =	shalt  }
0x7e: {  	_ =	shalt  }
0x7f: {  	_ =	shalt  }
0x80: {  	_ =	shalt  }
0x81: {  	_ =	shalt  }
0x82: {  	_ =	shalt  }
0x83: {  	_ =	shalt  }
0x84: {  	_ =	shalt  }
0x85: {  	_ =	shalt  }
0x86: {  	_ =	shalt  }
0x87: {  	_ =	shalt  }
.Lfunc_end0:
.L_simem_size_0:
called_computation_lowered:
.L_overlay_start_0:
0x88: {  	s2 =	sld [smem:$0x3FD9]  }
0x89: {  	s3 =	sld [smem:$0x3FFE];
	_ =	sdelay $0x1  }
0x8a: {  	s1 =	srdreg.scid  }
0x8b: {  	s0 =	sand.u32 $0x1, s1  }
0x8c: {  	s16 =	sshll.u32 s0, $0xA;
	s2 =	sadd.s32 s3, s2  }
0x8d: {  	s2 =	sadd.s32 s2, s16  }
0x8e: {  	[smem:$0x3FC4] =	sst s2  }
0x8f: {  	_ = 	snop  }
0x90: {  	(tm) =	ssettm $0x1  }
0x91: {  	s17 =	sld [smem:$0x3FFB];
	_ =	sdelay $0x3  }
0x92: {  	_ =	strace s17  }
0x93: {  	s2 =	sld [smem:$0x3FFC];
	_ =	sdelay $0x3  }
0x94: {  	_ =	strace s2  }
0x95: {  	s2 =	sld [smem:$0x3FFD];
	_ =	sdelay $0x3  }
0x96: {  	_ =	strace s2  }
0x97: {  	_ =	strace $0x8FFFFFFF  }
0x98: {  	s18 =	sld [smem:$0x3FDB];
	_ =	sdelay $0x1  }
0x99: {  	s19 =	simm.s32 $_scs_section_size  }
0x9a: {  	s4 =	simm.s32 $_size__tile_overlayer_lowered;
	s5 =	simm.s32 $_tile_overlayer_lowered  }
0x9b: {  	s22 =	simm.s32 $0x1BFF;
	s21 =	sshll.u32 s5, $0x1;
	s2 =	sadd.s32 s19, s18  }
0x9c: {  	s6 =	simm.s32 $0x0;
	s20 =	sshll.u32 s4, $0x1;
	s4 =	sadd.s32 s21, s2  }
0x9d: {  	[timem:s6], [sflag:s22] =	dma.local [hbm:s4], s20  }
0x9e: {  	_ =	swait.ge [sflag:s22], s20  }
0x9f: {  	s3 =	ssub.s32 $0x0, s20;
	[sflag:s22] =	ssyncset.done $0x0  }
0xa0: {  	[sflag:s22] =	ssyncadd.s32 s3;
	_ =	sdelay $0x1  }
0xa1: {  	s23 =	simm.s32 $0x1B8B  }
0xa2: {  	_ =	swait.ge [sflag:s23], $0x1  }
0xa3: {  	[sflag:s23] =	ssyncset.done $0x0  }
0xa4: {  	s25 =	simm.s32 $0x1B8E;
	s24 =	sld [smem:$0x3FFE];
	[sflag:s23] =	ssyncadd.s32 $0xFFFFFFFF  }
0xa5: {  	s26 =	simm.s32 $execute0_lowered;
	[smem:$0x3FD2] =	sst s25  }
0xa6: {  	s4 =	sshll.u32 s26, $0x1;
	_ =	strace $0x80000046;
	[dreg:$0x1] =	wrdreg $0xFFFFFFFF  }
0xa7: {  	s28 =	simm.s32 $_size_execute0_lowered;
	s2 =	sadd.s32 s2, s4;
	[dreg:$0x0] =	wrdreg $0x0  }
0xa8: {  	s4 =	sshll.u32 s28, $0x1;
	[dreg:$0x2] =	wrdreg s2  }
0xa9: {  	[dreg:$0x3] =	wrdreg s4  }
0xaa: {  	[dreg:$0x4] =	wrdreg $0xC0  }
0xab: {  	_ =	task [dreg:s6], $0x5FFFF  }
0xac: {  	[dreg:$0x1] =	wrdreg $0xFFFFFFFF  }
0xad: {  	[dreg:$0x0] =	wrdreg $0x60  }
0xae: {  	[dreg:$0x2] =	wrdreg s24  }
0xaf: {  	[dreg:$0x3] =	wrdreg $0x9  }
0xb0: {  	_ =	task.clear_ibuf [dreg:s6], $0x4FFFF;
	_ =	strace $0x90000046  }
0xb1: {  	s29 =	simm.s32 $0x9;
	_ =	strace $0x80000048  }
0xb2: {  	_ =	swait.ge [sflag:s29], $0x1  }
0xb3: {  	[sflag:s29] =	ssyncadd.s32 $0xFFFFFFFF  }
0xb4: {  	_ =	strace $0x90000048  }
0xb5: {  	_ =	sfence  }
0xb6: {  	s30 =	sld [smem:$0x0];
	_ =	sdelay $0x2  }
0xb7: {  	s31 =	sshll.u32 s1, $0xD;
	s1 =	sshrl.u32 s1, $0x2  }
0xb8: {  	s3 =	sand.u32 $0x4000, s31;
	s1 =	sadd.s32 s1, s30  }
0xb9: {  	s0 =	sor.u32 s3, s0;
	s1 =	sshll.u32 s1, $0x11  }
0xba: {  	s0 =	sor.u32 s1, s0  }
0xbb: {  	s0 =	sadd.s32 $0x8F2B, s0  }
0xbc: {  	[sflag:s0] =	ssyncadd.remote.s32 $0x1  }
0xbd: {  	_ =	sfence.sel $0xFFFF  }
0xbe: {  	[dreg:$0x0] =	wrdreg $0xFFFFFFFF;
	(pc) =	sbr.abs _section_cstart, $3  }
0xbf: {  	[dreg:$0x1] =	wrdreg $0xFFFFFFFF  }
0xc0: {  	_ =	task.clear_ibuf [dreg:s6], $0x2FFFF;
	_ =	strace $0x9FFFFFFF  }
0xc1: {  	(tm) =	ssettm $0x7FFFFFFF  }
tec
execute0_lowered:
.L_overlay_start_1:
0x0: {  	(tag) =	ssettag $0x1  }
0x1: {  	s1 =	srdreg.scid;
	s0 =	stileid.u32  }
0x2: {  	s4 =	rddreg [dreg:$0x0];
	s2 =	simm.s32 $0x0;
	s9 =	simm.s32 $0x64  }
0x3: {  	s10 =	simm.s32 $0x8000;
	s11 =	simm.s32 $0x80;
	s12 =	simm.s32 $0xB400  }
0x4: {  	s13 =	simm.s32 $0x1;
	s14 =	simm.s32 $0xE800;
	s15 =	simm.s32 $0x10400  }
0x5: {  	s16 =	simm.s32 $0x2;
	s17 =	simm.s32 $0x4;
	s18 =	simm.s32 $0x12000  }
0x6: {  	s19 =	simm.s32 $0x13C00;
	s20 =	simm.s32 $0x3;
	s21 =	simm.s32 $0x0  }
0x7: {  	s3 =	sand.u32 $0x1, s1;
	s5 =	sshll.u32 s0, $0x1;
	s1 =	rddreg [dreg:$0x1]  }
.Ltmp0:
0x8: {  	[smem:$0x7FF] =	sst s2;
	s5 =	sor.u32 s3, s5;
	(pc) =	sbr.rel .LBB2_1-.Ltmp0, $4  }
0x9: {  	_ =	strace $0x80000047;
	s7 =	ssub.s32 $0x2, s3;
	s3 =	sadd.s32 $0x20800, s4  }
0xa: {  	s6 =	sshll.u32 s5, $0xC;
	s8 =	sshrl.u32 s7, $0x1;
	s5 =	sshll.u32 s5, $0x9  }
0xb: {  	s6 =	sadd.s32 s6, s4;
	s4 =	sadd.s32 $0x1A7200, s4;
	s7 =	ssub.s32 s7, s8  }
0xc: {  	s8 =	simm.s32 $0x5;
	s6 =	sadd.s32 $0x800, s6;
	s7 =	smax.u32 s7, $0x1  }
.LBB2_16:
0xd: {  	_ =	swait.ge [sflag:s20], $0x1900  }
0xe: {  	[sflag:s20] =	ssyncset.done $0x0  }
0xf: {  	[sflag:s20] =	ssyncadd.s32 $0xFFFFE700  }
0x10: {  	_ =	swait.ge [sflag:s20], $0x1900  }
0x11: {  	[sflag:s20] =	ssyncset.done $0x0  }
0x12: {  	s21 =	sadd.s32 $0x1, s21;
	[sflag:s20] =	ssyncadd.s32 $0xFFFFE700  }
0x13: {  	p0 =	sne.s32 s21, s7;
	_ =	swait.ge [sflag:s17], $0x1900  }
.Ltmp1:
0x14: {  	[sflag:s17] =	ssyncset.done $0x0;
	(pc) =	sbr.rel @!p0 .LBB2_17-.Ltmp1, $4  }
0x15: {  	[sflag:s17] =	ssyncadd.s32 $0xFFFFE700  }
0x16: {  	_ =	swait.ge [sflag:s17], $0x1900  }
0x17: {  	[sflag:s17] =	ssyncset.done $0x0  }
0x18: {  	[sflag:s17] =	ssyncadd.s32 $0xFFFFE700  }
.LBB2_1:
0x19: {  	[tilespmem:s2], [sflag:$0x5] =	stream.linear.gather [hbm4b:s6+s2], $0x8000, $0x38;
	[tilespmem:$0x15800] =	vst v63  }
0x1a: {  	_ =	swait.ge [sflag:s8], $0x8000  }
0x1b: {  	[sflag:s8] =	ssyncset.done $0x0  }
0x1c: {  	[sflag:s8] =	ssyncadd.s32 $0xFFFF8000  }
0x1d: {  	[tilespmem:s10], [sflag:$0x1] =	stream.indirect.gather [hbm4b:s3+s9], $0x80, s2, s9, $0xb8;
	[tilespmem:$0x15800] =	vst v63  }
0x1e: {  	s22 =	simm.s32 $0x0  }
0x1f: {  	[tilespmem:s12], [sflag:$0x2] =	stream.indirect.gather [hbm4b:s3+s9], $0x80, s11, s9, $0xb8;
	[tilespmem:$0x15800] =	vst v63  }
.LBB2_2:
0x20: {  	_ =	swait.ge [sflag:s13], $0x3200  }
0x21: {  	p0 =	seq.s32 s22, $0x0;
	[sflag:s13] =	ssyncset.done $0x0  }
0x22: {  	s23 =	simm.s32 @!p0 $0x3;
	[sflag:s13] =	ssyncadd.s32 $0xFFFFCE00  }
0x23: {  	_ =	swait.ge @!p0 [sflag:s23], $0x1900  }
0x24: {  	[sflag:s23] =	ssyncset.done @!p0 $0x0  }
0x25: {  	[sflag:s23] =	ssyncadd.s32 @!p0 $0xFFFFE700  }
0x26: {  	_ =	swait.ge @!p0 [sflag:s23], $0x1900  }
0x27: {  	[sflag:s23] =	ssyncset.done @!p0 $0x0  }
0x28: {  	[sflag:s23] =	ssyncadd.s32 @!p0 $0xFFFFE700;
	s23 =	simm.s32 $0x4B0  }
0x29: {  	v0 =	vld [tilespmem:s23+$0x8000]  }
0x2a: {  	v1 =	vld [tilespmem:s23+$0x7B50]  }
0x2b: {  	v2 =	vld [tilespmem:s23+$0x7B60]  }
0x2c: {  	v3 =	vld [tilespmem:s23+$0x7B70]  }
0x2d: {  	v4 =	vld [tilespmem:s23+$0x7B80]  }
0x2e: {  	v5 =	vld [tilespmem:s23+$0x7BD0];
	[tilespmem:s23+$0xE800] =	vst v0  }
0x2f: {  	v6 =	vld [tilespmem:s23+$0x7F00];
	[tilespmem:s23+$0xE350] =	vst v1  }
0x30: {  	v7 =	vld [tilespmem:s23+$0x7F50];
	[tilespmem:s23+$0xE360] =	vst v2  }
0x31: {  	v8 =	vld [tilespmem:s23+$0x7F60];
	[tilespmem:s23+$0xE370] =	vst v3  }
0x32: {  	v0 =	vld [tilespmem:s23+$0x7BE0];
	[tilespmem:s23+$0xE380] =	vst v4  }
0x33: {  	v1 =	vld [tilespmem:s23+$0x7BF0];
	[tilespmem:s23+$0xE3D0] =	vst v5  }
0x34: {  	v2 =	vld [tilespmem:s23+$0x7C00];
	[tilespmem:s23+$0xE700] =	vst v6  }
0x35: {  	v3 =	vld [tilespmem:s23+$0x7C50];
	[tilespmem:s23+$0xE750] =	vst v7  }
0x36: {  	v4 =	vld [tilespmem:s23+$0x7C60];
	[tilespmem:s23+$0xE760] =	vst v8  }
0x37: {  	v5 =	vld [tilespmem:s23+$0x7EF0];
	[tilespmem:s23+$0xE3E0] =	vst v0  }
0x38: {  	v0 =	vld [tilespmem:s23+$0x7C70];
	[tilespmem:s23+$0xE3F0] =	vst v1  }
0x39: {  	v1 =	vld [tilespmem:s23+$0x7C80];
	[tilespmem:s23+$0xE400] =	vst v2  }
0x3a: {  	v2 =	vld [tilespmem:s23+$0x7CD0];
	[tilespmem:s23+$0xE450] =	vst v3  }
0x3b: {  	v3 =	vld [tilespmem:s23+$0x7CE0];
	[tilespmem:s23+$0xE460] =	vst v4  }
0x3c: {  	v4 =	vld [tilespmem:s23+$0x7CF0];
	[tilespmem:s23+$0xE6F0] =	vst v5  }
0x3d: {  	[tilespmem:s23+$0xE470] =	vst v0;
	v0 =	vld [tilespmem:s23+$0x7D00]  }
0x3e: {  	[tilespmem:s23+$0xE480] =	vst v1;
	v1 =	vld [tilespmem:s23+$0x7D50]  }
0x3f: {  	[tilespmem:s23+$0xE4D0] =	vst v2;
	v2 =	vld [tilespmem:s23+$0x7D60]  }
0x40: {  	[tilespmem:s23+$0xE4E0] =	vst v3;
	v3 =	vld [tilespmem:s23+$0x7D70]  }
0x41: {  	[tilespmem:s23+$0xE4F0] =	vst v4;
	v4 =	vld [tilespmem:s23+$0x7D80]  }
0x42: {  	[tilespmem:s23+$0xE500] =	vst v0;
	v0 =	vld [tilespmem:s23+$0x7DD0]  }
0x43: {  	[tilespmem:s23+$0xE550] =	vst v1;
	v1 =	vld [tilespmem:s23+$0x7DE0]  }
0x44: {  	[tilespmem:s23+$0xE560] =	vst v2;
	v2 =	vld [tilespmem:s23+$0x7DF0]  }
0x45: {  	[tilespmem:s23+$0xE570] =	vst v3;
	v3 =	vld [tilespmem:s23+$0x7E00]  }
0x46: {  	[tilespmem:s23+$0xE580] =	vst v4;
	v4 =	vld [tilespmem:s23+$0x7E50]  }
0x47: {  	[tilespmem:s23+$0xE5D0] =	vst v0;
	v0 =	vld [tilespmem:s23+$0x7E60]  }
0x48: {  	[tilespmem:s23+$0xE5E0] =	vst v1;
	v1 =	vld [tilespmem:s23+$0x7E70]  }
0x49: {  	[tilespmem:s23+$0xE5F0] =	vst v2;
	v2 =	vld [tilespmem:s23+$0x7E80]  }
0x4a: {  	[tilespmem:s23+$0xE600] =	vst v3;
	v3 =	vld [tilespmem:s23+$0x7ED0]  }
0x4b: {  	[tilespmem:s23+$0xE650] =	vst v4;
	v4 =	vld [tilespmem:s23+$0x7EE0]  }
0x4c: {  	[tilespmem:s23+$0xE660] =	vst v0;
	v0 =	vld [tilespmem:s23+$0x7F70]  }
0x4d: {  	[tilespmem:s23+$0xE670] =	vst v1;
	v1 =	vld [tilespmem:s23+$0x7F80]  }
0x4e: {  	[tilespmem:s23+$0xE680] =	vst v2;
	v2 =	vld [tilespmem:s23+$0x7FD0]  }
0x4f: {  	[tilespmem:s23+$0xE6D0] =	vst v3;
	v3 =	vld [tilespmem:s23+$0x7FE0]  }
0x50: {  	s25 =	simm.s32 $0x9B0;
	s24 =	simm.s32 $0x3AC0;
	[tilespmem:s23+$0xE6E0] =	vst v4;
	v4 =	vld [tilespmem:s23+$0x7FF0]  }
.LBB2_3:
0x51: {  	p1 =	sne.s32 s24, $0x62C0;
	v5 =	vld [tilespmem:s25+$0x8000];
	[tilespmem:s23+$0xE770] =	vst v0  }
0x52: {  	v0 =	vld [tilespmem:s25+$0x7B50];
	[tilespmem:s23+$0xE780] =	vst v1  }
0x53: {  	v1 =	vld [tilespmem:s25+$0x7B60];
	[tilespmem:s23+$0xE7D0] =	vst v2  }
0x54: {  	v2 =	vld [tilespmem:s25+$0x7B70];
	[tilespmem:s23+$0xE7E0] =	vst v3  }
0x55: {  	v3 =	vld [tilespmem:s25+$0x7B80];
	[tilespmem:s23+$0xE7F0] =	vst v4;
	s23 =	smov.u32 s25  }
0x56: {  	v4 =	vld [tilespmem:s23+$0x7BD0];
	[tilespmem:s23+$0xE800] =	vst v5  }
0x57: {  	[tilespmem:s23+$0xE350] =	vst v0;
	v0 =	vld [tilespmem:s23+$0x7BE0]  }
0x58: {  	[tilespmem:s23+$0xE360] =	vst v1;
	v1 =	vld [tilespmem:s23+$0x7BF0]  }
0x59: {  	[tilespmem:s23+$0xE370] =	vst v2;
	v2 =	vld [tilespmem:s23+$0x7C00]  }
0x5a: {  	[tilespmem:s23+$0xE380] =	vst v3;
	v3 =	vld [tilespmem:s23+$0x7C50]  }
0x5b: {  	[tilespmem:s23+$0xE3D0] =	vst v4;
	v4 =	vld [tilespmem:s23+$0x7C60]  }
0x5c: {  	[tilespmem:s23+$0xE3E0] =	vst v0;
	v0 =	vld [tilespmem:s23+$0x7C70]  }
0x5d: {  	[tilespmem:s23+$0xE3F0] =	vst v1;
	v1 =	vld [tilespmem:s23+$0x7C80]  }
0x5e: {  	[tilespmem:s23+$0xE400] =	vst v2;
	v2 =	vld [tilespmem:s23+$0x7CD0]  }
0x5f: {  	[tilespmem:s23+$0xE450] =	vst v3;
	v3 =	vld [tilespmem:s23+$0x7CE0]  }
0x60: {  	[tilespmem:s23+$0xE460] =	vst v4;
	v4 =	vld [tilespmem:s23+$0x7CF0]  }
0x61: {  	[tilespmem:s23+$0xE470] =	vst v0;
	v0 =	vld [tilespmem:s23+$0x7D00]  }
0x62: {  	[tilespmem:s23+$0xE480] =	vst v1;
	v1 =	vld [tilespmem:s23+$0x7D50]  }
0x63: {  	[tilespmem:s23+$0xE4D0] =	vst v2;
	v2 =	vld [tilespmem:s23+$0x7D60]  }
0x64: {  	[tilespmem:s23+$0xE4E0] =	vst v3;
	v3 =	vld [tilespmem:s23+$0x7D70]  }
0x65: {  	[tilespmem:s23+$0xE4F0] =	vst v4;
	v4 =	vld [tilespmem:s23+$0x7D80]  }
0x66: {  	[tilespmem:s23+$0xE500] =	vst v0;
	v0 =	vld [tilespmem:s23+$0x7DD0]  }
0x67: {  	[tilespmem:s23+$0xE550] =	vst v1;
	v1 =	vld [tilespmem:s23+$0x7DE0]  }
0x68: {  	[tilespmem:s23+$0xE560] =	vst v2;
	v2 =	vld [tilespmem:s23+$0x7DF0]  }
0x69: {  	[tilespmem:s23+$0xE570] =	vst v3;
	v3 =	vld [tilespmem:s23+$0x7E00]  }
0x6a: {  	[tilespmem:s23+$0xE580] =	vst v4;
	v4 =	vld [tilespmem:s23+$0x7E50]  }
0x6b: {  	[tilespmem:s23+$0xE5D0] =	vst v0;
	v0 =	vld [tilespmem:s23+$0x7E60]  }
0x6c: {  	[tilespmem:s23+$0xE5E0] =	vst v1;
	v1 =	vld [tilespmem:s23+$0x7E70]  }
0x6d: {  	[tilespmem:s23+$0xE5F0] =	vst v2;
	v2 =	vld [tilespmem:s23+$0x7E80]  }
0x6e: {  	[tilespmem:s23+$0xE600] =	vst v3;
	v3 =	vld [tilespmem:s23+$0x7ED0]  }
0x6f: {  	[tilespmem:s23+$0xE650] =	vst v4;
	v4 =	vld [tilespmem:s23+$0x7EE0]  }
0x70: {  	[tilespmem:s23+$0xE660] =	vst v0;
	v5 =	vld [tilespmem:s23+$0x7EF0]  }
0x71: {  	[tilespmem:s23+$0xE670] =	vst v1;
	v6 =	vld [tilespmem:s23+$0x7F00]  }
0x72: {  	[tilespmem:s23+$0xE680] =	vst v2;
	v7 =	vld [tilespmem:s23+$0x7F50]  }
0x73: {  	[tilespmem:s23+$0xE6D0] =	vst v3;
	v8 =	vld [tilespmem:s23+$0x7F60]  }
.Ltmp2:
0x74: {  	[tilespmem:s23+$0xE6E0] =	vst v4;
	v0 =	vld [tilespmem:s23+$0x7F70];
	(pc) =	sbr.rel @p1 .LBB2_3-.Ltmp2, $4  }
0x75: {  	[tilespmem:s23+$0xE6F0] =	vst v5;
	v1 =	vld [tilespmem:s23+$0x7F80]  }
0x76: {  	[tilespmem:s23+$0xE700] =	vst v6;
	v2 =	vld [tilespmem:s23+$0x7FD0]  }
0x77: {  	[tilespmem:s23+$0xE750] =	vst v7;
	v3 =	vld [tilespmem:s23+$0x7FE0]  }
0x78: {  	s25 =	sshra.s32 s24, $0x2;
	s24 =	sadd.s32 $0x1400, s24;
	[tilespmem:s23+$0xE760] =	vst v8;
	v4 =	vld [tilespmem:s23+$0x7FF0]  }
0x79: {  	v5 =	vld [tilespmem:s25+$0x8000];
	[tilespmem:s23+$0xE770] =	vst v0  }
0x7a: {  	v0 =	vld [tilespmem:s25+$0x7B50];
	[tilespmem:s23+$0xE780] =	vst v1  }
0x7b: {  	v1 =	vld [tilespmem:s25+$0x7B60];
	[tilespmem:s23+$0xE7D0] =	vst v2  }
0x7c: {  	v2 =	vld [tilespmem:s25+$0x7B70];
	[tilespmem:s23+$0xE7E0] =	vst v3  }
0x7d: {  	v3 =	vld [tilespmem:s25+$0x7B80];
	[tilespmem:s23+$0xE7F0] =	vst v4  }
0x7e: {  	v4 =	vld [tilespmem:s25+$0x7BD0];
	[tilespmem:s25+$0xE800] =	vst v5  }
0x7f: {  	[tilespmem:s25+$0xE350] =	vst v0;
	v0 =	vld [tilespmem:s25+$0x7BE0]  }
0x80: {  	[tilespmem:s25+$0xE360] =	vst v1;
	v1 =	vld [tilespmem:s25+$0x7BF0]  }
0x81: {  	[tilespmem:s25+$0xE370] =	vst v2;
	v2 =	vld [tilespmem:s25+$0x7C00]  }
0x82: {  	[tilespmem:s25+$0xE380] =	vst v3;
	v3 =	vld [tilespmem:s25+$0x7C50]  }
0x83: {  	[tilespmem:s25+$0xE3D0] =	vst v4;
	v4 =	vld [tilespmem:s25+$0x7C60]  }
0x84: {  	[tilespmem:s25+$0xE3E0] =	vst v0;
	v0 =	vld [tilespmem:s25+$0x7C70]  }
0x85: {  	[tilespmem:s25+$0xE3F0] =	vst v1;
	v1 =	vld [tilespmem:s25+$0x7C80]  }
0x86: {  	[tilespmem:s25+$0xE400] =	vst v2;
	v2 =	vld [tilespmem:s25+$0x7CD0]  }
0x87: {  	[tilespmem:s25+$0xE450] =	vst v3;
	v3 =	vld [tilespmem:s25+$0x7CE0]  }
0x88: {  	[tilespmem:s25+$0xE460] =	vst v4;
	v4 =	vld [tilespmem:s25+$0x7CF0]  }
0x89: {  	[tilespmem:s25+$0xE470] =	vst v0;
	v0 =	vld [tilespmem:s25+$0x7D00]  }
0x8a: {  	[tilespmem:s25+$0xE480] =	vst v1;
	v1 =	vld [tilespmem:s25+$0x7D50]  }
0x8b: {  	[tilespmem:s25+$0xE4D0] =	vst v2;
	v2 =	vld [tilespmem:s25+$0x7D60]  }
0x8c: {  	[tilespmem:s25+$0xE4E0] =	vst v3;
	v3 =	vld [tilespmem:s25+$0x7D70]  }
0x8d: {  	[tilespmem:s25+$0xE4F0] =	vst v4;
	v4 =	vld [tilespmem:s25+$0x7D80]  }
0x8e: {  	[tilespmem:s25+$0xE500] =	vst v0;
	v0 =	vld [tilespmem:s25+$0x7DD0]  }
0x8f: {  	[tilespmem:s25+$0xE550] =	vst v1;
	v1 =	vld [tilespmem:s25+$0x7DE0]  }
0x90: {  	[tilespmem:s25+$0xE560] =	vst v2;
	v2 =	vld [tilespmem:s25+$0x7DF0]  }
0x91: {  	[tilespmem:s25+$0xE570] =	vst v3;
	v3 =	vld [tilespmem:s25+$0x7E00]  }
0x92: {  	[tilespmem:s25+$0xE580] =	vst v4;
	v4 =	vld [tilespmem:s25+$0x7E50]  }
0x93: {  	[tilespmem:s25+$0xE5D0] =	vst v0;
	v0 =	vld [tilespmem:s25+$0x7E60]  }
0x94: {  	[tilespmem:s25+$0xE5E0] =	vst v1;
	v1 =	vld [tilespmem:s25+$0x7E70]  }
0x95: {  	[tilespmem:s25+$0xE5F0] =	vst v2;
	v2 =	vld [tilespmem:s25+$0x7E80]  }
0x96: {  	[tilespmem:s25+$0xE600] =	vst v3;
	v3 =	vld [tilespmem:s25+$0x7ED0]  }
0x97: {  	[tilespmem:s25+$0xE650] =	vst v4;
	v4 =	vld [tilespmem:s25+$0x7EE0]  }
0x98: {  	[tilespmem:s25+$0xE660] =	vst v0;
	v0 =	vld [tilespmem:s25+$0x7EF0]  }
0x99: {  	[tilespmem:s25+$0xE670] =	vst v1;
	v1 =	vld [tilespmem:s25+$0x7F00]  }
0x9a: {  	[tilespmem:s25+$0xE680] =	vst v2;
	v2 =	vld [tilespmem:s25+$0x7F50]  }
0x9b: {  	[tilespmem:s25+$0xE6D0] =	vst v3;
	v3 =	vld [tilespmem:s25+$0x7F60]  }
0x9c: {  	[tilespmem:s25+$0xE6E0] =	vst v4;
	v4 =	vld [tilespmem:s25+$0x7F70]  }
0x9d: {  	[tilespmem:s25+$0xE6F0] =	vst v0;
	v0 =	vld [tilespmem:s25+$0x7F80]  }
0x9e: {  	[tilespmem:s25+$0xE700] =	vst v1;
	v1 =	vld [tilespmem:s25+$0x7FD0]  }
0x9f: {  	[tilespmem:s25+$0xE750] =	vst v2;
	v2 =	vld [tilespmem:s25+$0x7FE0]  }
0xa0: {  	[tilespmem:s25+$0xE760] =	vst v3;
	v3 =	vld [tilespmem:s25+$0x7FF0]  }
0xa1: {  	[tilespmem:s25+$0xE770] =	vst v4  }
0xa2: {  	[tilespmem:s25+$0xE780] =	vst v0  }
0xa3: {  	[tilespmem:s25+$0xE7D0] =	vst v1  }
0xa4: {  	[tilespmem:s25+$0xE7E0] =	vst v2  }
0xa5: {  	s23 =	simm.s32 $0x0;
	[tilespmem:s25+$0xE7F0] =	vst v3  }
0xa6: {  	v0 =	vld [tilespmem:s23+$0x9DB0]  }
0xa7: {  	v1 =	vld [tilespmem:s23+$0x9900]  }
0xa8: {  	v2 =	vld [tilespmem:s23+$0x9910]  }
0xa9: {  	v3 =	vld [tilespmem:s23+$0x9920]  }
0xaa: {  	v4 =	vld [tilespmem:s23+$0x9930]  }
0xab: {  	v5 =	vld [tilespmem:s23+$0x9980];
	[tilespmem:s23+$0x108B0] =	vst v0  }
0xac: {  	v6 =	vld [tilespmem:s23+$0x9CB0];
	[tilespmem:s23+$0x10400] =	vst v1  }
0xad: {  	v7 =	vld [tilespmem:s23+$0x9D00];
	[tilespmem:s23+$0x10410] =	vst v2  }
0xae: {  	v8 =	vld [tilespmem:s23+$0x9D10];
	[tilespmem:s23+$0x10420] =	vst v3  }
0xaf: {  	v0 =	vld [tilespmem:s23+$0x9990];
	[tilespmem:s23+$0x10430] =	vst v4  }
0xb0: {  	v1 =	vld [tilespmem:s23+$0x99A0];
	[tilespmem:s23+$0x10480] =	vst v5  }
0xb1: {  	v2 =	vld [tilespmem:s23+$0x99B0];
	[tilespmem:s23+$0x107B0] =	vst v6  }
0xb2: {  	v3 =	vld [tilespmem:s23+$0x9A00];
	[tilespmem:s23+$0x10800] =	vst v7  }
0xb3: {  	v4 =	vld [tilespmem:s23+$0x9A10];
	[tilespmem:s23+$0x10810] =	vst v8  }
0xb4: {  	v5 =	vld [tilespmem:s23+$0x9CA0];
	[tilespmem:s23+$0x10490] =	vst v0  }
0xb5: {  	v0 =	vld [tilespmem:s23+$0x9A20];
	[tilespmem:s23+$0x104A0] =	vst v1  }
0xb6: {  	v1 =	vld [tilespmem:s23+$0x9A30];
	[tilespmem:s23+$0x104B0] =	vst v2  }
0xb7: {  	v2 =	vld [tilespmem:s23+$0x9A80];
	[tilespmem:s23+$0x10500] =	vst v3  }
0xb8: {  	v3 =	vld [tilespmem:s23+$0x9A90];
	[tilespmem:s23+$0x10510] =	vst v4  }
0xb9: {  	v4 =	vld [tilespmem:s23+$0x9AA0];
	[tilespmem:s23+$0x107A0] =	vst v5  }
0xba: {  	[tilespmem:s23+$0x10520] =	vst v0;
	v0 =	vld [tilespmem:s23+$0x9AB0]  }
0xbb: {  	[tilespmem:s23+$0x10530] =	vst v1;
	v1 =	vld [tilespmem:s23+$0x9B00]  }
0xbc: {  	[tilespmem:s23+$0x10580] =	vst v2;
	v2 =	vld [tilespmem:s23+$0x9B10]  }
0xbd: {  	[tilespmem:s23+$0x10590] =	vst v3;
	v3 =	vld [tilespmem:s23+$0x9B20]  }
0xbe: {  	[tilespmem:s23+$0x105A0] =	vst v4;
	v4 =	vld [tilespmem:s23+$0x9B30]  }
0xbf: {  	[tilespmem:s23+$0x105B0] =	vst v0;
	v0 =	vld [tilespmem:s23+$0x9B80]  }
0xc0: {  	[tilespmem:s23+$0x10600] =	vst v1;
	v1 =	vld [tilespmem:s23+$0x9B90]  }
0xc1: {  	[tilespmem:s23+$0x10610] =	vst v2;
	v2 =	vld [tilespmem:s23+$0x9BA0]  }
0xc2: {  	[tilespmem:s23+$0x10620] =	vst v3;
	v3 =	vld [tilespmem:s23+$0x9BB0]  }
0xc3: {  	[tilespmem:s23+$0x10630] =	vst v4;
	v4 =	vld [tilespmem:s23+$0x9C00]  }
0xc4: {  	[tilespmem:s23+$0x10680] =	vst v0;
	v0 =	vld [tilespmem:s23+$0x9C10]  }
0xc5: {  	[tilespmem:s23+$0x10690] =	vst v1;
	v1 =	vld [tilespmem:s23+$0x9C20]  }
0xc6: {  	[tilespmem:s23+$0x106A0] =	vst v2;
	v2 =	vld [tilespmem:s23+$0x9C30]  }
0xc7: {  	[tilespmem:s23+$0x106B0] =	vst v3;
	v3 =	vld [tilespmem:s23+$0x9C80]  }
0xc8: {  	[tilespmem:s23+$0x10700] =	vst v4;
	v4 =	vld [tilespmem:s23+$0x9C90]  }
0xc9: {  	[tilespmem:s23+$0x10710] =	vst v0;
	v0 =	vld [tilespmem:s23+$0x9D20]  }
0xca: {  	[tilespmem:s23+$0x10720] =	vst v1;
	v1 =	vld [tilespmem:s23+$0x9D30]  }
0xcb: {  	[tilespmem:s23+$0x10730] =	vst v2;
	v2 =	vld [tilespmem:s23+$0x9D80]  }
0xcc: {  	[tilespmem:s23+$0x10780] =	vst v3;
	v3 =	vld [tilespmem:s23+$0x9D90]  }
0xcd: {  	s24 =	simm.s32 $0x2800;
	s25 =	simm.s32 $0x500;
	[tilespmem:s23+$0x10790] =	vst v4;
	v4 =	vld [tilespmem:s23+$0x9DA0]  }
.LBB2_5:
0xce: {  	p1 =	sne.s32 s24, $0x5000;
	v5 =	vld [tilespmem:s25+$0x9DB0];
	[tilespmem:s23+$0x10820] =	vst v0  }
0xcf: {  	v0 =	vld [tilespmem:s25+$0x9900];
	[tilespmem:s23+$0x10830] =	vst v1  }
0xd0: {  	v1 =	vld [tilespmem:s25+$0x9910];
	[tilespmem:s23+$0x10880] =	vst v2  }
0xd1: {  	v2 =	vld [tilespmem:s25+$0x9920];
	[tilespmem:s23+$0x10890] =	vst v3  }
0xd2: {  	v3 =	vld [tilespmem:s25+$0x9930];
	[tilespmem:s23+$0x108A0] =	vst v4;
	s23 =	smov.u32 s25  }
0xd3: {  	v4 =	vld [tilespmem:s23+$0x9980];
	[tilespmem:s23+$0x108B0] =	vst v5  }
0xd4: {  	[tilespmem:s23+$0x10400] =	vst v0;
	v0 =	vld [tilespmem:s23+$0x9990]  }
0xd5: {  	[tilespmem:s23+$0x10410] =	vst v1;
	v1 =	vld [tilespmem:s23+$0x99A0]  }
0xd6: {  	[tilespmem:s23+$0x10420] =	vst v2;
	v2 =	vld [tilespmem:s23+$0x99B0]  }
0xd7: {  	[tilespmem:s23+$0x10430] =	vst v3;
	v3 =	vld [tilespmem:s23+$0x9A00]  }
0xd8: {  	[tilespmem:s23+$0x10480] =	vst v4;
	v4 =	vld [tilespmem:s23+$0x9A10]  }
0xd9: {  	[tilespmem:s23+$0x10490] =	vst v0;
	v0 =	vld [tilespmem:s23+$0x9A20]  }
0xda: {  	[tilespmem:s23+$0x104A0] =	vst v1;
	v1 =	vld [tilespmem:s23+$0x9A30]  }
0xdb: {  	[tilespmem:s23+$0x104B0] =	vst v2;
	v2 =	vld [tilespmem:s23+$0x9A80]  }
0xdc: {  	[tilespmem:s23+$0x10500] =	vst v3;
	v3 =	vld [tilespmem:s23+$0x9A90]  }
0xdd: {  	[tilespmem:s23+$0x10510] =	vst v4;
	v4 =	vld [tilespmem:s23+$0x9AA0]  }
0xde: {  	[tilespmem:s23+$0x10520] =	vst v0;
	v0 =	vld [tilespmem:s23+$0x9AB0]  }
0xdf: {  	[tilespmem:s23+$0x10530] =	vst v1;
	v1 =	vld [tilespmem:s23+$0x9B00]  }
0xe0: {  	[tilespmem:s23+$0x10580] =	vst v2;
	v2 =	vld [tilespmem:s23+$0x9B10]  }
0xe1: {  	[tilespmem:s23+$0x10590] =	vst v3;
	v3 =	vld [tilespmem:s23+$0x9B20]  }
0xe2: {  	[tilespmem:s23+$0x105A0] =	vst v4;
	v4 =	vld [tilespmem:s23+$0x9B30]  }
0xe3: {  	[tilespmem:s23+$0x105B0] =	vst v0;
	v0 =	vld [tilespmem:s23+$0x9B80]  }
0xe4: {  	[tilespmem:s23+$0x10600] =	vst v1;
	v1 =	vld [tilespmem:s23+$0x9B90]  }
0xe5: {  	[tilespmem:s23+$0x10610] =	vst v2;
	v2 =	vld [tilespmem:s23+$0x9BA0]  }
0xe6: {  	[tilespmem:s23+$0x10620] =	vst v3;
	v3 =	vld [tilespmem:s23+$0x9BB0]  }
0xe7: {  	[tilespmem:s23+$0x10630] =	vst v4;
	v4 =	vld [tilespmem:s23+$0x9C00]  }
0xe8: {  	[tilespmem:s23+$0x10680] =	vst v0;
	v0 =	vld [tilespmem:s23+$0x9C10]  }
0xe9: {  	[tilespmem:s23+$0x10690] =	vst v1;
	v1 =	vld [tilespmem:s23+$0x9C20]  }
0xea: {  	[tilespmem:s23+$0x106A0] =	vst v2;
	v2 =	vld [tilespmem:s23+$0x9C30]  }
0xeb: {  	[tilespmem:s23+$0x106B0] =	vst v3;
	v3 =	vld [tilespmem:s23+$0x9C80]  }
0xec: {  	[tilespmem:s23+$0x10700] =	vst v4;
	v4 =	vld [tilespmem:s23+$0x9C90]  }
0xed: {  	[tilespmem:s23+$0x10710] =	vst v0;
	v5 =	vld [tilespmem:s23+$0x9CA0]  }
0xee: {  	[tilespmem:s23+$0x10720] =	vst v1;
	v6 =	vld [tilespmem:s23+$0x9CB0]  }
0xef: {  	[tilespmem:s23+$0x10730] =	vst v2;
	v7 =	vld [tilespmem:s23+$0x9D00]  }
0xf0: {  	[tilespmem:s23+$0x10780] =	vst v3;
	v8 =	vld [tilespmem:s23+$0x9D10]  }
.Ltmp3:
0xf1: {  	[tilespmem:s23+$0x10790] =	vst v4;
	v0 =	vld [tilespmem:s23+$0x9D20];
	(pc) =	sbr.rel @p1 .LBB2_5-.Ltmp3, $4  }
0xf2: {  	[tilespmem:s23+$0x107A0] =	vst v5;
	v1 =	vld [tilespmem:s23+$0x9D30]  }
0xf3: {  	[tilespmem:s23+$0x107B0] =	vst v6;
	v2 =	vld [tilespmem:s23+$0x9D80]  }
0xf4: {  	[tilespmem:s23+$0x10800] =	vst v7;
	v3 =	vld [tilespmem:s23+$0x9D90]  }
0xf5: {  	s25 =	sshra.s32 s24, $0x2;
	s24 =	sadd.s32 $0x1400, s24;
	[tilespmem:s23+$0x10810] =	vst v8;
	v4 =	vld [tilespmem:s23+$0x9DA0]  }
0xf6: {  	v5 =	vld [tilespmem:s25+$0x9DB0];
	[tilespmem:s23+$0x10820] =	vst v0  }
0xf7: {  	v0 =	vld [tilespmem:s25+$0x9900];
	[tilespmem:s23+$0x10830] =	vst v1  }
0xf8: {  	v1 =	vld [tilespmem:s25+$0x9910];
	[tilespmem:s23+$0x10880] =	vst v2  }
0xf9: {  	v2 =	vld [tilespmem:s25+$0x9920];
	[tilespmem:s23+$0x10890] =	vst v3  }
0xfa: {  	v3 =	vld [tilespmem:s25+$0x9930];
	[tilespmem:s23+$0x108A0] =	vst v4  }
0xfb: {  	v4 =	vld [tilespmem:s25+$0x9980];
	[tilespmem:s25+$0x108B0] =	vst v5  }
0xfc: {  	v30 =	vld [tilespmem:s25+$0x9990];
	[tilespmem:s25+$0x10400] =	vst v0  }
0xfd: {  	v31 =	vld [tilespmem:s25+$0x99A0];
	[tilespmem:s25+$0x10410] =	vst v1  }
0xfe: {  	v32 =	vld [tilespmem:s25+$0x99B0];
	[tilespmem:s25+$0x10420] =	vst v2  }
0xff: {  	v33 =	vld [tilespmem:s25+$0x9A00];
	[tilespmem:s25+$0x10430] =	vst v3  }
0x100: {  	v34 =	vld [tilespmem:s25+$0x9A10];
	[tilespmem:s25+$0x10480] =	vst v4  }
0x101: {  	v35 =	vld [tilespmem:s25+$0x9A20];
	[tilespmem:s25+$0x10490] =	vst v30  }
0x102: {  	v36 =	vld [tilespmem:s25+$0x9A30];
	[tilespmem:s25+$0x104A0] =	vst v31  }
0x103: {  	v37 =	vld [tilespmem:s25+$0x9A80];
	[tilespmem:s25+$0x104B0] =	vst v32  }
0x104: {  	v38 =	vld [tilespmem:s25+$0x9A90];
	[tilespmem:s25+$0x10500] =	vst v33  }
0x105: {  	v39 =	vld [tilespmem:s25+$0x9AA0];
	[tilespmem:s25+$0x10510] =	vst v34  }
0x106: {  	v40 =	vld [tilespmem:s25+$0x9AB0];
	[tilespmem:s25+$0x10520] =	vst v35  }
0x107: {  	v41 =	vld [tilespmem:s25+$0x9B00];
	[tilespmem:s25+$0x10530] =	vst v36  }
0x108: {  	v42 =	vld [tilespmem:s25+$0x9B10];
	[tilespmem:s25+$0x10580] =	vst v37  }
0x109: {  	v43 =	vld [tilespmem:s25+$0x9B20];
	[tilespmem:s25+$0x10590] =	vst v38  }
0x10a: {  	v44 =	vld [tilespmem:s25+$0x9B30];
	[tilespmem:s25+$0x105A0] =	vst v39  }
0x10b: {  	v45 =	vld [tilespmem:s25+$0x9B80];
	[tilespmem:s25+$0x105B0] =	vst v40  }
0x10c: {  	v46 =	vld [tilespmem:s25+$0x9B90];
	[tilespmem:s25+$0x10600] =	vst v41  }
0x10d: {  	v47 =	vld [tilespmem:s25+$0x9BA0];
	[tilespmem:s25+$0x10610] =	vst v42  }
0x10e: {  	v48 =	vld [tilespmem:s25+$0x9BB0];
	[tilespmem:s25+$0x10620] =	vst v43  }
0x10f: {  	v49 =	vld [tilespmem:s25+$0x9C00];
	[tilespmem:s25+$0x10630] =	vst v44  }
0x110: {  	v50 =	vld [tilespmem:s25+$0x9C10];
	[tilespmem:s25+$0x10680] =	vst v45  }
0x111: {  	v51 =	vld [tilespmem:s25+$0x9C20];
	[tilespmem:s25+$0x10690] =	vst v46  }
0x112: {  	v52 =	vld [tilespmem:s25+$0x9C30];
	[tilespmem:s25+$0x106A0] =	vst v47  }
0x113: {  	v53 =	vld [tilespmem:s25+$0x9C80];
	[tilespmem:s25+$0x106B0] =	vst v48  }
0x114: {  	v54 =	vld [tilespmem:s25+$0x9C90];
	[tilespmem:s25+$0x10700] =	vst v49  }
0x115: {  	v55 =	vld [tilespmem:s25+$0x9CA0];
	[tilespmem:s25+$0x10710] =	vst v50  }
0x116: {  	v56 =	vld [tilespmem:s25+$0x9CB0];
	[tilespmem:s25+$0x10720] =	vst v51  }
0x117: {  	v57 =	vld [tilespmem:s25+$0x9D00];
	[tilespmem:s25+$0x10730] =	vst v52  }
0x118: {  	v58 =	vld [tilespmem:s25+$0x9D10];
	[tilespmem:s25+$0x10780] =	vst v53  }
0x119: {  	v59 =	vld [tilespmem:s25+$0x9D20];
	[tilespmem:s25+$0x10790] =	vst v54  }
0x11a: {  	v60 =	vld [tilespmem:s25+$0x9D30];
	[tilespmem:s25+$0x107A0] =	vst v55  }
0x11b: {  	v61 =	vld [tilespmem:s25+$0x9D80];
	[tilespmem:s25+$0x107B0] =	vst v56  }
0x11c: {  	v62 =	vld [tilespmem:s25+$0x9D90];
	[tilespmem:s25+$0x10800] =	vst v57  }
0x11d: {  	s29 =	sshll.u32 s22, $0x2;
	v63 =	vld [tilespmem:s25+$0x9DA0];
	[tilespmem:s25+$0x10810] =	vst v58  }
0x11e: {  	s23 =	sor.u32 s5, s29;
	[tilespmem:s25+$0x10820] =	vst v59  }
0x11f: {  	s24 =	smul.u32 $0x380, s23;
	[tilespmem:s25+$0x10830] =	vst v60  }
0x120: {  	s30 =	smul.u32 $0x1C00, s23;
	[tilespmem:s25+$0x10880] =	vst v61  }
0x121: {  	p1 =	sne.s32 s22, $0x7F;
	[tilespmem:s25+$0x10890] =	vst v62  }
.Ltmp4:
0x122: {  	s24 =	sadd.s32 s4, s24;
	s31 =	sshrl.u32 s30, $0x3;
	[tilespmem:s25+$0x108A0] =	vst v63;
	(pc) =	sbr.rel @p1 .LBB2_8-.Ltmp4, $4  }
0x123: {  	[hbm4b:s24+s2] =	stream.linear.scatter [tilespmem:s14], [sflag:$0x3], $0x1900, $0x38;
	[tilespmem:$0x15800] =	vst v63  }
0x124: {  	s24 =	sadd.s32 s4, s31  }
0x125: {  	s24 =	sadd.s32 $0x380, s24  }
0x126: {  	[hbm4b:s24+s2] =	stream.linear.scatter [tilespmem:s15], [sflag:$0x3], $0x1900, $0x38;
	[tilespmem:$0x15800] =	vst v63  }
.Ltmp5:
0x127: {  	(pc) =	sbr.rel .LBB2_9-.Ltmp5, $4  }
0x128: {  	_ = 	snop  }
0x129: {  	_ =	swait.ge [sflag:s16], $0x3200  }
0x12a: {  	[sflag:s16] =	ssyncset.done $0x0  }
0x12b: {  	[sflag:s16] =	ssyncadd.s32 $0xFFFFCE00  }
.LBB2_8:
0x12c: {  	s24 =	sshll.u32 s22, $0x8  }
0x12d: {  	s24 =	sand.u32 $0x3FFFFF00, s24  }
.Ltmp6:
0x12e: {  	s24 =	sadd.s32 $0x100, s24;
	(pc) =	sbr.rel @p0 .LBB2_10-.Ltmp6, $4  }
0x12f: {  	[tilespmem:s10], [sflag:$0x1] =	stream.indirect.gather [hbm4b:s3+s9], $0x80, s24, s9, $0xb8;
	[tilespmem:$0x15800] =	vst v63  }
0x130: {  	_ =	swait.ge [sflag:s16], $0x3200  }
0x131: {  	[sflag:s16] =	ssyncset.done $0x0  }
0x132: {  	[sflag:s16] =	ssyncadd.s32 $0xFFFFCE00  }
.LBB2_9:
0x133: {  	_ =	swait.ge [sflag:s17], $0x1900  }
0x134: {  	[sflag:s17] =	ssyncset.done $0x0  }
0x135: {  	[sflag:s17] =	ssyncadd.s32 $0xFFFFE700  }
0x136: {  	_ =	swait.ge [sflag:s17], $0x1900  }
0x137: {  	[sflag:s17] =	ssyncset.done $0x0  }
0x138: {  	[sflag:s17] =	ssyncadd.s32 $0xFFFFE700  }
.LBB2_10:
0x139: {  	s24 =	simm.s32 $0x4B0  }
0x13a: {  	v0 =	vld [tilespmem:s24+$0xB400]  }
0x13b: {  	v1 =	vld [tilespmem:s24+$0xAF50]  }
0x13c: {  	v2 =	vld [tilespmem:s24+$0xAF60]  }
0x13d: {  	v3 =	vld [tilespmem:s24+$0xAF70]  }
0x13e: {  	v4 =	vld [tilespmem:s24+$0xAF80]  }
0x13f: {  	v5 =	vld [tilespmem:s24+$0xAFD0];
	[tilespmem:s24+$0x12000] =	vst v0  }
0x140: {  	v6 =	vld [tilespmem:s24+$0xB300];
	[tilespmem:s24+$0x11B50] =	vst v1  }
0x141: {  	v7 =	vld [tilespmem:s24+$0xB350];
	[tilespmem:s24+$0x11B60] =	vst v2  }
0x142: {  	v8 =	vld [tilespmem:s24+$0xB360];
	[tilespmem:s24+$0x11B70] =	vst v3  }
0x143: {  	v0 =	vld [tilespmem:s24+$0xAFE0];
	[tilespmem:s24+$0x11B80] =	vst v4  }
0x144: {  	v1 =	vld [tilespmem:s24+$0xAFF0];
	[tilespmem:s24+$0x11BD0] =	vst v5  }
0x145: {  	v2 =	vld [tilespmem:s24+$0xB000];
	[tilespmem:s24+$0x11F00] =	vst v6  }
0x146: {  	v3 =	vld [tilespmem:s24+$0xB050];
	[tilespmem:s24+$0x11F50] =	vst v7  }
0x147: {  	v4 =	vld [tilespmem:s24+$0xB060];
	[tilespmem:s24+$0x11F60] =	vst v8  }
0x148: {  	v5 =	vld [tilespmem:s24+$0xB2F0];
	[tilespmem:s24+$0x11BE0] =	vst v0  }
0x149: {  	v0 =	vld [tilespmem:s24+$0xB070];
	[tilespmem:s24+$0x11BF0] =	vst v1  }
0x14a: {  	v1 =	vld [tilespmem:s24+$0xB080];
	[tilespmem:s24+$0x11C00] =	vst v2  }
0x14b: {  	v2 =	vld [tilespmem:s24+$0xB0D0];
	[tilespmem:s24+$0x11C50] =	vst v3  }
0x14c: {  	v3 =	vld [tilespmem:s24+$0xB0E0];
	[tilespmem:s24+$0x11C60] =	vst v4  }
0x14d: {  	v4 =	vld [tilespmem:s24+$0xB0F0];
	[tilespmem:s24+$0x11EF0] =	vst v5  }
0x14e: {  	[tilespmem:s24+$0x11C70] =	vst v0;
	v0 =	vld [tilespmem:s24+$0xB100]  }
0x14f: {  	[tilespmem:s24+$0x11C80] =	vst v1;
	v1 =	vld [tilespmem:s24+$0xB150]  }
0x150: {  	[tilespmem:s24+$0x11CD0] =	vst v2;
	v2 =	vld [tilespmem:s24+$0xB160]  }
0x151: {  	[tilespmem:s24+$0x11CE0] =	vst v3;
	v3 =	vld [tilespmem:s24+$0xB170]  }
0x152: {  	[tilespmem:s24+$0x11CF0] =	vst v4;
	v4 =	vld [tilespmem:s24+$0xB180]  }
0x153: {  	[tilespmem:s24+$0x11D00] =	vst v0;
	v0 =	vld [tilespmem:s24+$0xB1D0]  }
0x154: {  	[tilespmem:s24+$0x11D50] =	vst v1;
	v1 =	vld [tilespmem:s24+$0xB1E0]  }
0x155: {  	[tilespmem:s24+$0x11D60] =	vst v2;
	v2 =	vld [tilespmem:s24+$0xB1F0]  }
0x156: {  	[tilespmem:s24+$0x11D70] =	vst v3;
	v3 =	vld [tilespmem:s24+$0xB200]  }
0x157: {  	[tilespmem:s24+$0x11D80] =	vst v4;
	v4 =	vld [tilespmem:s24+$0xB250]  }
0x158: {  	[tilespmem:s24+$0x11DD0] =	vst v0;
	v0 =	vld [tilespmem:s24+$0xB260]  }
0x159: {  	[tilespmem:s24+$0x11DE0] =	vst v1;
	v1 =	vld [tilespmem:s24+$0xB270]  }
0x15a: {  	[tilespmem:s24+$0x11DF0] =	vst v2;
	v2 =	vld [tilespmem:s24+$0xB280]  }
0x15b: {  	[tilespmem:s24+$0x11E00] =	vst v3;
	v3 =	vld [tilespmem:s24+$0xB2D0]  }
0x15c: {  	[tilespmem:s24+$0x11E50] =	vst v4;
	v4 =	vld [tilespmem:s24+$0xB2E0]  }
0x15d: {  	[tilespmem:s24+$0x11E60] =	vst v0;
	v0 =	vld [tilespmem:s24+$0xB370]  }
0x15e: {  	[tilespmem:s24+$0x11E70] =	vst v1;
	v1 =	vld [tilespmem:s24+$0xB380]  }
0x15f: {  	[tilespmem:s24+$0x11E80] =	vst v2;
	v2 =	vld [tilespmem:s24+$0xB3D0]  }
0x160: {  	[tilespmem:s24+$0x11ED0] =	vst v3;
	v3 =	vld [tilespmem:s24+$0xB3E0]  }
0x161: {  	s26 =	simm.s32 $0x9B0;
	s25 =	simm.s32 $0x3AC0;
	[tilespmem:s24+$0x11EE0] =	vst v4;
	v4 =	vld [tilespmem:s24+$0xB3F0]  }
.LBB2_11:
0x162: {  	p0 =	sne.s32 s25, $0x62C0;
	v5 =	vld [tilespmem:s26+$0xB400];
	[tilespmem:s24+$0x11F70] =	vst v0  }
0x163: {  	v0 =	vld [tilespmem:s26+$0xAF50];
	[tilespmem:s24+$0x11F80] =	vst v1  }
0x164: {  	v1 =	vld [tilespmem:s26+$0xAF60];
	[tilespmem:s24+$0x11FD0] =	vst v2  }
0x165: {  	v2 =	vld [tilespmem:s26+$0xAF70];
	[tilespmem:s24+$0x11FE0] =	vst v3  }
0x166: {  	v3 =	vld [tilespmem:s26+$0xAF80];
	[tilespmem:s24+$0x11FF0] =	vst v4;
	s24 =	smov.u32 s26  }
0x167: {  	v4 =	vld [tilespmem:s24+$0xAFD0];
	[tilespmem:s24+$0x12000] =	vst v5  }
0x168: {  	[tilespmem:s24+$0x11B50] =	vst v0;
	v0 =	vld [tilespmem:s24+$0xAFE0]  }
0x169: {  	[tilespmem:s24+$0x11B60] =	vst v1;
	v1 =	vld [tilespmem:s24+$0xAFF0]  }
0x16a: {  	[tilespmem:s24+$0x11B70] =	vst v2;
	v2 =	vld [tilespmem:s24+$0xB000]  }
0x16b: {  	[tilespmem:s24+$0x11B80] =	vst v3;
	v3 =	vld [tilespmem:s24+$0xB050]  }
0x16c: {  	[tilespmem:s24+$0x11BD0] =	vst v4;
	v4 =	vld [tilespmem:s24+$0xB060]  }
0x16d: {  	[tilespmem:s24+$0x11BE0] =	vst v0;
	v0 =	vld [tilespmem:s24+$0xB070]  }
0x16e: {  	[tilespmem:s24+$0x11BF0] =	vst v1;
	v1 =	vld [tilespmem:s24+$0xB080]  }
0x16f: {  	[tilespmem:s24+$0x11C00] =	vst v2;
	v2 =	vld [tilespmem:s24+$0xB0D0]  }
0x170: {  	[tilespmem:s24+$0x11C50] =	vst v3;
	v3 =	vld [tilespmem:s24+$0xB0E0]  }
0x171: {  	[tilespmem:s24+$0x11C60] =	vst v4;
	v4 =	vld [tilespmem:s24+$0xB0F0]  }
0x172: {  	[tilespmem:s24+$0x11C70] =	vst v0;
	v0 =	vld [tilespmem:s24+$0xB100]  }
0x173: {  	[tilespmem:s24+$0x11C80] =	vst v1;
	v1 =	vld [tilespmem:s24+$0xB150]  }
0x174: {  	[tilespmem:s24+$0x11CD0] =	vst v2;
	v2 =	vld [tilespmem:s24+$0xB160]  }
0x175: {  	[tilespmem:s24+$0x11CE0] =	vst v3;
	v3 =	vld [tilespmem:s24+$0xB170]  }
0x176: {  	[tilespmem:s24+$0x11CF0] =	vst v4;
	v4 =	vld [tilespmem:s24+$0xB180]  }
0x177: {  	[tilespmem:s24+$0x11D00] =	vst v0;
	v0 =	vld [tilespmem:s24+$0xB1D0]  }
0x178: {  	[tilespmem:s24+$0x11D50] =	vst v1;
	v1 =	vld [tilespmem:s24+$0xB1E0]  }
0x179: {  	[tilespmem:s24+$0x11D60] =	vst v2;
	v2 =	vld [tilespmem:s24+$0xB1F0]  }
0x17a: {  	[tilespmem:s24+$0x11D70] =	vst v3;
	v3 =	vld [tilespmem:s24+$0xB200]  }
0x17b: {  	[tilespmem:s24+$0x11D80] =	vst v4;
	v4 =	vld [tilespmem:s24+$0xB250]  }
0x17c: {  	[tilespmem:s24+$0x11DD0] =	vst v0;
	v0 =	vld [tilespmem:s24+$0xB260]  }
0x17d: {  	[tilespmem:s24+$0x11DE0] =	vst v1;
	v1 =	vld [tilespmem:s24+$0xB270]  }
0x17e: {  	[tilespmem:s24+$0x11DF0] =	vst v2;
	v2 =	vld [tilespmem:s24+$0xB280]  }
0x17f: {  	[tilespmem:s24+$0x11E00] =	vst v3;
	v3 =	vld [tilespmem:s24+$0xB2D0]  }
0x180: {  	[tilespmem:s24+$0x11E50] =	vst v4;
	v4 =	vld [tilespmem:s24+$0xB2E0]  }
0x181: {  	[tilespmem:s24+$0x11E60] =	vst v0;
	v5 =	vld [tilespmem:s24+$0xB2F0]  }
0x182: {  	[tilespmem:s24+$0x11E70] =	vst v1;
	v6 =	vld [tilespmem:s24+$0xB300]  }
0x183: {  	[tilespmem:s24+$0x11E80] =	vst v2;
	v7 =	vld [tilespmem:s24+$0xB350]  }
0x184: {  	[tilespmem:s24+$0x11ED0] =	vst v3;
	v8 =	vld [tilespmem:s24+$0xB360]  }
.Ltmp7:
0x185: {  	[tilespmem:s24+$0x11EE0] =	vst v4;
	v0 =	vld [tilespmem:s24+$0xB370];
	(pc) =	sbr.rel @p0 .LBB2_11-.Ltmp7, $4  }
0x186: {  	[tilespmem:s24+$0x11EF0] =	vst v5;
	v1 =	vld [tilespmem:s24+$0xB380]  }
0x187: {  	[tilespmem:s24+$0x11F00] =	vst v6;
	v2 =	vld [tilespmem:s24+$0xB3D0]  }
0x188: {  	[tilespmem:s24+$0x11F50] =	vst v7;
	v3 =	vld [tilespmem:s24+$0xB3E0]  }
0x189: {  	s26 =	sshra.s32 s25, $0x2;
	s25 =	sadd.s32 $0x1400, s25;
	[tilespmem:s24+$0x11F60] =	vst v8;
	v4 =	vld [tilespmem:s24+$0xB3F0]  }
0x18a: {  	v5 =	vld [tilespmem:s26+$0xB400];
	[tilespmem:s24+$0x11F70] =	vst v0  }
0x18b: {  	v0 =	vld [tilespmem:s26+$0xAF50];
	[tilespmem:s24+$0x11F80] =	vst v1  }
0x18c: {  	v1 =	vld [tilespmem:s26+$0xAF60];
	[tilespmem:s24+$0x11FD0] =	vst v2  }
0x18d: {  	v2 =	vld [tilespmem:s26+$0xAF70];
	[tilespmem:s24+$0x11FE0] =	vst v3  }
0x18e: {  	v3 =	vld [tilespmem:s26+$0xAF80];
	[tilespmem:s24+$0x11FF0] =	vst v4  }
0x18f: {  	v4 =	vld [tilespmem:s26+$0xAFD0];
	[tilespmem:s26+$0x12000] =	vst v5  }
0x190: {  	[tilespmem:s26+$0x11B50] =	vst v0;
	v0 =	vld [tilespmem:s26+$0xAFE0]  }
0x191: {  	[tilespmem:s26+$0x11B60] =	vst v1;
	v1 =	vld [tilespmem:s26+$0xAFF0]  }
0x192: {  	[tilespmem:s26+$0x11B70] =	vst v2;
	v2 =	vld [tilespmem:s26+$0xB000]  }
0x193: {  	[tilespmem:s26+$0x11B80] =	vst v3;
	v3 =	vld [tilespmem:s26+$0xB050]  }
0x194: {  	[tilespmem:s26+$0x11BD0] =	vst v4;
	v4 =	vld [tilespmem:s26+$0xB060]  }
0x195: {  	[tilespmem:s26+$0x11BE0] =	vst v0;
	v0 =	vld [tilespmem:s26+$0xB070]  }
0x196: {  	[tilespmem:s26+$0x11BF0] =	vst v1;
	v1 =	vld [tilespmem:s26+$0xB080]  }
0x197: {  	[tilespmem:s26+$0x11C00] =	vst v2;
	v2 =	vld [tilespmem:s26+$0xB0D0]  }
0x198: {  	[tilespmem:s26+$0x11C50] =	vst v3;
	v3 =	vld [tilespmem:s26+$0xB0E0]  }
0x199: {  	[tilespmem:s26+$0x11C60] =	vst v4;
	v4 =	vld [tilespmem:s26+$0xB0F0]  }
0x19a: {  	[tilespmem:s26+$0x11C70] =	vst v0;
	v0 =	vld [tilespmem:s26+$0xB100]  }
0x19b: {  	[tilespmem:s26+$0x11C80] =	vst v1;
	v1 =	vld [tilespmem:s26+$0xB150]  }
0x19c: {  	[tilespmem:s26+$0x11CD0] =	vst v2;
	v2 =	vld [tilespmem:s26+$0xB160]  }
0x19d: {  	[tilespmem:s26+$0x11CE0] =	vst v3;
	v3 =	vld [tilespmem:s26+$0xB170]  }
0x19e: {  	[tilespmem:s26+$0x11CF0] =	vst v4;
	v4 =	vld [tilespmem:s26+$0xB180]  }
0x19f: {  	[tilespmem:s26+$0x11D00] =	vst v0;
	v0 =	vld [tilespmem:s26+$0xB1D0]  }
0x1a0: {  	[tilespmem:s26+$0x11D50] =	vst v1;
	v1 =	vld [tilespmem:s26+$0xB1E0]  }
0x1a1: {  	[tilespmem:s26+$0x11D60] =	vst v2;
	v2 =	vld [tilespmem:s26+$0xB1F0]  }
0x1a2: {  	[tilespmem:s26+$0x11D70] =	vst v3;
	v3 =	vld [tilespmem:s26+$0xB200]  }
0x1a3: {  	[tilespmem:s26+$0x11D80] =	vst v4;
	v4 =	vld [tilespmem:s26+$0xB250]  }
0x1a4: {  	[tilespmem:s26+$0x11DD0] =	vst v0;
	v0 =	vld [tilespmem:s26+$0xB260]  }
0x1a5: {  	[tilespmem:s26+$0x11DE0] =	vst v1;
	v1 =	vld [tilespmem:s26+$0xB270]  }
0x1a6: {  	[tilespmem:s26+$0x11DF0] =	vst v2;
	v2 =	vld [tilespmem:s26+$0xB280]  }
0x1a7: {  	[tilespmem:s26+$0x11E00] =	vst v3;
	v3 =	vld [tilespmem:s26+$0xB2D0]  }
0x1a8: {  	[tilespmem:s26+$0x11E50] =	vst v4;
	v4 =	vld [tilespmem:s26+$0xB2E0]  }
0x1a9: {  	[tilespmem:s26+$0x11E60] =	vst v0;
	v0 =	vld [tilespmem:s26+$0xB2F0]  }
0x1aa: {  	[tilespmem:s26+$0x11E70] =	vst v1;
	v1 =	vld [tilespmem:s26+$0xB300]  }
0x1ab: {  	[tilespmem:s26+$0x11E80] =	vst v2;
	v2 =	vld [tilespmem:s26+$0xB350]  }
0x1ac: {  	[tilespmem:s26+$0x11ED0] =	vst v3;
	v3 =	vld [tilespmem:s26+$0xB360]  }
0x1ad: {  	[tilespmem:s26+$0x11EE0] =	vst v4;
	v4 =	vld [tilespmem:s26+$0xB370]  }
0x1ae: {  	[tilespmem:s26+$0x11EF0] =	vst v0;
	v0 =	vld [tilespmem:s26+$0xB380]  }
0x1af: {  	[tilespmem:s26+$0x11F00] =	vst v1;
	v1 =	vld [tilespmem:s26+$0xB3D0]  }
0x1b0: {  	[tilespmem:s26+$0x11F50] =	vst v2;
	v2 =	vld [tilespmem:s26+$0xB3E0]  }
0x1b1: {  	[tilespmem:s26+$0x11F60] =	vst v3;
	v3 =	vld [tilespmem:s26+$0xB3F0]  }
0x1b2: {  	[tilespmem:s26+$0x11F70] =	vst v4  }
0x1b3: {  	[tilespmem:s26+$0x11F80] =	vst v0  }
0x1b4: {  	[tilespmem:s26+$0x11FD0] =	vst v1  }
0x1b5: {  	[tilespmem:s26+$0x11FE0] =	vst v2  }
0x1b6: {  	s24 =	simm.s32 $0x0;
	[tilespmem:s26+$0x11FF0] =	vst v3  }
0x1b7: {  	v0 =	vld [tilespmem:s24+$0xD1B0]  }
0x1b8: {  	v1 =	vld [tilespmem:s24+$0xCD00]  }
0x1b9: {  	v2 =	vld [tilespmem:s24+$0xCD10]  }
0x1ba: {  	v3 =	vld [tilespmem:s24+$0xCD20]  }
0x1bb: {  	v4 =	vld [tilespmem:s24+$0xCD30]  }
0x1bc: {  	v5 =	vld [tilespmem:s24+$0xCD80];
	[tilespmem:s24+$0x140B0] =	vst v0  }
0x1bd: {  	v6 =	vld [tilespmem:s24+$0xD0B0];
	[tilespmem:s24+$0x13C00] =	vst v1  }
0x1be: {  	v7 =	vld [tilespmem:s24+$0xD100];
	[tilespmem:s24+$0x13C10] =	vst v2  }
0x1bf: {  	v8 =	vld [tilespmem:s24+$0xD110];
	[tilespmem:s24+$0x13C20] =	vst v3  }
0x1c0: {  	v0 =	vld [tilespmem:s24+$0xCD90];
	[tilespmem:s24+$0x13C30] =	vst v4  }
0x1c1: {  	v1 =	vld [tilespmem:s24+$0xCDA0];
	[tilespmem:s24+$0x13C80] =	vst v5  }
0x1c2: {  	v2 =	vld [tilespmem:s24+$0xCDB0];
	[tilespmem:s24+$0x13FB0] =	vst v6  }
0x1c3: {  	v3 =	vld [tilespmem:s24+$0xCE00];
	[tilespmem:s24+$0x14000] =	vst v7  }
0x1c4: {  	v4 =	vld [tilespmem:s24+$0xCE10];
	[tilespmem:s24+$0x14010] =	vst v8  }
0x1c5: {  	v5 =	vld [tilespmem:s24+$0xD0A0];
	[tilespmem:s24+$0x13C90] =	vst v0  }
0x1c6: {  	v0 =	vld [tilespmem:s24+$0xCE20];
	[tilespmem:s24+$0x13CA0] =	vst v1  }
0x1c7: {  	v1 =	vld [tilespmem:s24+$0xCE30];
	[tilespmem:s24+$0x13CB0] =	vst v2  }
0x1c8: {  	v2 =	vld [tilespmem:s24+$0xCE80];
	[tilespmem:s24+$0x13D00] =	vst v3  }
0x1c9: {  	v3 =	vld [tilespmem:s24+$0xCE90];
	[tilespmem:s24+$0x13D10] =	vst v4  }
0x1ca: {  	v4 =	vld [tilespmem:s24+$0xCEA0];
	[tilespmem:s24+$0x13FA0] =	vst v5  }
0x1cb: {  	[tilespmem:s24+$0x13D20] =	vst v0;
	v0 =	vld [tilespmem:s24+$0xCEB0]  }
0x1cc: {  	[tilespmem:s24+$0x13D30] =	vst v1;
	v1 =	vld [tilespmem:s24+$0xCF00]  }
0x1cd: {  	[tilespmem:s24+$0x13D80] =	vst v2;
	v2 =	vld [tilespmem:s24+$0xCF10]  }
0x1ce: {  	[tilespmem:s24+$0x13D90] =	vst v3;
	v3 =	vld [tilespmem:s24+$0xCF20]  }
0x1cf: {  	[tilespmem:s24+$0x13DA0] =	vst v4;
	v4 =	vld [tilespmem:s24+$0xCF30]  }
0x1d0: {  	[tilespmem:s24+$0x13DB0] =	vst v0;
	v0 =	vld [tilespmem:s24+$0xCF80]  }
0x1d1: {  	[tilespmem:s24+$0x13E00] =	vst v1;
	v1 =	vld [tilespmem:s24+$0xCF90]  }
0x1d2: {  	[tilespmem:s24+$0x13E10] =	vst v2;
	v2 =	vld [tilespmem:s24+$0xCFA0]  }
0x1d3: {  	[tilespmem:s24+$0x13E20] =	vst v3;
	v3 =	vld [tilespmem:s24+$0xCFB0]  }
0x1d4: {  	[tilespmem:s24+$0x13E30] =	vst v4;
	v4 =	vld [tilespmem:s24+$0xD000]  }
0x1d5: {  	[tilespmem:s24+$0x13E80] =	vst v0;
	v0 =	vld [tilespmem:s24+$0xD010]  }
0x1d6: {  	[tilespmem:s24+$0x13E90] =	vst v1;
	v1 =	vld [tilespmem:s24+$0xD020]  }
0x1d7: {  	[tilespmem:s24+$0x13EA0] =	vst v2;
	v2 =	vld [tilespmem:s24+$0xD030]  }
0x1d8: {  	[tilespmem:s24+$0x13EB0] =	vst v3;
	v3 =	vld [tilespmem:s24+$0xD080]  }
0x1d9: {  	[tilespmem:s24+$0x13F00] =	vst v4;
	v4 =	vld [tilespmem:s24+$0xD090]  }
0x1da: {  	[tilespmem:s24+$0x13F10] =	vst v0;
	v0 =	vld [tilespmem:s24+$0xD120]  }
0x1db: {  	[tilespmem:s24+$0x13F20] =	vst v1;
	v1 =	vld [tilespmem:s24+$0xD130]  }
0x1dc: {  	[tilespmem:s24+$0x13F30] =	vst v2;
	v2 =	vld [tilespmem:s24+$0xD180]  }
0x1dd: {  	[tilespmem:s24+$0x13F80] =	vst v3;
	v3 =	vld [tilespmem:s24+$0xD190]  }
0x1de: {  	s25 =	simm.s32 $0x2800;
	s26 =	simm.s32 $0x500;
	[tilespmem:s24+$0x13F90] =	vst v4;
	v4 =	vld [tilespmem:s24+$0xD1A0]  }
.LBB2_13:
0x1df: {  	p0 =	sne.s32 s25, $0x5000;
	v5 =	vld [tilespmem:s26+$0xD1B0];
	[tilespmem:s24+$0x14020] =	vst v0  }
0x1e0: {  	v0 =	vld [tilespmem:s26+$0xCD00];
	[tilespmem:s24+$0x14030] =	vst v1  }
0x1e1: {  	v1 =	vld [tilespmem:s26+$0xCD10];
	[tilespmem:s24+$0x14080] =	vst v2  }
0x1e2: {  	v2 =	vld [tilespmem:s26+$0xCD20];
	[tilespmem:s24+$0x14090] =	vst v3  }
0x1e3: {  	v3 =	vld [tilespmem:s26+$0xCD30];
	[tilespmem:s24+$0x140A0] =	vst v4;
	s24 =	smov.u32 s26  }
0x1e4: {  	v4 =	vld [tilespmem:s24+$0xCD80];
	[tilespmem:s24+$0x140B0] =	vst v5  }
0x1e5: {  	[tilespmem:s24+$0x13C00] =	vst v0;
	v0 =	vld [tilespmem:s24+$0xCD90]  }
0x1e6: {  	[tilespmem:s24+$0x13C10] =	vst v1;
	v1 =	vld [tilespmem:s24+$0xCDA0]  }
0x1e7: {  	[tilespmem:s24+$0x13C20] =	vst v2;
	v2 =	vld [tilespmem:s24+$0xCDB0]  }
0x1e8: {  	[tilespmem:s24+$0x13C30] =	vst v3;
	v3 =	vld [tilespmem:s24+$0xCE00]  }
0x1e9: {  	[tilespmem:s24+$0x13C80] =	vst v4;
	v4 =	vld [tilespmem:s24+$0xCE10]  }
0x1ea: {  	[tilespmem:s24+$0x13C90] =	vst v0;
	v0 =	vld [tilespmem:s24+$0xCE20]  }
0x1eb: {  	[tilespmem:s24+$0x13CA0] =	vst v1;
	v1 =	vld [tilespmem:s24+$0xCE30]  }
0x1ec: {  	[tilespmem:s24+$0x13CB0] =	vst v2;
	v2 =	vld [tilespmem:s24+$0xCE80]  }
0x1ed: {  	[tilespmem:s24+$0x13D00] =	vst v3;
	v3 =	vld [tilespmem:s24+$0xCE90]  }
0x1ee: {  	[tilespmem:s24+$0x13D10] =	vst v4;
	v4 =	vld [tilespmem:s24+$0xCEA0]  }
0x1ef: {  	[tilespmem:s24+$0x13D20] =	vst v0;
	v0 =	vld [tilespmem:s24+$0xCEB0]  }
0x1f0: {  	[tilespmem:s24+$0x13D30] =	vst v1;
	v1 =	vld [tilespmem:s24+$0xCF00]  }
0x1f1: {  	[tilespmem:s24+$0x13D80] =	vst v2;
	v2 =	vld [tilespmem:s24+$0xCF10]  }
0x1f2: {  	[tilespmem:s24+$0x13D90] =	vst v3;
	v3 =	vld [tilespmem:s24+$0xCF20]  }
0x1f3: {  	[tilespmem:s24+$0x13DA0] =	vst v4;
	v4 =	vld [tilespmem:s24+$0xCF30]  }
0x1f4: {  	[tilespmem:s24+$0x13DB0] =	vst v0;
	v0 =	vld [tilespmem:s24+$0xCF80]  }
0x1f5: {  	[tilespmem:s24+$0x13E00] =	vst v1;
	v1 =	vld [tilespmem:s24+$0xCF90]  }
0x1f6: {  	[tilespmem:s24+$0x13E10] =	vst v2;
	v2 =	vld [tilespmem:s24+$0xCFA0]  }
0x1f7: {  	[tilespmem:s24+$0x13E20] =	vst v3;
	v3 =	vld [tilespmem:s24+$0xCFB0]  }
0x1f8: {  	[tilespmem:s24+$0x13E30] =	vst v4;
	v4 =	vld [tilespmem:s24+$0xD000]  }
0x1f9: {  	[tilespmem:s24+$0x13E80] =	vst v0;
	v0 =	vld [tilespmem:s24+$0xD010]  }
0x1fa: {  	[tilespmem:s24+$0x13E90] =	vst v1;
	v1 =	vld [tilespmem:s24+$0xD020]  }
0x1fb: {  	[tilespmem:s24+$0x13EA0] =	vst v2;
	v2 =	vld [tilespmem:s24+$0xD030]  }
0x1fc: {  	[tilespmem:s24+$0x13EB0] =	vst v3;
	v3 =	vld [tilespmem:s24+$0xD080]  }
0x1fd: {  	[tilespmem:s24+$0x13F00] =	vst v4;
	v4 =	vld [tilespmem:s24+$0xD090]  }
0x1fe: {  	[tilespmem:s24+$0x13F10] =	vst v0;
	v5 =	vld [tilespmem:s24+$0xD0A0]  }
0x1ff: {  	[tilespmem:s24+$0x13F20] =	vst v1;
	v6 =	vld [tilespmem:s24+$0xD0B0]  }
0x200: {  	[tilespmem:s24+$0x13F30] =	vst v2;
	v7 =	vld [tilespmem:s24+$0xD100]  }
0x201: {  	[tilespmem:s24+$0x13F80] =	vst v3;
	v8 =	vld [tilespmem:s24+$0xD110]  }
.Ltmp8:
0x202: {  	[tilespmem:s24+$0x13F90] =	vst v4;
	v0 =	vld [tilespmem:s24+$0xD120];
	(pc) =	sbr.rel @p0 .LBB2_13-.Ltmp8, $4  }
0x203: {  	[tilespmem:s24+$0x13FA0] =	vst v5;
	v1 =	vld [tilespmem:s24+$0xD130]  }
0x204: {  	[tilespmem:s24+$0x13FB0] =	vst v6;
	v2 =	vld [tilespmem:s24+$0xD180]  }
0x205: {  	[tilespmem:s24+$0x14000] =	vst v7;
	v3 =	vld [tilespmem:s24+$0xD190]  }
0x206: {  	s26 =	sshra.s32 s25, $0x2;
	s25 =	sadd.s32 $0x1400, s25;
	[tilespmem:s24+$0x14010] =	vst v8;
	v4 =	vld [tilespmem:s24+$0xD1A0]  }
0x207: {  	v5 =	vld [tilespmem:s26+$0xD1B0];
	[tilespmem:s24+$0x14020] =	vst v0  }
0x208: {  	v0 =	vld [tilespmem:s26+$0xCD00];
	[tilespmem:s24+$0x14030] =	vst v1  }
0x209: {  	v1 =	vld [tilespmem:s26+$0xCD10];
	[tilespmem:s24+$0x14080] =	vst v2  }
0x20a: {  	v2 =	vld [tilespmem:s26+$0xCD20];
	[tilespmem:s24+$0x14090] =	vst v3  }
0x20b: {  	v3 =	vld [tilespmem:s26+$0xCD30];
	[tilespmem:s24+$0x140A0] =	vst v4  }
0x20c: {  	v4 =	vld [tilespmem:s26+$0xCD80];
	[tilespmem:s26+$0x140B0] =	vst v5  }
0x20d: {  	v30 =	vld [tilespmem:s26+$0xCD90];
	[tilespmem:s26+$0x13C00] =	vst v0  }
0x20e: {  	v31 =	vld [tilespmem:s26+$0xCDA0];
	[tilespmem:s26+$0x13C10] =	vst v1  }
0x20f: {  	v32 =	vld [tilespmem:s26+$0xCDB0];
	[tilespmem:s26+$0x13C20] =	vst v2  }
0x210: {  	v33 =	vld [tilespmem:s26+$0xCE00];
	[tilespmem:s26+$0x13C30] =	vst v3  }
0x211: {  	v34 =	vld [tilespmem:s26+$0xCE10];
	[tilespmem:s26+$0x13C80] =	vst v4  }
0x212: {  	v35 =	vld [tilespmem:s26+$0xCE20];
	[tilespmem:s26+$0x13C90] =	vst v30  }
0x213: {  	v36 =	vld [tilespmem:s26+$0xCE30];
	[tilespmem:s26+$0x13CA0] =	vst v31  }
0x214: {  	v37 =	vld [tilespmem:s26+$0xCE80];
	[tilespmem:s26+$0x13CB0] =	vst v32  }
0x215: {  	v38 =	vld [tilespmem:s26+$0xCE90];
	[tilespmem:s26+$0x13D00] =	vst v33  }
0x216: {  	v39 =	vld [tilespmem:s26+$0xCEA0];
	[tilespmem:s26+$0x13D10] =	vst v34  }
0x217: {  	v40 =	vld [tilespmem:s26+$0xCEB0];
	[tilespmem:s26+$0x13D20] =	vst v35  }
0x218: {  	v41 =	vld [tilespmem:s26+$0xCF00];
	[tilespmem:s26+$0x13D30] =	vst v36  }
0x219: {  	v42 =	vld [tilespmem:s26+$0xCF10];
	[tilespmem:s26+$0x13D80] =	vst v37  }
0x21a: {  	v43 =	vld [tilespmem:s26+$0xCF20];
	[tilespmem:s26+$0x13D90] =	vst v38  }
0x21b: {  	v44 =	vld [tilespmem:s26+$0xCF30];
	[tilespmem:s26+$0x13DA0] =	vst v39  }
0x21c: {  	v45 =	vld [tilespmem:s26+$0xCF80];
	[tilespmem:s26+$0x13DB0] =	vst v40  }
0x21d: {  	v46 =	vld [tilespmem:s26+$0xCF90];
	[tilespmem:s26+$0x13E00] =	vst v41  }
0x21e: {  	v47 =	vld [tilespmem:s26+$0xCFA0];
	[tilespmem:s26+$0x13E10] =	vst v42  }
0x21f: {  	v48 =	vld [tilespmem:s26+$0xCFB0];
	[tilespmem:s26+$0x13E20] =	vst v43  }
0x220: {  	v49 =	vld [tilespmem:s26+$0xD000];
	[tilespmem:s26+$0x13E30] =	vst v44  }
0x221: {  	v50 =	vld [tilespmem:s26+$0xD010];
	[tilespmem:s26+$0x13E80] =	vst v45  }
0x222: {  	v51 =	vld [tilespmem:s26+$0xD020];
	[tilespmem:s26+$0x13E90] =	vst v46  }
0x223: {  	v52 =	vld [tilespmem:s26+$0xD030];
	[tilespmem:s26+$0x13EA0] =	vst v47  }
0x224: {  	v53 =	vld [tilespmem:s26+$0xD080];
	[tilespmem:s26+$0x13EB0] =	vst v48  }
0x225: {  	v54 =	vld [tilespmem:s26+$0xD090];
	[tilespmem:s26+$0x13F00] =	vst v49  }
0x226: {  	v55 =	vld [tilespmem:s26+$0xD0A0];
	[tilespmem:s26+$0x13F10] =	vst v50  }
0x227: {  	v56 =	vld [tilespmem:s26+$0xD0B0];
	[tilespmem:s26+$0x13F20] =	vst v51  }
0x228: {  	v57 =	vld [tilespmem:s26+$0xD100];
	[tilespmem:s26+$0x13F30] =	vst v52  }
0x229: {  	v58 =	vld [tilespmem:s26+$0xD110];
	[tilespmem:s26+$0x13F80] =	vst v53  }
0x22a: {  	v59 =	vld [tilespmem:s26+$0xD120];
	[tilespmem:s26+$0x13F90] =	vst v54  }
0x22b: {  	v60 =	vld [tilespmem:s26+$0xD130];
	[tilespmem:s26+$0x13FA0] =	vst v55  }
0x22c: {  	v61 =	vld [tilespmem:s26+$0xD180];
	[tilespmem:s26+$0x13FB0] =	vst v56  }
0x22d: {  	v62 =	vld [tilespmem:s26+$0xD190];
	[tilespmem:s26+$0x14000] =	vst v57  }
0x22e: {  	s23 =	sor.u32 $0x2, s23;
	v63 =	vld [tilespmem:s26+$0xD1A0];
	[tilespmem:s26+$0x14010] =	vst v58  }
0x22f: {  	s31 =	smul.u32 $0x380, s23;
	[tilespmem:s26+$0x14020] =	vst v59  }
0x230: {  	s23 =	smul.u32 $0x1C00, s23;
	[tilespmem:s26+$0x14030] =	vst v60  }
0x231: {  	p0 =	seq.s32 s22, $0x7F;
	[tilespmem:s26+$0x14080] =	vst v61  }
.Ltmp9:
0x232: {  	s23 =	sshrl.u32 s23, $0x3;
	[tilespmem:s26+$0x14090] =	vst v62;
	(pc) =	sbr.rel @p0 .LBB2_16-.Ltmp9, $4  }
0x233: {  	s24 =	sadd.s32 s4, s31;
	s23 =	sadd.s32 s4, s23;
	[tilespmem:s26+$0x140A0] =	vst v63  }
0x234: {  	[hbm4b:s24+s2] =	stream.linear.scatter [tilespmem:s18], [sflag:$0x4], $0x1900, $0x38;
	[tilespmem:$0x15800] =	vst v63  }
0x235: {  	s23 =	sadd.s32 $0x380, s23  }
0x236: {  	[hbm4b:s23+s2] =	stream.linear.scatter [tilespmem:s19], [sflag:$0x4], $0x1900, $0x38;
	[tilespmem:$0x15800] =	vst v63  }
.Ltmp10:
0x237: {  	(pc) =	sbr.rel .LBB2_2-.Ltmp10, $4  }
0x238: {  	s23 =	sshll.u32 s22, $0x8  }
0x239: {  	s23 =	sand.u32 $0x3FFFFF00, s23  }
0x23a: {  	s22 =	sadd.s32 $0x1, s22;
	s23 =	sadd.s32 $0x180, s23  }
0x23b: {  	[tilespmem:s12], [sflag:$0x2] =	stream.indirect.gather [hbm4b:s3+s9], $0x80, s23, s9, $0xb8;
	[tilespmem:$0x15800] =	vst v63  }
.LBB2_17:
0x23c: {  	_ =	sfence.sel $0x180000  }
0x23d: {  	[bflag:$0x0] =	sbarrier.arrive $0xFFFF  }
0x23e: {  	p0 =	sne.s32 s0, $0x0;
	_ =	strace $0x90000047  }
0x23f: {  	s0 =	sadd.s32 @!p0 $0x100000, s1;
	[bflag:$0x2] =	sbarrier.arrive $0xFFFF  }
0x240: {  	[sflag:s0] =	ssyncadd.tile.s32 @!p0 $0x1;
	_ =	shalt  }
.Lfunc_end2:
_tile_overlayer_lowered:
.L_overlay_start_2:
0x241: {  	(tag) =	ssettag $0x2  }
0x242: {  	s0 =	rddreg [dreg:$0x0];
	s2 =	stileid.u32  }
0x243: {  	s1 =	rddreg [dreg:$0x1];
	p0 =	sne.s32 s2, $0x0  }
0x244: {  	s3 =	rddreg [dreg:$0x2];
	[bflag:$0x3] =	sbarrier.arrive $0xFFFF;
	s2 =	simm.s32 @!p0 $0x1C05  }
0x245: {  	[timem:s3], [sflag:s2] =	dma.local @!p0 [hbm:s0], s1  }
0x246: {  	s0 =	simm.s32 @!p0 $0x5  }
0x247: {  	_ =	swait.ge @!p0 [sflag:s0], s1  }
0x248: {  	s1 =	ssub.s32 @!p0 $0x0, s1;
	[sflag:s0] =	ssyncset.done @!p0 $0x0  }
0x249: {  	[sflag:s0] =	ssyncadd.s32 @!p0 s1  }
0x24a: {  	[bflag:$0x3] =	sbarrier.arrive $0xFFFF  }
0x24b: {  	_ =	shalt  }

</sc_bundles>
